<compile_context>
chip_gen: v7x
topology: tpu7x:2x2x1
jax: 0.10.2.dev20260603
libtpu: 0.0.44.dev20260713+nightly
codegen_flags: <defaults>
</compile_context>

<pallas_src>
import functools

import jax
import jax.numpy as jnp
from jax import lax
from jax.experimental import pallas as pl
from jax.experimental.pallas import tpu as pltpu
from jax.experimental.pallas import tpu_sc as plsc

N_ROWS = 16384
N_COLS = 1024
NC = 2
NS = 16
NW = NC * NS
ROWS_PER_W = N_ROWS // NW
CHUNK = 16
N_CHUNKS = ROWS_PER_W // CHUNK
LANES = 16

_mesh = plsc.VectorSubcoreMesh(core_axis_name="c", subcore_axis_name="s")


@functools.partial(
    pl.kernel,
    mesh=_mesh,
    out_type=jax.ShapeDtypeStruct((N_ROWS, N_COLS), jnp.float32),
    scratch_types=[
        pltpu.VMEM((CHUNK, N_COLS), jnp.float32),
        pltpu.VMEM((CHUNK, N_COLS), jnp.float32),
        pltpu.VMEM((CHUNK, N_COLS), jnp.float32),
        pltpu.VMEM((CHUNK, N_COLS), jnp.float32),
        pltpu.VMEM((N_COLS,), jnp.float32),
        pltpu.VMEM((N_COLS,), jnp.float32),
        pltpu.SemaphoreType.DMA,
        pltpu.SemaphoreType.DMA,
        pltpu.SemaphoreType.DMA,
        pltpu.SemaphoreType.DMA,
    ],
)
def _sc_fma(x_hbm, mu_hbm, sigma_hbm, out_hbm,
            in0, in1, ot0, ot1, mu_v, sig_v,
            isem0, isem1, osem0, osem1):
    ins = (in0, in1)
    ots = (ot0, ot1)
    isems = (isem0, isem1)
    osems = (osem0, osem1)
    wid = lax.axis_index("s") * NC + lax.axis_index("c")
    base = wid * ROWS_PER_W
    pltpu.sync_copy(mu_hbm, mu_v)
    pltpu.sync_copy(sigma_hbm, sig_v)

    for b in range(2):
        pltpu.async_copy(x_hbm.at[pl.ds(base + b * CHUNK, CHUNK)],
                         ins[b], isems[b])

    def step(i, carry):
        g = i * 2
        for b in range(2):
            k = g + b
            row0 = base + k * CHUNK
            pltpu.make_async_copy(x_hbm.at[pl.ds(row0, CHUNK)],
                                  ins[b], isems[b]).wait()

            @pl.when(i >= 1)
            def _():
                pltpu.make_async_copy(
                    ots[b], out_hbm.at[pl.ds(row0 - 2 * CHUNK, CHUNK)],
                    osems[b]).wait()

            @plsc.parallel_loop(0, N_COLS // LANES, unroll=4)
            def _(c):
                m = mu_v[pl.ds(c * LANES, LANES)]
                s = sig_v[pl.ds(c * LANES, LANES)]
                for r in range(CHUNK):
                    ots[b][r, pl.ds(c * LANES, LANES)] = (
                        m + ins[b][r, pl.ds(c * LANES, LANES)] * s
                    )

            pltpu.async_copy(ots[b], out_hbm.at[pl.ds(row0, CHUNK)],
                             osems[b])

            @pl.when(i <= N_CHUNKS // 2 - 2)
            def _():
                pltpu.async_copy(x_hbm.at[pl.ds(row0 + 2 * CHUNK, CHUNK)],
                                 ins[b], isems[b])
        return carry

    lax.fori_loop(0, N_CHUNKS // 2, step, 0)

    for b in range(2):
        row0 = base + (N_CHUNKS - 2 + b) * CHUNK
        pltpu.make_async_copy(ots[b], out_hbm.at[pl.ds(row0, CHUNK)],
                              osems[b]).wait()


def kernel(x, mu, sigma):
    return _sc_fma(x, mu, sigma)

# --- scband reference (transcript-rebuilt; emitter-appended) ---
"""Pipeline reference for scband-cause-sampler-60404420051676 (READ-ONLY COPY).

The authoritative reference and input builder live on the scoring server;
editing this copy changes nothing except your own understanding.
"""

import jax, jax.numpy as jnp
import numpy as np

N_SAMPLES = 16384
N_CAUSES = 1024

def setup_inputs(seed: int = 0) -> dict:
    key = jax.random.key(seed)
    k1, k2, k3 = jax.random.split(key, 3)
    # base standard-normal noise (the torch.randn(*shape) inside _normal)
    x = jax.random.normal(k1, (N_SAMPLES, N_CAUSES), dtype=jnp.float32)
    # learned/fixed params from __init__ (fixed=False branch):
    # mu = randn(n_causes); sigma = |randn(n_causes) * mu|
    mu = jax.random.normal(k2, (N_CAUSES,), dtype=jnp.float32)
    sigma = jnp.abs(jax.random.normal(k3, (N_CAUSES,), dtype=jnp.float32) * mu)
    return {"x": x, "mu": mu, "sigma": sigma}

def reference(x, mu, sigma):
    # CauseSampler._normal with fixed=False:
    # x ~ N(0,1); out = mu.unsqueeze(0) + x * sigma.unsqueeze(0)
    out = mu[None, :] + x * sigma[None, :]
    return out

if __name__ == "__main__":
    import jax
    _d = setup_inputs()
    print(jax.jit(kernel)(*tuple(_d.values())))

</pallas_src>

<mosaic_0001>
#map = affine_map<(d0, d1) -> (0, 0)>
#map1 = affine_map<(d0, d1) -> (0)>
module attributes {stable_mosaic.version = 14 : i64} {
  func.func @_sc_fma(%arg0: i32, %arg1: i32, %arg2: memref<16384x1024xf32, #tpu.memory_space<hbm>>, %arg3: memref<1024xf32, #tpu.memory_space<hbm>>, %arg4: memref<1024xf32, #tpu.memory_space<hbm>>, %arg5: memref<16384x1024xf32, #tpu.memory_space<hbm>>, %arg6: memref<16x1024xf32, #tpu.memory_space<vmem>>, %arg7: memref<16x1024xf32, #tpu.memory_space<vmem>>, %arg8: memref<16x1024xf32, #tpu.memory_space<vmem>>, %arg9: memref<16x1024xf32, #tpu.memory_space<vmem>>, %arg10: memref<1024xf32, #tpu.memory_space<vmem>>, %arg11: memref<1024xf32, #tpu.memory_space<vmem>>, %arg12: memref<!tpu.dma_semaphore, #tpu.memory_space<semaphore_mem>>, %arg13: memref<!tpu.dma_semaphore, #tpu.memory_space<semaphore_mem>>, %arg14: memref<!tpu.dma_semaphore, #tpu.memory_space<semaphore_mem>>, %arg15: memref<!tpu.dma_semaphore, #tpu.memory_space<semaphore_mem>>) attributes {dimension_semantics = [#tpu.dimension_semantics<core_parallel>, #tpu.dimension_semantics<subcore_parallel>], iteration_bounds = array<i64: 2, 16>, scalar_prefetch = 0 : i64, scratch_operands = 10 : i64, tpu.core_type = #tpu.core_type<sc_vector_subcore>, window_params = [{transform_indices = #map}, {transform_indices = #map1}, {transform_indices = #map1}, {transform_indices = #map}]} {
    %mul3A = arith.constant 2 : i32
    %mul3A_0 = arith.muli %arg1, %mul3A : i32
    %add3A = arith.addi %mul3A_0, %arg0 : i32
    %mul3A_1 = arith.constant 512 : i32
    %mul3A_2 = arith.muli %add3A, %mul3A_1 : i32
    "tpu.region"() ({
      %run_scoped3A = tpu.sem_alloc : memref<!tpu.dma_semaphore, #tpu.memory_space<semaphore_mem>>
      tpu.enqueue_dma source(%arg3 : memref<1024xf32, #tpu.memory_space<hbm>>) target(%arg10 : memref<1024xf32, #tpu.memory_space<vmem>>) target_semaphore(%run_scoped3A : memref<!tpu.dma_semaphore, #tpu.memory_space<semaphore_mem>>)
      tpu.wait_dma2 semaphore(%run_scoped3A : memref<!tpu.dma_semaphore, #tpu.memory_space<semaphore_mem>>) src(%arg3 : memref<1024xf32, #tpu.memory_space<hbm>>) dst(%arg10 : memref<1024xf32, #tpu.memory_space<vmem>>)
      tpu.yield
    }) : () -> ()
    "tpu.region"() ({
      %run_scoped3A = tpu.sem_alloc : memref<!tpu.dma_semaphore, #tpu.memory_space<semaphore_mem>>
      tpu.enqueue_dma source(%arg4 : memref<1024xf32, #tpu.memory_space<hbm>>) target(%arg11 : memref<1024xf32, #tpu.memory_space<vmem>>) target_semaphore(%run_scoped3A : memref<!tpu.dma_semaphore, #tpu.memory_space<semaphore_mem>>)
      tpu.wait_dma2 semaphore(%run_scoped3A : memref<!tpu.dma_semaphore, #tpu.memory_space<semaphore_mem>>) src(%arg4 : memref<1024xf32, #tpu.memory_space<hbm>>) dst(%arg11 : memref<1024xf32, #tpu.memory_space<vmem>>)
      tpu.yield
    }) : () -> ()
    %add3A_3 = arith.constant 0 : i32
    %add3A_4 = arith.addi %mul3A_2, %add3A_3 : i32
    %dma_start3A = arith.constant 0 : i32
    %dma_start3A_5 = tpu.memref_slice %arg2[%add3A_4, %dma_start3A] : memref<16384x1024xf32, #tpu.memory_space<hbm>> -> memref<16x1024xf32, #tpu.memory_space<hbm>>
    %dma_start3A_6 = arith.constant 0 : i32
    %dma_start3A_7 = tpu.memref_slice %arg2[%add3A_4, %dma_start3A_6] : memref<16384x1024xf32, #tpu.memory_space<hbm>> -> memref<16x1024xf32, #tpu.memory_space<hbm>>
    tpu.enqueue_dma source(%dma_start3A_7 : memref<16x1024xf32, #tpu.memory_space<hbm>>) target(%arg6 : memref<16x1024xf32, #tpu.memory_space<vmem>>) target_semaphore(%arg12 : memref<!tpu.dma_semaphore, #tpu.memory_space<semaphore_mem>>)
    %add3A_8 = arith.constant 16 : i32
    %add3A_9 = arith.addi %mul3A_2, %add3A_8 : i32
    %dma_start3A_10 = arith.constant 0 : i32
    %dma_start3A_11 = tpu.memref_slice %arg2[%add3A_9, %dma_start3A_10] : memref<16384x1024xf32, #tpu.memory_space<hbm>> -> memref<16x1024xf32, #tpu.memory_space<hbm>>
    %dma_start3A_12 = arith.constant 0 : i32
    %dma_start3A_13 = tpu.memref_slice %arg2[%add3A_9, %dma_start3A_12] : memref<16384x1024xf32, #tpu.memory_space<hbm>> -> memref<16x1024xf32, #tpu.memory_space<hbm>>
    tpu.enqueue_dma source(%dma_start3A_13 : memref<16x1024xf32, #tpu.memory_space<hbm>>) target(%arg7 : memref<16x1024xf32, #tpu.memory_space<vmem>>) target_semaphore(%arg13 : memref<!tpu.dma_semaphore, #tpu.memory_space<semaphore_mem>>)
    %scan3A = arith.constant 0 : i32
    %scan3A_14 = arith.constant 0 : i32
    %scan3A_15 = arith.constant 16 : i32
    %scan3A_16 = arith.addi %scan3A_14, %scan3A_15 : i32
    %scan3A_17 = arith.constant 1 : i32
    scf.for %scan3A_30 = %scan3A_14 to %scan3A_16 step %scan3A_17  : i32 {
      %mul3A_31 = arith.constant 2 : i32
      %mul3A_32 = arith.muli %scan3A_30, %mul3A_31 : i32
      %add3A_33 = arith.constant 0 : i32
      %add3A_34 = arith.addi %mul3A_32, %add3A_33 : i32
      %mul3A_35 = arith.constant 16 : i32
      %mul3A_36 = arith.muli %add3A_34, %mul3A_35 : i32
      %add3A_37 = arith.addi %mul3A_2, %mul3A_36 : i32
      %dma_wait3A_38 = arith.constant 0 : i32
      %dma_wait3A_39 = tpu.memref_slice %arg2[%add3A_37, %dma_wait3A_38] : memref<16384x1024xf32, #tpu.memory_space<hbm>> -> memref<16x1024xf32, #tpu.memory_space<hbm>>
      %dma_wait3A_40 = arith.constant 0 : i32
      %dma_wait3A_41 = tpu.memref_slice %arg2[%add3A_37, %dma_wait3A_40] : memref<16384x1024xf32, #tpu.memory_space<hbm>> -> memref<16x1024xf32, #tpu.memory_space<hbm>>
      tpu.wait_dma2 semaphore(%arg12 : memref<!tpu.dma_semaphore, #tpu.memory_space<semaphore_mem>>) src(%dma_wait3A_41 : memref<16x1024xf32, #tpu.memory_space<hbm>>) dst(%arg6 : memref<16x1024xf32, #tpu.memory_space<vmem>>)
      %ge3A = arith.constant 1 : i32
      %ge3A_42 = arith.cmpi sge, %scan3A_30, %ge3A : i32
      %convert_element_type3A = arith.extui %ge3A_42 : i1 to i32
      %cond3A = arith.constant 0 : i32
      %cond3A_43 = arith.cmpi ne, %convert_element_type3A, %cond3A : i32
      scf.if %cond3A_43 {
        %sub3A = arith.constant 32 : i32
        %sub3A_80 = arith.subi %add3A_37, %sub3A : i32
        %dma_wait3A_81 = arith.constant 0 : i32
        %dma_wait3A_82 = tpu.memref_slice %arg5[%sub3A_80, %dma_wait3A_81] : memref<16384x1024xf32, #tpu.memory_space<hbm>> -> memref<16x1024xf32, #tpu.memory_space<hbm>>
        %dma_wait3A_83 = arith.constant 0 : i32
        %dma_wait3A_84 = tpu.memref_slice %arg5[%sub3A_80, %dma_wait3A_83] : memref<16384x1024xf32, #tpu.memory_space<hbm>> -> memref<16x1024xf32, #tpu.memory_space<hbm>>
        tpu.wait_dma2 semaphore(%arg14 : memref<!tpu.dma_semaphore, #tpu.memory_space<semaphore_mem>>) src(%arg8 : memref<16x1024xf32, #tpu.memory_space<vmem>>) dst(%dma_wait3A_84 : memref<16x1024xf32, #tpu.memory_space<hbm>>)
      } else {
      }
      %parallel_loop3A = arith.constant 0 : i32
      %parallel_loop3A_44 = arith.constant 64 : i32
      %parallel_loop3A_45 = arith.constant 1 : i32
      scf.for %parallel_loop3A_80 = %parallel_loop3A to %parallel_loop3A_44 step %parallel_loop3A_45  : i32 {
        %parallel_loop3A_81 = arith.constant 16 : i32
        %parallel_loop3A_82 = arith.muli %parallel_loop3A_80, %parallel_loop3A_81 : i32
        %parallel_loop3A_83 = arith.index_cast %parallel_loop3A_82 : i32 to index
        %parallel_loop3A_84 = tpu.vector_load %arg10[%parallel_loop3A_83] {strides = array<i32>} : memref<1024xf32, #tpu.memory_space<vmem>>, vector<16xf32>,
        %parallel_loop3A_85 = vector.shape_cast %parallel_loop3A_84 : vector<16xf32> to vector<16xf32>
        %parallel_loop3A_86 = arith.constant 16 : i32
        %parallel_loop3A_87 = arith.muli %parallel_loop3A_80, %parallel_loop3A_86 : i32
        %parallel_loop3A_88 = arith.index_cast %parallel_loop3A_87 : i32 to index
        %parallel_loop3A_89 = tpu.vector_load %arg11[%parallel_loop3A_88] {strides = array<i32>} : memref<1024xf32, #tpu.memory_space<vmem>>, vector<16xf32>,
        %parallel_loop3A_90 = vector.shape_cast %parallel_loop3A_89 : vector<16xf32> to vector<16xf32>
        %parallel_loop3A_91 = arith.constant 16 : i32
        %parallel_loop3A_92 = arith.muli %parallel_loop3A_80, %parallel_loop3A_91 : i32
        %parallel_loop3A_93 = arith.constant 0 : i32
        %parallel_loop3A_94 = arith.index_cast %parallel_loop3A_93 : i32 to index
        %parallel_loop3A_95 = arith.index_cast %parallel_loop3A_92 : i32 to index
        %parallel_loop3A_96 = tpu.vector_load %arg6[%parallel_loop3A_94, %parallel_loop3A_95] {strides = array<i32>} : memref<16x1024xf32, #tpu.memory_space<vmem>>, vector<1x16xf32>,
        %parallel_loop3A_97 = vector.shape_cast %parallel_loop3A_96 : vector<1x16xf32> to vector<16xf32>
        %parallel_loop3A_98 = arith.mulf %parallel_loop3A_97, %parallel_loop3A_90 : vector<16xf32>
        %parallel_loop3A_99 = arith.addf %parallel_loop3A_85, %parallel_loop3A_98 : vector<16xf32>
        %parallel_loop3A_100 = arith.constant 16 : i32
        %parallel_loop3A_101 = arith.muli %parallel_loop3A_80, %parallel_loop3A_100 : i32
        %parallel_loop3A_102 = arith.constant 0 : i32
        %parallel_loop3A_103 = arith.index_cast %parallel_loop3A_102 : i32 to index
        %parallel_loop3A_104 = arith.index_cast %parallel_loop3A_101 : i32 to index
        %parallel_loop3A_105 = tpu.vector_load %arg8[%parallel_loop3A_103, %parallel_loop3A_104] {strides = array<i32>} : memref<16x1024xf32, #tpu.memory_space<vmem>>, vector<1x16xf32>,
        %parallel_loop3A_106 = vector.shape_cast %parallel_loop3A_105 : vector<1x16xf32> to vector<16xf32>
        %parallel_loop3A_107 = vector.shape_cast %parallel_loop3A_99 : vector<16xf32> to vector<1x16xf32>
        tpu.vector_store %arg8[%parallel_loop3A_103, %parallel_loop3A_104], %parallel_loop3A_107 {strides = array<i32>} : memref<16x1024xf32, #tpu.memory_space<vmem>>, vector<1x16xf32>,
        %parallel_loop3A_108 = arith.constant 16 : i32
        %parallel_loop3A_109 = arith.muli %parallel_loop3A_80, %parallel_loop3A_108 : i32
        %parallel_loop3A_110 = arith.constant 1 : i32
        %parallel_loop3A_111 = arith.index_cast %parallel_loop3A_110 : i32 to index
        %parallel_loop3A_112 = arith.index_cast %parallel_loop3A_109 : i32 to index
        %parallel_loop3A_113 = tpu.vector_load %arg6[%parallel_loop3A_111, %parallel_loop3A_112] {strides = array<i32>} : memref<16x1024xf32, #tpu.memory_space<vmem>>, vector<1x16xf32>,
        %parallel_loop3A_114 = vector.shape_cast %parallel_loop3A_113 : vector<1x16xf32> to vector<16xf32>
        %parallel_loop3A_115 = arith.mulf %parallel_loop3A_114, %parallel_loop3A_90 : vector<16xf32>
        %parallel_loop3A_116 = arith.addf %parallel_loop3A_85, %parallel_loop3A_115 : vector<16xf32>
        %parallel_loop3A_117 = arith.constant 16 : i32
        %parallel_loop3A_118 = arith.muli %parallel_loop3A_80, %parallel_loop3A_117 : i32
        %parallel_loop3A_119 = arith.constant 1 : i32
        %parallel_loop3A_120 = arith.index_cast %parallel_loop3A_119 : i32 to index
        %parallel_loop3A_121 = arith.index_cast %parallel_loop3A_118 : i32 to index
        %parallel_loop3A_122 = tpu.vector_load %arg8[%parallel_loop3A_120, %parallel_loop3A_121] {strides = array<i32>} : memref<16x1024xf32, #tpu.memory_space<vmem>>, vector<1x16xf32>,
        %parallel_loop3A_123 = vector.shape_cast %parallel_loop3A_122 : vector<1x16xf32> to vector<16xf32>
        %parallel_loop3A_124 = vector.shape_cast %parallel_loop3A_116 : vector<16xf32> to vector<1x16xf32>
        tpu.vector_store %arg8[%parallel_loop3A_120, %parallel_loop3A_121], %parallel_loop3A_124 {strides = array<i32>} : memref<16x1024xf32, #tpu.memory_space<vmem>>, vector<1x16xf32>,
        %parallel_loop3A_125 = arith.constant 16 : i32
        %parallel_loop3A_126 = arith.muli %parallel_loop3A_80, %parallel_loop3A_125 : i32
        %parallel_loop3A_127 = arith.constant 2 : i32
        %parallel_loop3A_128 = arith.index_cast %parallel_loop3A_127 : i32 to index
        %parallel_loop3A_129 = arith.index_cast %parallel_loop3A_126 : i32 to index
        %parallel_loop3A_130 = tpu.vector_load %arg6[%parallel_loop3A_128, %parallel_loop3A_129] {strides = array<i32>} : memref<16x1024xf32, #tpu.memory_space<vmem>>, vector<1x16xf32>,
        %parallel_loop3A_131 = vector.shape_cast %parallel_loop3A_130 : vector<1x16xf32> to vector<16xf32>
        %parallel_loop3A_132 = arith.mulf %parallel_loop3A_131, %parallel_loop3A_90 : vector<16xf32>
        %parallel_loop3A_133 = arith.addf %parallel_loop3A_85, %parallel_loop3A_132 : vector<16xf32>
        %parallel_loop3A_134 = arith.constant 16 : i32
        %parallel_loop3A_135 = arith.muli %parallel_loop3A_80, %parallel_loop3A_134 : i32
        %parallel_loop3A_136 = arith.constant 2 : i32
        %parallel_loop3A_137 = arith.index_cast %parallel_loop3A_136 : i32 to index
        %parallel_loop3A_138 = arith.index_cast %parallel_loop3A_135 : i32 to index
        %parallel_loop3A_139 = tpu.vector_load %arg8[%parallel_loop3A_137, %parallel_loop3A_138] {strides = array<i32>} : memref<16x1024xf32, #tpu.memory_space<vmem>>, vector<1x16xf32>,
        %parallel_loop3A_140 = vector.shape_cast %parallel_loop3A_139 : vector<1x16xf32> to vector<16xf32>
        %parallel_loop3A_141 = vector.shape_cast %parallel_loop3A_133 : vector<16xf32> to vector<1x16xf32>
        tpu.vector_store %arg8[%parallel_loop3A_137, %parallel_loop3A_138], %parallel_loop3A_141 {strides = array<i32>} : memref<16x1024xf32, #tpu.memory_space<vmem>>, vector<1x16xf32>,
        %parallel_loop3A_142 = arith.constant 16 : i32
        %parallel_loop3A_143 = arith.muli %parallel_loop3A_80, %parallel_loop3A_142 : i32
        %parallel_loop3A_144 = arith.constant 3 : i32
        %parallel_loop3A_145 = arith.index_cast %parallel_loop3A_144 : i32 to index
        %parallel_loop3A_146 = arith.index_cast %parallel_loop3A_143 : i32 to index
        %parallel_loop3A_147 = tpu.vector_load %arg6[%parallel_loop3A_145, %parallel_loop3A_146] {strides = array<i32>} : memref<16x1024xf32, #tpu.memory_space<vmem>>, vector<1x16xf32>,
        %parallel_loop3A_148 = vector.shape_cast %parallel_loop3A_147 : vector<1x16xf32> to vector<16xf32>
        %parallel_loop3A_149 = arith.mulf %parallel_loop3A_148, %parallel_loop3A_90 : vector<16xf32>
        %parallel_loop3A_150 = arith.addf %parallel_loop3A_85, %parallel_loop3A_149 : vector<16xf32>
        %parallel_loop3A_151 = arith.constant 16 : i32
        %parallel_loop3A_152 = arith.muli %parallel_loop3A_80, %parallel_loop3A_151 : i32
        %parallel_loop3A_153 = arith.constant 3 : i32
        %parallel_loop3A_154 = arith.index_cast %parallel_loop3A_153 : i32 to index
        %parallel_loop3A_155 = arith.index_cast %parallel_loop3A_152 : i32 to index
        %parallel_loop3A_156 = tpu.vector_load %arg8[%parallel_loop3A_154, %parallel_loop3A_155] {strides = array<i32>} : memref<16x1024xf32, #tpu.memory_space<vmem>>, vector<1x16xf32>,
        %parallel_loop3A_157 = vector.shape_cast %parallel_loop3A_156 : vector<1x16xf32> to vector<16xf32>
        %parallel_loop3A_158 = vector.shape_cast %parallel_loop3A_150 : vector<16xf32> to vector<1x16xf32>
        tpu.vector_store %arg8[%parallel_loop3A_154, %parallel_loop3A_155], %parallel_loop3A_158 {strides = array<i32>} : memref<16x1024xf32, #tpu.memory_space<vmem>>, vector<1x16xf32>,
        %parallel_loop3A_159 = arith.constant 16 : i32
        %parallel_loop3A_160 = arith.muli %parallel_loop3A_80, %parallel_loop3A_159 : i32
        %parallel_loop3A_161 = arith.constant 4 : i32
        %parallel_loop3A_162 = arith.index_cast %parallel_loop3A_161 : i32 to index
        %parallel_loop3A_163 = arith.index_cast %parallel_loop3A_160 : i32 to index
        %parallel_loop3A_164 = tpu.vector_load %arg6[%parallel_loop3A_162, %parallel_loop3A_163] {strides = array<i32>} : memref<16x1024xf32, #tpu.memory_space<vmem>>, vector<1x16xf32>,
        %parallel_loop3A_165 = vector.shape_cast %parallel_loop3A_164 : vector<1x16xf32> to vector<16xf32>
        %parallel_loop3A_166 = arith.mulf %parallel_loop3A_165, %parallel_loop3A_90 : vector<16xf32>
        %parallel_loop3A_167 = arith.addf %parallel_loop3A_85, %parallel_loop3A_166 : vector<16xf32>
        %parallel_loop3A_168 = arith.constant 16 : i32
        %parallel_loop3A_169 = arith.muli %parallel_loop3A_80, %parallel_loop3A_168 : i32
        %parallel_loop3A_170 = arith.constant 4 : i32
        %parallel_loop3A_171 = arith.index_cast %parallel_loop3A_170 : i32 to index
        %parallel_loop3A_172 = arith.index_cast %parallel_loop3A_169 : i32 to index
        %parallel_loop3A_173 = tpu.vector_load %arg8[%parallel_loop3A_171, %parallel_loop3A_172] {strides = array<i32>} : memref<16x1024xf32, #tpu.memory_space<vmem>>, vector<1x16xf32>,
        %parallel_loop3A_174 = vector.shape_cast %parallel_loop3A_173 : vector<1x16xf32> to vector<16xf32>
        %parallel_loop3A_175 = vector.shape_cast %parallel_loop3A_167 : vector<16xf32> to vector<1x16xf32>
        tpu.vector_store %arg8[%parallel_loop3A_171, %parallel_loop3A_172], %parallel_loop3A_175 {strides = array<i32>} : memref<16x1024xf32, #tpu.memory_space<vmem>>, vector<1x16xf32>,
        %parallel_loop3A_176 = arith.constant 16 : i32
        %parallel_loop3A_177 = arith.muli %parallel_loop3A_80, %parallel_loop3A_176 : i32
        %parallel_loop3A_178 = arith.constant 5 : i32
        %parallel_loop3A_179 = arith.index_cast %parallel_loop3A_178 : i32 to index
        %parallel_loop3A_180 = arith.index_cast %parallel_loop3A_177 : i32 to index
        %parallel_loop3A_181 = tpu.vector_load %arg6[%parallel_loop3A_179, %parallel_loop3A_180] {strides = array<i32>} : memref<16x1024xf32, #tpu.memory_space<vmem>>, vector<1x16xf32>,
        %parallel_loop3A_182 = vector.shape_cast %parallel_loop3A_181 : vector<1x16xf32> to vector<16xf32>
        %parallel_loop3A_183 = arith.mulf %parallel_loop3A_182, %parallel_loop3A_90 : vector<16xf32>
        %parallel_loop3A_184 = arith.addf %parallel_loop3A_85, %parallel_loop3A_183 : vector<16xf32>
        %parallel_loop3A_185 = arith.constant 16 : i32
        %parallel_loop3A_186 = arith.muli %parallel_loop3A_80, %parallel_loop3A_185 : i32
        %parallel_loop3A_187 = arith.constant 5 : i32
        %parallel_loop3A_188 = arith.index_cast %parallel_loop3A_187 : i32 to index
        %parallel_loop3A_189 = arith.index_cast %parallel_loop3A_186 : i32 to index
        %parallel_loop3A_190 = tpu.vector_load %arg8[%parallel_loop3A_188, %parallel_loop3A_189] {strides = array<i32>} : memref<16x1024xf32, #tpu.memory_space<vmem>>, vector<1x16xf32>,
        %parallel_loop3A_191 = vector.shape_cast %parallel_loop3A_190 : vector<1x16xf32> to vector<16xf32>
        %parallel_loop3A_192 = vector.shape_cast %parallel_loop3A_184 : vector<16xf32> to vector<1x16xf32>
        tpu.vector_store %arg8[%parallel_loop3A_188, %parallel_loop3A_189], %parallel_loop3A_192 {strides = array<i32>} : memref<16x1024xf32, #tpu.memory_space<vmem>>, vector<1x16xf32>,
        %parallel_loop3A_193 = arith.constant 16 : i32
        %parallel_loop3A_194 = arith.muli %parallel_loop3A_80, %parallel_loop3A_193 : i32
        %parallel_loop3A_195 = arith.constant 6 : i32
        %parallel_loop3A_196 = arith.index_cast %parallel_loop3A_195 : i32 to index
        %parallel_loop3A_197 = arith.index_cast %parallel_loop3A_194 : i32 to index
        %parallel_loop3A_198 = tpu.vector_load %arg6[%parallel_loop3A_196, %parallel_loop3A_197] {strides = array<i32>} : memref<16x1024xf32, #tpu.memory_space<vmem>>, vector<1x16xf32>,
        %parallel_loop3A_199 = vector.shape_cast %parallel_loop3A_198 : vector<1x16xf32> to vector<16xf32>
        %parallel_loop3A_200 = arith.mulf %parallel_loop3A_199, %parallel_loop3A_90 : vector<16xf32>
        %parallel_loop3A_201 = arith.addf %parallel_loop3A_85, %parallel_loop3A_200 : vector<16xf32>
        %parallel_loop3A_202 = arith.constant 16 : i32
        %parallel_loop3A_203 = arith.muli %parallel_loop3A_80, %parallel_loop3A_202 : i32
        %parallel_loop3A_204 = arith.constant 6 : i32
        %parallel_loop3A_205 = arith.index_cast %parallel_loop3A_204 : i32 to index
        %parallel_loop3A_206 = arith.index_cast %parallel_loop3A_203 : i32 to index
        %parallel_loop3A_207 = tpu.vector_load %arg8[%parallel_loop3A_205, %parallel_loop3A_206] {strides = array<i32>} : memref<16x1024xf32, #tpu.memory_space<vmem>>, vector<1x16xf32>,
        %parallel_loop3A_208 = vector.shape_cast %parallel_loop3A_207 : vector<1x16xf32> to vector<16xf32>
        %parallel_loop3A_209 = vector.shape_cast %parallel_loop3A_201 : vector<16xf32> to vector<1x16xf32>
        tpu.vector_store %arg8[%parallel_loop3A_205, %parallel_loop3A_206], %parallel_loop3A_209 {strides = array<i32>} : memref<16x1024xf32, #tpu.memory_space<vmem>>, vector<1x16xf32>,
        %parallel_loop3A_210 = arith.constant 16 : i32
        %parallel_loop3A_211 = arith.muli %parallel_loop3A_80, %parallel_loop3A_210 : i32
        %parallel_loop3A_212 = arith.constant 7 : i32
        %parallel_loop3A_213 = arith.index_cast %parallel_loop3A_212 : i32 to index
        %parallel_loop3A_214 = arith.index_cast %parallel_loop3A_211 : i32 to index
        %parallel_loop3A_215 = tpu.vector_load %arg6[%parallel_loop3A_213, %parallel_loop3A_214] {strides = array<i32>} : memref<16x1024xf32, #tpu.memory_space<vmem>>, vector<1x16xf32>,
        %parallel_loop3A_216 = vector.shape_cast %parallel_loop3A_215 : vector<1x16xf32> to vector<16xf32>
        %parallel_loop3A_217 = arith.mulf %parallel_loop3A_216, %parallel_loop3A_90 : vector<16xf32>
        %parallel_loop3A_218 = arith.addf %parallel_loop3A_85, %parallel_loop3A_217 : vector<16xf32>
        %parallel_loop3A_219 = arith.constant 16 : i32
        %parallel_loop3A_220 = arith.muli %parallel_loop3A_80, %parallel_loop3A_219 : i32
        %parallel_loop3A_221 = arith.constant 7 : i32
        %parallel_loop3A_222 = arith.index_cast %parallel_loop3A_221 : i32 to index
        %parallel_loop3A_223 = arith.index_cast %parallel_loop3A_220 : i32 to index
        %parallel_loop3A_224 = tpu.vector_load %arg8[%parallel_loop3A_222, %parallel_loop3A_223] {strides = array<i32>} : memref<16x1024xf32, #tpu.memory_space<vmem>>, vector<1x16xf32>,
        %parallel_loop3A_225 = vector.shape_cast %parallel_loop3A_224 : vector<1x16xf32> to vector<16xf32>
        %parallel_loop3A_226 = vector.shape_cast %parallel_loop3A_218 : vector<16xf32> to vector<1x16xf32>
        tpu.vector_store %arg8[%parallel_loop3A_222, %parallel_loop3A_223], %parallel_loop3A_226 {strides = array<i32>} : memref<16x1024xf32, #tpu.memory_space<vmem>>, vector<1x16xf32>,
        %parallel_loop3A_227 = arith.constant 16 : i32
        %parallel_loop3A_228 = arith.muli %parallel_loop3A_80, %parallel_loop3A_227 : i32
        %parallel_loop3A_229 = arith.constant 8 : i32
        %parallel_loop3A_230 = arith.index_cast %parallel_loop3A_229 : i32 to index
        %parallel_loop3A_231 = arith.index_cast %parallel_loop3A_228 : i32 to index
        %parallel_loop3A_232 = tpu.vector_load %arg6[%parallel_loop3A_230, %parallel_loop3A_231] {strides = array<i32>} : memref<16x1024xf32, #tpu.memory_space<vmem>>, vector<1x16xf32>,
        %parallel_loop3A_233 = vector.shape_cast %parallel_loop3A_232 : vector<1x16xf32> to vector<16xf32>
        %parallel_loop3A_234 = arith.mulf %parallel_loop3A_233, %parallel_loop3A_90 : vector<16xf32>
        %parallel_loop3A_235 = arith.addf %parallel_loop3A_85, %parallel_loop3A_234 : vector<16xf32>
        %parallel_loop3A_236 = arith.constant 16 : i32
        %parallel_loop3A_237 = arith.muli %parallel_loop3A_80, %parallel_loop3A_236 : i32
        %parallel_loop3A_238 = arith.constant 8 : i32
        %parallel_loop3A_239 = arith.index_cast %parallel_loop3A_238 : i32 to index
        %parallel_loop3A_240 = arith.index_cast %parallel_loop3A_237 : i32 to index
        %parallel_loop3A_241 = tpu.vector_load %arg8[%parallel_loop3A_239, %parallel_loop3A_240] {strides = array<i32>} : memref<16x1024xf32, #tpu.memory_space<vmem>>, vector<1x16xf32>,
        %parallel_loop3A_242 = vector.shape_cast %parallel_loop3A_241 : vector<1x16xf32> to vector<16xf32>
        %parallel_loop3A_243 = vector.shape_cast %parallel_loop3A_235 : vector<16xf32> to vector<1x16xf32>
        tpu.vector_store %arg8[%parallel_loop3A_239, %parallel_loop3A_240], %parallel_loop3A_243 {strides = array<i32>} : memref<16x1024xf32, #tpu.memory_space<vmem>>, vector<1x16xf32>,
        %parallel_loop3A_244 = arith.constant 16 : i32
        %parallel_loop3A_245 = arith.muli %parallel_loop3A_80, %parallel_loop3A_244 : i32
        %parallel_loop3A_246 = arith.constant 9 : i32
        %parallel_loop3A_247 = arith.index_cast %parallel_loop3A_246 : i32 to index
        %parallel_loop3A_248 = arith.index_cast %parallel_loop3A_245 : i32 to index
        %parallel_loop3A_249 = tpu.vector_load %arg6[%parallel_loop3A_247, %parallel_loop3A_248] {strides = array<i32>} : memref<16x1024xf32, #tpu.memory_space<vmem>>, vector<1x16xf32>,
        %parallel_loop3A_250 = vector.shape_cast %parallel_loop3A_249 : vector<1x16xf32> to vector<16xf32>
        %parallel_loop3A_251 = arith.mulf %parallel_loop3A_250, %parallel_loop3A_90 : vector<16xf32>
        %parallel_loop3A_252 = arith.addf %parallel_loop3A_85, %parallel_loop3A_251 : vector<16xf32>
        %parallel_loop3A_253 = arith.constant 16 : i32
        %parallel_loop3A_254 = arith.muli %parallel_loop3A_80, %parallel_loop3A_253 : i32
        %parallel_loop3A_255 = arith.constant 9 : i32
        %parallel_loop3A_256 = arith.index_cast %parallel_loop3A_255 : i32 to index
        %parallel_loop3A_257 = arith.index_cast %parallel_loop3A_254 : i32 to index
        %parallel_loop3A_258 = tpu.vector_load %arg8[%parallel_loop3A_256, %parallel_loop3A_257] {strides = array<i32>} : memref<16x1024xf32, #tpu.memory_space<vmem>>, vector<1x16xf32>,
        %parallel_loop3A_259 = vector.shape_cast %parallel_loop3A_258 : vector<1x16xf32> to vector<16xf32>
        %parallel_loop3A_260 = vector.shape_cast %parallel_loop3A_252 : vector<16xf32> to vector<1x16xf32>
        tpu.vector_store %arg8[%parallel_loop3A_256, %parallel_loop3A_257], %parallel_loop3A_260 {strides = array<i32>} : memref<16x1024xf32, #tpu.memory_space<vmem>>, vector<1x16xf32>,
        %parallel_loop3A_261 = arith.constant 16 : i32
        %parallel_loop3A_262 = arith.muli %parallel_loop3A_80, %parallel_loop3A_261 : i32
        %parallel_loop3A_263 = arith.constant 10 : i32
        %parallel_loop3A_264 = arith.index_cast %parallel_loop3A_263 : i32 to index
        %parallel_loop3A_265 = arith.index_cast %parallel_loop3A_262 : i32 to index
        %parallel_loop3A_266 = tpu.vector_load %arg6[%parallel_loop3A_264, %parallel_loop3A_265] {strides = array<i32>} : memref<16x1024xf32, #tpu.memory_space<vmem>>, vector<1x16xf32>,
        %parallel_loop3A_267 = vector.shape_cast %parallel_loop3A_266 : vector<1x16xf32> to vector<16xf32>
        %parallel_loop3A_268 = arith.mulf %parallel_loop3A_267, %parallel_loop3A_90 : vector<16xf32>
        %parallel_loop3A_269 = arith.addf %parallel_loop3A_85, %parallel_loop3A_268 : vector<16xf32>
        %parallel_loop3A_270 = arith.constant 16 : i32
        %parallel_loop3A_271 = arith.muli %parallel_loop3A_80, %parallel_loop3A_270 : i32
        %parallel_loop3A_272 = arith.constant 10 : i32
        %parallel_loop3A_273 = arith.index_cast %parallel_loop3A_272 : i32 to index
        %parallel_loop3A_274 = arith.index_cast %parallel_loop3A_271 : i32 to index
        %parallel_loop3A_275 = tpu.vector_load %arg8[%parallel_loop3A_273, %parallel_loop3A_274] {strides = array<i32>} : memref<16x1024xf32, #tpu.memory_space<vmem>>, vector<1x16xf32>,
        %parallel_loop3A_276 = vector.shape_cast %parallel_loop3A_275 : vector<1x16xf32> to vector<16xf32>
        %parallel_loop3A_277 = vector.shape_cast %parallel_loop3A_269 : vector<16xf32> to vector<1x16xf32>
        tpu.vector_store %arg8[%parallel_loop3A_273, %parallel_loop3A_274], %parallel_loop3A_277 {strides = array<i32>} : memref<16x1024xf32, #tpu.memory_space<vmem>>, vector<1x16xf32>,
        %parallel_loop3A_278 = arith.constant 16 : i32
        %parallel_loop3A_279 = arith.muli %parallel_loop3A_80, %parallel_loop3A_278 : i32
        %parallel_loop3A_280 = arith.constant 11 : i32
        %parallel_loop3A_281 = arith.index_cast %parallel_loop3A_280 : i32 to index
        %parallel_loop3A_282 = arith.index_cast %parallel_loop3A_279 : i32 to index
        %parallel_loop3A_283 = tpu.vector_load %arg6[%parallel_loop3A_281, %parallel_loop3A_282] {strides = array<i32>} : memref<16x1024xf32, #tpu.memory_space<vmem>>, vector<1x16xf32>,
        %parallel_loop3A_284 = vector.shape_cast %parallel_loop3A_283 : vector<1x16xf32> to vector<16xf32>
        %parallel_loop3A_285 = arith.mulf %parallel_loop3A_284, %parallel_loop3A_90 : vector<16xf32>
        %parallel_loop3A_286 = arith.addf %parallel_loop3A_85, %parallel_loop3A_285 : vector<16xf32>
        %parallel_loop3A_287 = arith.constant 16 : i32
        %parallel_loop3A_288 = arith.muli %parallel_loop3A_80, %parallel_loop3A_287 : i32
        %parallel_loop3A_289 = arith.constant 11 : i32
        %parallel_loop3A_290 = arith.index_cast %parallel_loop3A_289 : i32 to index
        %parallel_loop3A_291 = arith.index_cast %parallel_loop3A_288 : i32 to index
        %parallel_loop3A_292 = tpu.vector_load %arg8[%parallel_loop3A_290, %parallel_loop3A_291] {strides = array<i32>} : memref<16x1024xf32, #tpu.memory_space<vmem>>, vector<1x16xf32>,
        %parallel_loop3A_293 = vector.shape_cast %parallel_loop3A_292 : vector<1x16xf32> to vector<16xf32>
        %parallel_loop3A_294 = vector.shape_cast %parallel_loop3A_286 : vector<16xf32> to vector<1x16xf32>
        tpu.vector_store %arg8[%parallel_loop3A_290, %parallel_loop3A_291], %parallel_loop3A_294 {strides = array<i32>} : memref<16x1024xf32, #tpu.memory_space<vmem>>, vector<1x16xf32>,
        %parallel_loop3A_295 = arith.constant 16 : i32
        %parallel_loop3A_296 = arith.muli %parallel_loop3A_80, %parallel_loop3A_295 : i32
        %parallel_loop3A_297 = arith.constant 12 : i32
        %parallel_loop3A_298 = arith.index_cast %parallel_loop3A_297 : i32 to index
        %parallel_loop3A_299 = arith.index_cast %parallel_loop3A_296 : i32 to index
        %parallel_loop3A_300 = tpu.vector_load %arg6[%parallel_loop3A_298, %parallel_loop3A_299] {strides = array<i32>} : memref<16x1024xf32, #tpu.memory_space<vmem>>, vector<1x16xf32>,
        %parallel_loop3A_301 = vector.shape_cast %parallel_loop3A_300 : vector<1x16xf32> to vector<16xf32>
        %parallel_loop3A_302 = arith.mulf %parallel_loop3A_301, %parallel_loop3A_90 : vector<16xf32>
        %parallel_loop3A_303 = arith.addf %parallel_loop3A_85, %parallel_loop3A_302 : vector<16xf32>
        %parallel_loop3A_304 = arith.constant 16 : i32
        %parallel_loop3A_305 = arith.muli %parallel_loop3A_80, %parallel_loop3A_304 : i32
        %parallel_loop3A_306 = arith.constant 12 : i32
        %parallel_loop3A_307 = arith.index_cast %parallel_loop3A_306 : i32 to index
        %parallel_loop3A_308 = arith.index_cast %parallel_loop3A_305 : i32 to index
        %parallel_loop3A_309 = tpu.vector_load %arg8[%parallel_loop3A_307, %parallel_loop3A_308] {strides = array<i32>} : memref<16x1024xf32, #tpu.memory_space<vmem>>, vector<1x16xf32>,
        %parallel_loop3A_310 = vector.shape_cast %parallel_loop3A_309 : vector<1x16xf32> to vector<16xf32>
        %parallel_loop3A_311 = vector.shape_cast %parallel_loop3A_303 : vector<16xf32> to vector<1x16xf32>
        tpu.vector_store %arg8[%parallel_loop3A_307, %parallel_loop3A_308], %parallel_loop3A_311 {strides = array<i32>} : memref<16x1024xf32, #tpu.memory_space<vmem>>, vector<1x16xf32>,
        %parallel_loop3A_312 = arith.constant 16 : i32
        %parallel_loop3A_313 = arith.muli %parallel_loop3A_80, %parallel_loop3A_312 : i32
        %parallel_loop3A_314 = arith.constant 13 : i32
        %parallel_loop3A_315 = arith.index_cast %parallel_loop3A_314 : i32 to index
        %parallel_loop3A_316 = arith.index_cast %parallel_loop3A_313 : i32 to index
        %parallel_loop3A_317 = tpu.vector_load %arg6[%parallel_loop3A_315, %parallel_loop3A_316] {strides = array<i32>} : memref<16x1024xf32, #tpu.memory_space<vmem>>, vector<1x16xf32>,
        %parallel_loop3A_318 = vector.shape_cast %parallel_loop3A_317 : vector<1x16xf32> to vector<16xf32>
        %parallel_loop3A_319 = arith.mulf %parallel_loop3A_318, %parallel_loop3A_90 : vector<16xf32>
        %parallel_loop3A_320 = arith.addf %parallel_loop3A_85, %parallel_loop3A_319 : vector<16xf32>
        %parallel_loop3A_321 = arith.constant 16 : i32
        %parallel_loop3A_322 = arith.muli %parallel_loop3A_80, %parallel_loop3A_321 : i32
        %parallel_loop3A_323 = arith.constant 13 : i32
        %parallel_loop3A_324 = arith.index_cast %parallel_loop3A_323 : i32 to index
        %parallel_loop3A_325 = arith.index_cast %parallel_loop3A_322 : i32 to index
        %parallel_loop3A_326 = tpu.vector_load %arg8[%parallel_loop3A_324, %parallel_loop3A_325] {strides = array<i32>} : memref<16x1024xf32, #tpu.memory_space<vmem>>, vector<1x16xf32>,
        %parallel_loop3A_327 = vector.shape_cast %parallel_loop3A_326 : vector<1x16xf32> to vector<16xf32>
        %parallel_loop3A_328 = vector.shape_cast %parallel_loop3A_320 : vector<16xf32> to vector<1x16xf32>
        tpu.vector_store %arg8[%parallel_loop3A_324, %parallel_loop3A_325], %parallel_loop3A_328 {strides = array<i32>} : memref<16x1024xf32, #tpu.memory_space<vmem>>, vector<1x16xf32>,
        %parallel_loop3A_329 = arith.constant 16 : i32
        %parallel_loop3A_330 = arith.muli %parallel_loop3A_80, %parallel_loop3A_329 : i32
        %parallel_loop3A_331 = arith.constant 14 : i32
        %parallel_loop3A_332 = arith.index_cast %parallel_loop3A_331 : i32 to index
        %parallel_loop3A_333 = arith.index_cast %parallel_loop3A_330 : i32 to index
        %parallel_loop3A_334 = tpu.vector_load %arg6[%parallel_loop3A_332, %parallel_loop3A_333] {strides = array<i32>} : memref<16x1024xf32, #tpu.memory_space<vmem>>, vector<1x16xf32>,
        %parallel_loop3A_335 = vector.shape_cast %parallel_loop3A_334 : vector<1x16xf32> to vector<16xf32>
        %parallel_loop3A_336 = arith.mulf %parallel_loop3A_335, %parallel_loop3A_90 : vector<16xf32>
        %parallel_loop3A_337 = arith.addf %parallel_loop3A_85, %parallel_loop3A_336 : vector<16xf32>
        %parallel_loop3A_338 = arith.constant 16 : i32
        %parallel_loop3A_339 = arith.muli %parallel_loop3A_80, %parallel_loop3A_338 : i32
        %parallel_loop3A_340 = arith.constant 14 : i32
        %parallel_loop3A_341 = arith.index_cast %parallel_loop3A_340 : i32 to index
        %parallel_loop3A_342 = arith.index_cast %parallel_loop3A_339 : i32 to index
        %parallel_loop3A_343 = tpu.vector_load %arg8[%parallel_loop3A_341, %parallel_loop3A_342] {strides = array<i32>} : memref<16x1024xf32, #tpu.memory_space<vmem>>, vector<1x16xf32>,
        %parallel_loop3A_344 = vector.shape_cast %parallel_loop3A_343 : vector<1x16xf32> to vector<16xf32>
        %parallel_loop3A_345 = vector.shape_cast %parallel_loop3A_337 : vector<16xf32> to vector<1x16xf32>
        tpu.vector_store %arg8[%parallel_loop3A_341, %parallel_loop3A_342], %parallel_loop3A_345 {strides = array<i32>} : memref<16x1024xf32, #tpu.memory_space<vmem>>, vector<1x16xf32>,
        %parallel_loop3A_346 = arith.constant 16 : i32
        %parallel_loop3A_347 = arith.muli %parallel_loop3A_80, %parallel_loop3A_346 : i32
        %parallel_loop3A_348 = arith.constant 15 : i32
        %parallel_loop3A_349 = arith.index_cast %parallel_loop3A_348 : i32 to index
        %parallel_loop3A_350 = arith.index_cast %parallel_loop3A_347 : i32 to index
        %parallel_loop3A_351 = tpu.vector_load %arg6[%parallel_loop3A_349, %parallel_loop3A_350] {strides = array<i32>} : memref<16x1024xf32, #tpu.memory_space<vmem>>, vector<1x16xf32>,
        %parallel_loop3A_352 = vector.shape_cast %parallel_loop3A_351 : vector<1x16xf32> to vector<16xf32>
        %parallel_loop3A_353 = arith.mulf %parallel_loop3A_352, %parallel_loop3A_90 : vector<16xf32>
        %parallel_loop3A_354 = arith.addf %parallel_loop3A_85, %parallel_loop3A_353 : vector<16xf32>
        %parallel_loop3A_355 = arith.constant 16 : i32
        %parallel_loop3A_356 = arith.muli %parallel_loop3A_80, %parallel_loop3A_355 : i32
        %parallel_loop3A_357 = arith.constant 15 : i32
        %parallel_loop3A_358 = arith.index_cast %parallel_loop3A_357 : i32 to index
        %parallel_loop3A_359 = arith.index_cast %parallel_loop3A_356 : i32 to index
        %parallel_loop3A_360 = tpu.vector_load %arg8[%parallel_loop3A_358, %parallel_loop3A_359] {strides = array<i32>} : memref<16x1024xf32, #tpu.memory_space<vmem>>, vector<1x16xf32>,
        %parallel_loop3A_361 = vector.shape_cast %parallel_loop3A_360 : vector<1x16xf32> to vector<16xf32>
        %parallel_loop3A_362 = vector.shape_cast %parallel_loop3A_354 : vector<16xf32> to vector<1x16xf32>
        tpu.vector_store %arg8[%parallel_loop3A_358, %parallel_loop3A_359], %parallel_loop3A_362 {strides = array<i32>} : memref<16x1024xf32, #tpu.memory_space<vmem>>, vector<1x16xf32>,
      } {sc.loop_unroll_factor = 4 : i64, sc.parallel_access}
      %dma_start3A_46 = arith.constant 0 : i32
      %dma_start3A_47 = tpu.memref_slice %arg5[%add3A_37, %dma_start3A_46] : memref<16384x1024xf32, #tpu.memory_space<hbm>> -> memref<16x1024xf32, #tpu.memory_space<hbm>>
      %dma_start3A_48 = arith.constant 0 : i32
      %dma_start3A_49 = tpu.memref_slice %arg5[%add3A_37, %dma_start3A_48] : memref<16384x1024xf32, #tpu.memory_space<hbm>> -> memref<16x1024xf32, #tpu.memory_space<hbm>>
      tpu.enqueue_dma source(%arg8 : memref<16x1024xf32, #tpu.memory_space<vmem>>) target(%dma_start3A_49 : memref<16x1024xf32, #tpu.memory_space<hbm>>) target_semaphore(%arg14 : memref<!tpu.dma_semaphore, #tpu.memory_space<semaphore_mem>>)
      %le3A = arith.constant 14 : i32
      %le3A_50 = arith.cmpi sle, %scan3A_30, %le3A : i32
      %convert_element_type3A_51 = arith.extui %le3A_50 : i1 to i32
      %cond3A_52 = arith.constant 0 : i32
      %cond3A_53 = arith.cmpi ne, %convert_element_type3A_51, %cond3A_52 : i32
      scf.if %cond3A_53 {
        %add3A_80 = arith.constant 32 : i32
        %add3A_81 = arith.addi %add3A_37, %add3A_80 : i32
        %dma_start3A_82 = arith.constant 0 : i32
        %dma_start3A_83 = tpu.memref_slice %arg2[%add3A_81, %dma_start3A_82] : memref<16384x1024xf32, #tpu.memory_space<hbm>> -> memref<16x1024xf32, #tpu.memory_space<hbm>>
        %dma_start3A_84 = arith.constant 0 : i32
        %dma_start3A_85 = tpu.memref_slice %arg2[%add3A_81, %dma_start3A_84] : memref<16384x1024xf32, #tpu.memory_space<hbm>> -> memref<16x1024xf32, #tpu.memory_space<hbm>>
        tpu.enqueue_dma source(%dma_start3A_85 : memref<16x1024xf32, #tpu.memory_space<hbm>>) target(%arg6 : memref<16x1024xf32, #tpu.memory_space<vmem>>) target_semaphore(%arg12 : memref<!tpu.dma_semaphore, #tpu.memory_space<semaphore_mem>>)
      } else {
      }
      %add3A_54 = arith.constant 1 : i32
      %add3A_55 = arith.addi %mul3A_32, %add3A_54 : i32
      %mul3A_56 = arith.constant 16 : i32
      %mul3A_57 = arith.muli %add3A_55, %mul3A_56 : i32
      %add3A_58 = arith.addi %mul3A_2, %mul3A_57 : i32
      %dma_wait3A_59 = arith.constant 0 : i32
      %dma_wait3A_60 = tpu.memref_slice %arg2[%add3A_58, %dma_wait3A_59] : memref<16384x1024xf32, #tpu.memory_space<hbm>> -> memref<16x1024xf32, #tpu.memory_space<hbm>>
      %dma_wait3A_61 = arith.constant 0 : i32
      %dma_wait3A_62 = tpu.memref_slice %arg2[%add3A_58, %dma_wait3A_61] : memref<16384x1024xf32, #tpu.memory_space<hbm>> -> memref<16x1024xf32, #tpu.memory_space<hbm>>
      tpu.wait_dma2 semaphore(%arg13 : memref<!tpu.dma_semaphore, #tpu.memory_space<semaphore_mem>>) src(%dma_wait3A_62 : memref<16x1024xf32, #tpu.memory_space<hbm>>) dst(%arg7 : memref<16x1024xf32, #tpu.memory_space<vmem>>)
      %ge3A_63 = arith.constant 1 : i32
      %ge3A_64 = arith.cmpi sge, %scan3A_30, %ge3A_63 : i32
      %convert_element_type3A_65 = arith.extui %ge3A_64 : i1 to i32
      %cond3A_66 = arith.constant 0 : i32
      %cond3A_67 = arith.cmpi ne, %convert_element_type3A_65, %cond3A_66 : i32
      scf.if %cond3A_67 {
        %sub3A = arith.constant 32 : i32
        %sub3A_80 = arith.subi %add3A_58, %sub3A : i32
        %dma_wait3A_81 = arith.constant 0 : i32
        %dma_wait3A_82 = tpu.memref_slice %arg5[%sub3A_80, %dma_wait3A_81] : memref<16384x1024xf32, #tpu.memory_space<hbm>> -> memref<16x1024xf32, #tpu.memory_space<hbm>>
        %dma_wait3A_83 = arith.constant 0 : i32
        %dma_wait3A_84 = tpu.memref_slice %arg5[%sub3A_80, %dma_wait3A_83] : memref<16384x1024xf32, #tpu.memory_space<hbm>> -> memref<16x1024xf32, #tpu.memory_space<hbm>>
        tpu.wait_dma2 semaphore(%arg15 : memref<!tpu.dma_semaphore, #tpu.memory_space<semaphore_mem>>) src(%arg9 : memref<16x1024xf32, #tpu.memory_space<vmem>>) dst(%dma_wait3A_84 : memref<16x1024xf32, #tpu.memory_space<hbm>>)
      } else {
      }
      %parallel_loop3A_68 = arith.constant 0 : i32
      %parallel_loop3A_69 = arith.constant 64 : i32
      %parallel_loop3A_70 = arith.constant 1 : i32
      scf.for %parallel_loop3A_80 = %parallel_loop3A_68 to %parallel_loop3A_69 step %parallel_loop3A_70  : i32 {
        %parallel_loop3A_81 = arith.constant 16 : i32
        %parallel_loop3A_82 = arith.muli %parallel_loop3A_80, %parallel_loop3A_81 : i32
        %parallel_loop3A_83 = arith.index_cast %parallel_loop3A_82 : i32 to index
        %parallel_loop3A_84 = tpu.vector_load %arg10[%parallel_loop3A_83] {strides = array<i32>} : memref<1024xf32, #tpu.memory_space<vmem>>, vector<16xf32>,
        %parallel_loop3A_85 = vector.shape_cast %parallel_loop3A_84 : vector<16xf32> to vector<16xf32>
        %parallel_loop3A_86 = arith.constant 16 : i32
        %parallel_loop3A_87 = arith.muli %parallel_loop3A_80, %parallel_loop3A_86 : i32
        %parallel_loop3A_88 = arith.index_cast %parallel_loop3A_87 : i32 to index
        %parallel_loop3A_89 = tpu.vector_load %arg11[%parallel_loop3A_88] {strides = array<i32>} : memref<1024xf32, #tpu.memory_space<vmem>>, vector<16xf32>,
        %parallel_loop3A_90 = vector.shape_cast %parallel_loop3A_89 : vector<16xf32> to vector<16xf32>
        %parallel_loop3A_91 = arith.constant 16 : i32
        %parallel_loop3A_92 = arith.muli %parallel_loop3A_80, %parallel_loop3A_91 : i32
        %parallel_loop3A_93 = arith.constant 0 : i32
        %parallel_loop3A_94 = arith.index_cast %parallel_loop3A_93 : i32 to index
        %parallel_loop3A_95 = arith.index_cast %parallel_loop3A_92 : i32 to index
        %parallel_loop3A_96 = tpu.vector_load %arg7[%parallel_loop3A_94, %parallel_loop3A_95] {strides = array<i32>} : memref<16x1024xf32, #tpu.memory_space<vmem>>, vector<1x16xf32>,
        %parallel_loop3A_97 = vector.shape_cast %parallel_loop3A_96 : vector<1x16xf32> to vector<16xf32>
        %parallel_loop3A_98 = arith.mulf %parallel_loop3A_97, %parallel_loop3A_90 : vector<16xf32>
        %parallel_loop3A_99 = arith.addf %parallel_loop3A_85, %parallel_loop3A_98 : vector<16xf32>
        %parallel_loop3A_100 = arith.constant 16 : i32
        %parallel_loop3A_101 = arith.muli %parallel_loop3A_80, %parallel_loop3A_100 : i32
        %parallel_loop3A_102 = arith.constant 0 : i32
        %parallel_loop3A_103 = arith.index_cast %parallel_loop3A_102 : i32 to index
        %parallel_loop3A_104 = arith.index_cast %parallel_loop3A_101 : i32 to index
        %parallel_loop3A_105 = tpu.vector_load %arg9[%parallel_loop3A_103, %parallel_loop3A_104] {strides = array<i32>} : memref<16x1024xf32, #tpu.memory_space<vmem>>, vector<1x16xf32>,
        %parallel_loop3A_106 = vector.shape_cast %parallel_loop3A_105 : vector<1x16xf32> to vector<16xf32>
        %parallel_loop3A_107 = vector.shape_cast %parallel_loop3A_99 : vector<16xf32> to vector<1x16xf32>
        tpu.vector_store %arg9[%parallel_loop3A_103, %parallel_loop3A_104], %parallel_loop3A_107 {strides = array<i32>} : memref<16x1024xf32, #tpu.memory_space<vmem>>, vector<1x16xf32>,
        %parallel_loop3A_108 = arith.constant 16 : i32
        %parallel_loop3A_109 = arith.muli %parallel_loop3A_80, %parallel_loop3A_108 : i32
        %parallel_loop3A_110 = arith.constant 1 : i32
        %parallel_loop3A_111 = arith.index_cast %parallel_loop3A_110 : i32 to index
        %parallel_loop3A_112 = arith.index_cast %parallel_loop3A_109 : i32 to index
        %parallel_loop3A_113 = tpu.vector_load %arg7[%parallel_loop3A_111, %parallel_loop3A_112] {strides = array<i32>} : memref<16x1024xf32, #tpu.memory_space<vmem>>, vector<1x16xf32>,
        %parallel_loop3A_114 = vector.shape_cast %parallel_loop3A_113 : vector<1x16xf32> to vector<16xf32>
        %parallel_loop3A_115 = arith.mulf %parallel_loop3A_114, %parallel_loop3A_90 : vector<16xf32>
        %parallel_loop3A_116 = arith.addf %parallel_loop3A_85, %parallel_loop3A_115 : vector<16xf32>
        %parallel_loop3A_117 = arith.constant 16 : i32
        %parallel_loop3A_118 = arith.muli %parallel_loop3A_80, %parallel_loop3A_117 : i32
        %parallel_loop3A_119 = arith.constant 1 : i32
        %parallel_loop3A_120 = arith.index_cast %parallel_loop3A_119 : i32 to index
        %parallel_loop3A_121 = arith.index_cast %parallel_loop3A_118 : i32 to index
        %parallel_loop3A_122 = tpu.vector_load %arg9[%parallel_loop3A_120, %parallel_loop3A_121] {strides = array<i32>} : memref<16x1024xf32, #tpu.memory_space<vmem>>, vector<1x16xf32>,
        %parallel_loop3A_123 = vector.shape_cast %parallel_loop3A_122 : vector<1x16xf32> to vector<16xf32>
        %parallel_loop3A_124 = vector.shape_cast %parallel_loop3A_116 : vector<16xf32> to vector<1x16xf32>
        tpu.vector_store %arg9[%parallel_loop3A_120, %parallel_loop3A_121], %parallel_loop3A_124 {strides = array<i32>} : memref<16x1024xf32, #tpu.memory_space<vmem>>, vector<1x16xf32>,
        %parallel_loop3A_125 = arith.constant 16 : i32
        %parallel_loop3A_126 = arith.muli %parallel_loop3A_80, %parallel_loop3A_125 : i32
        %parallel_loop3A_127 = arith.constant 2 : i32
        %parallel_loop3A_128 = arith.index_cast %parallel_loop3A_127 : i32 to index
        %parallel_loop3A_129 = arith.index_cast %parallel_loop3A_126 : i32 to index
        %parallel_loop3A_130 = tpu.vector_load %arg7[%parallel_loop3A_128, %parallel_loop3A_129] {strides = array<i32>} : memref<16x1024xf32, #tpu.memory_space<vmem>>, vector<1x16xf32>,
        %parallel_loop3A_131 = vector.shape_cast %parallel_loop3A_130 : vector<1x16xf32> to vector<16xf32>
        %parallel_loop3A_132 = arith.mulf %parallel_loop3A_131, %parallel_loop3A_90 : vector<16xf32>
        %parallel_loop3A_133 = arith.addf %parallel_loop3A_85, %parallel_loop3A_132 : vector<16xf32>
        %parallel_loop3A_134 = arith.constant 16 : i32
        %parallel_loop3A_135 = arith.muli %parallel_loop3A_80, %parallel_loop3A_134 : i32
        %parallel_loop3A_136 = arith.constant 2 : i32
        %parallel_loop3A_137 = arith.index_cast %parallel_loop3A_136 : i32 to index
        %parallel_loop3A_138 = arith.index_cast %parallel_loop3A_135 : i32 to index
        %parallel_loop3A_139 = tpu.vector_load %arg9[%parallel_loop3A_137, %parallel_loop3A_138] {strides = array<i32>} : memref<16x1024xf32, #tpu.memory_space<vmem>>, vector<1x16xf32>,
        %parallel_loop3A_140 = vector.shape_cast %parallel_loop3A_139 : vector<1x16xf32> to vector<16xf32>
        %parallel_loop3A_141 = vector.shape_cast %parallel_loop3A_133 : vector<16xf32> to vector<1x16xf32>
        tpu.vector_store %arg9[%parallel_loop3A_137, %parallel_loop3A_138], %parallel_loop3A_141 {strides = array<i32>} : memref<16x1024xf32, #tpu.memory_space<vmem>>, vector<1x16xf32>,
        %parallel_loop3A_142 = arith.constant 16 : i32
        %parallel_loop3A_143 = arith.muli %parallel_loop3A_80, %parallel_loop3A_142 : i32
        %parallel_loop3A_144 = arith.constant 3 : i32
        %parallel_loop3A_145 = arith.index_cast %parallel_loop3A_144 : i32 to index
        %parallel_loop3A_146 = arith.index_cast %parallel_loop3A_143 : i32 to index
        %parallel_loop3A_147 = tpu.vector_load %arg7[%parallel_loop3A_145, %parallel_loop3A_146] {strides = array<i32>} : memref<16x1024xf32, #tpu.memory_space<vmem>>, vector<1x16xf32>,
        %parallel_loop3A_148 = vector.shape_cast %parallel_loop3A_147 : vector<1x16xf32> to vector<16xf32>
        %parallel_loop3A_149 = arith.mulf %parallel_loop3A_148, %parallel_loop3A_90 : vector<16xf32>
        %parallel_loop3A_150 = arith.addf %parallel_loop3A_85, %parallel_loop3A_149 : vector<16xf32>
        %parallel_loop3A_151 = arith.constant 16 : i32
        %parallel_loop3A_152 = arith.muli %parallel_loop3A_80, %parallel_loop3A_151 : i32
        %parallel_loop3A_153 = arith.constant 3 : i32
        %parallel_loop3A_154 = arith.index_cast %parallel_loop3A_153 : i32 to index
        %parallel_loop3A_155 = arith.index_cast %parallel_loop3A_152 : i32 to index
        %parallel_loop3A_156 = tpu.vector_load %arg9[%parallel_loop3A_154, %parallel_loop3A_155] {strides = array<i32>} : memref<16x1024xf32, #tpu.memory_space<vmem>>, vector<1x16xf32>,
        %parallel_loop3A_157 = vector.shape_cast %parallel_loop3A_156 : vector<1x16xf32> to vector<16xf32>
        %parallel_loop3A_158 = vector.shape_cast %parallel_loop3A_150 : vector<16xf32> to vector<1x16xf32>
        tpu.vector_store %arg9[%parallel_loop3A_154, %parallel_loop3A_155], %parallel_loop3A_158 {strides = array<i32>} : memref<16x1024xf32, #tpu.memory_space<vmem>>, vector<1x16xf32>,
        %parallel_loop3A_159 = arith.constant 16 : i32
        %parallel_loop3A_160 = arith.muli %parallel_loop3A_80, %parallel_loop3A_159 : i32
        %parallel_loop3A_161 = arith.constant 4 : i32
        %parallel_loop3A_162 = arith.index_cast %parallel_loop3A_161 : i32 to index
        %parallel_loop3A_163 = arith.index_cast %parallel_loop3A_160 : i32 to index
        %parallel_loop3A_164 = tpu.vector_load %arg7[%parallel_loop3A_162, %parallel_loop3A_163] {strides = array<i32>} : memref<16x1024xf32, #tpu.memory_space<vmem>>, vector<1x16xf32>,
        %parallel_loop3A_165 = vector.shape_cast %parallel_loop3A_164 : vector<1x16xf32> to vector<16xf32>
        %parallel_loop3A_166 = arith.mulf %parallel_loop3A_165, %parallel_loop3A_90 : vector<16xf32>
        %parallel_loop3A_167 = arith.addf %parallel_loop3A_85, %parallel_loop3A_166 : vector<16xf32>
        %parallel_loop3A_168 = arith.constant 16 : i32
        %parallel_loop3A_169 = arith.muli %parallel_loop3A_80, %parallel_loop3A_168 : i32
        %parallel_loop3A_170 = arith.constant 4 : i32
        %parallel_loop3A_171 = arith.index_cast %parallel_loop3A_170 : i32 to index
        %parallel_loop3A_172 = arith.index_cast %parallel_loop3A_169 : i32 to index
        %parallel_loop3A_173 = tpu.vector_load %arg9[%parallel_loop3A_171, %parallel_loop3A_172] {strides = array<i32>} : memref<16x1024xf32, #tpu.memory_space<vmem>>, vector<1x16xf32>,
        %parallel_loop3A_174 = vector.shape_cast %parallel_loop3A_173 : vector<1x16xf32> to vector<16xf32>
        %parallel_loop3A_175 = vector.shape_cast %parallel_loop3A_167 : vector<16xf32> to vector<1x16xf32>
        tpu.vector_store %arg9[%parallel_loop3A_171, %parallel_loop3A_172], %parallel_loop3A_175 {strides = array<i32>} : memref<16x1024xf32, #tpu.memory_space<vmem>>, vector<1x16xf32>,
        %parallel_loop3A_176 = arith.constant 16 : i32
        %parallel_loop3A_177 = arith.muli %parallel_loop3A_80, %parallel_loop3A_176 : i32
        %parallel_loop3A_178 = arith.constant 5 : i32
        %parallel_loop3A_179 = arith.index_cast %parallel_loop3A_178 : i32 to index
        %parallel_loop3A_180 = arith.index_cast %parallel_loop3A_177 : i32 to index
        %parallel_loop3A_181 = tpu.vector_load %arg7[%parallel_loop3A_179, %parallel_loop3A_180] {strides = array<i32>} : memref<16x1024xf32, #tpu.memory_space<vmem>>, vector<1x16xf32>,
        %parallel_loop3A_182 = vector.shape_cast %parallel_loop3A_181 : vector<1x16xf32> to vector<16xf32>
        %parallel_loop3A_183 = arith.mulf %parallel_loop3A_182, %parallel_loop3A_90 : vector<16xf32>
        %parallel_loop3A_184 = arith.addf %parallel_loop3A_85, %parallel_loop3A_183 : vector<16xf32>
        %parallel_loop3A_185 = arith.constant 16 : i32
        %parallel_loop3A_186 = arith.muli %parallel_loop3A_80, %parallel_loop3A_185 : i32
        %parallel_loop3A_187 = arith.constant 5 : i32
        %parallel_loop3A_188 = arith.index_cast %parallel_loop3A_187 : i32 to index
        %parallel_loop3A_189 = arith.index_cast %parallel_loop3A_186 : i32 to index
        %parallel_loop3A_190 = tpu.vector_load %arg9[%parallel_loop3A_188, %parallel_loop3A_189] {strides = array<i32>} : memref<16x1024xf32, #tpu.memory_space<vmem>>, vector<1x16xf32>,
        %parallel_loop3A_191 = vector.shape_cast %parallel_loop3A_190 : vector<1x16xf32> to vector<16xf32>
        %parallel_loop3A_192 = vector.shape_cast %parallel_loop3A_184 : vector<16xf32> to vector<1x16xf32>
        tpu.vector_store %arg9[%parallel_loop3A_188, %parallel_loop3A_189], %parallel_loop3A_192 {strides = array<i32>} : memref<16x1024xf32, #tpu.memory_space<vmem>>, vector<1x16xf32>,
        %parallel_loop3A_193 = arith.constant 16 : i32
        %parallel_loop3A_194 = arith.muli %parallel_loop3A_80, %parallel_loop3A_193 : i32
        %parallel_loop3A_195 = arith.constant 6 : i32
        %parallel_loop3A_196 = arith.index_cast %parallel_loop3A_195 : i32 to index
        %parallel_loop3A_197 = arith.index_cast %parallel_loop3A_194 : i32 to index
        %parallel_loop3A_198 = tpu.vector_load %arg7[%parallel_loop3A_196, %parallel_loop3A_197] {strides = array<i32>} : memref<16x1024xf32, #tpu.memory_space<vmem>>, vector<1x16xf32>,
        %parallel_loop3A_199 = vector.shape_cast %parallel_loop3A_198 : vector<1x16xf32> to vector<16xf32>
        %parallel_loop3A_200 = arith.mulf %parallel_loop3A_199, %parallel_loop3A_90 : vector<16xf32>
        %parallel_loop3A_201 = arith.addf %parallel_loop3A_85, %parallel_loop3A_200 : vector<16xf32>
        %parallel_loop3A_202 = arith.constant 16 : i32
        %parallel_loop3A_203 = arith.muli %parallel_loop3A_80, %parallel_loop3A_202 : i32
        %parallel_loop3A_204 = arith.constant 6 : i32
        %parallel_loop3A_205 = arith.index_cast %parallel_loop3A_204 : i32 to index
        %parallel_loop3A_206 = arith.index_cast %parallel_loop3A_203 : i32 to index
        %parallel_loop3A_207 = tpu.vector_load %arg9[%parallel_loop3A_205, %parallel_loop3A_206] {strides = array<i32>} : memref<16x1024xf32, #tpu.memory_space<vmem>>, vector<1x16xf32>,
        %parallel_loop3A_208 = vector.shape_cast %parallel_loop3A_207 : vector<1x16xf32> to vector<16xf32>
        %parallel_loop3A_209 = vector.shape_cast %parallel_loop3A_201 : vector<16xf32> to vector<1x16xf32>
        tpu.vector_store %arg9[%parallel_loop3A_205, %parallel_loop3A_206], %parallel_loop3A_209 {strides = array<i32>} : memref<16x1024xf32, #tpu.memory_space<vmem>>, vector<1x16xf32>,
        %parallel_loop3A_210 = arith.constant 16 : i32
        %parallel_loop3A_211 = arith.muli %parallel_loop3A_80, %parallel_loop3A_210 : i32
        %parallel_loop3A_212 = arith.constant 7 : i32
        %parallel_loop3A_213 = arith.index_cast %parallel_loop3A_212 : i32 to index
        %parallel_loop3A_214 = arith.index_cast %parallel_loop3A_211 : i32 to index
        %parallel_loop3A_215 = tpu.vector_load %arg7[%parallel_loop3A_213, %parallel_loop3A_214] {strides = array<i32>} : memref<16x1024xf32, #tpu.memory_space<vmem>>, vector<1x16xf32>,
        %parallel_loop3A_216 = vector.shape_cast %parallel_loop3A_215 : vector<1x16xf32> to vector<16xf32>
        %parallel_loop3A_217 = arith.mulf %parallel_loop3A_216, %parallel_loop3A_90 : vector<16xf32>
        %parallel_loop3A_218 = arith.addf %parallel_loop3A_85, %parallel_loop3A_217 : vector<16xf32>
        %parallel_loop3A_219 = arith.constant 16 : i32
        %parallel_loop3A_220 = arith.muli %parallel_loop3A_80, %parallel_loop3A_219 : i32
        %parallel_loop3A_221 = arith.constant 7 : i32
        %parallel_loop3A_222 = arith.index_cast %parallel_loop3A_221 : i32 to index
        %parallel_loop3A_223 = arith.index_cast %parallel_loop3A_220 : i32 to index
        %parallel_loop3A_224 = tpu.vector_load %arg9[%parallel_loop3A_222, %parallel_loop3A_223] {strides = array<i32>} : memref<16x1024xf32, #tpu.memory_space<vmem>>, vector<1x16xf32>,
        %parallel_loop3A_225 = vector.shape_cast %parallel_loop3A_224 : vector<1x16xf32> to vector<16xf32>
        %parallel_loop3A_226 = vector.shape_cast %parallel_loop3A_218 : vector<16xf32> to vector<1x16xf32>
        tpu.vector_store %arg9[%parallel_loop3A_222, %parallel_loop3A_223], %parallel_loop3A_226 {strides = array<i32>} : memref<16x1024xf32, #tpu.memory_space<vmem>>, vector<1x16xf32>,
        %parallel_loop3A_227 = arith.constant 16 : i32
        %parallel_loop3A_228 = arith.muli %parallel_loop3A_80, %parallel_loop3A_227 : i32
        %parallel_loop3A_229 = arith.constant 8 : i32
        %parallel_loop3A_230 = arith.index_cast %parallel_loop3A_229 : i32 to index
        %parallel_loop3A_231 = arith.index_cast %parallel_loop3A_228 : i32 to index
        %parallel_loop3A_232 = tpu.vector_load %arg7[%parallel_loop3A_230, %parallel_loop3A_231] {strides = array<i32>} : memref<16x1024xf32, #tpu.memory_space<vmem>>, vector<1x16xf32>,
        %parallel_loop3A_233 = vector.shape_cast %parallel_loop3A_232 : vector<1x16xf32> to vector<16xf32>
        %parallel_loop3A_234 = arith.mulf %parallel_loop3A_233, %parallel_loop3A_90 : vector<16xf32>
        %parallel_loop3A_235 = arith.addf %parallel_loop3A_85, %parallel_loop3A_234 : vector<16xf32>
        %parallel_loop3A_236 = arith.constant 16 : i32
        %parallel_loop3A_237 = arith.muli %parallel_loop3A_80, %parallel_loop3A_236 : i32
        %parallel_loop3A_238 = arith.constant 8 : i32
        %parallel_loop3A_239 = arith.index_cast %parallel_loop3A_238 : i32 to index
        %parallel_loop3A_240 = arith.index_cast %parallel_loop3A_237 : i32 to index
        %parallel_loop3A_241 = tpu.vector_load %arg9[%parallel_loop3A_239, %parallel_loop3A_240] {strides = array<i32>} : memref<16x1024xf32, #tpu.memory_space<vmem>>, vector<1x16xf32>,
        %parallel_loop3A_242 = vector.shape_cast %parallel_loop3A_241 : vector<1x16xf32> to vector<16xf32>
        %parallel_loop3A_243 = vector.shape_cast %parallel_loop3A_235 : vector<16xf32> to vector<1x16xf32>
        tpu.vector_store %arg9[%parallel_loop3A_239, %parallel_loop3A_240], %parallel_loop3A_243 {strides = array<i32>} : memref<16x1024xf32, #tpu.memory_space<vmem>>, vector<1x16xf32>,
        %parallel_loop3A_244 = arith.constant 16 : i32
        %parallel_loop3A_245 = arith.muli %parallel_loop3A_80, %parallel_loop3A_244 : i32
        %parallel_loop3A_246 = arith.constant 9 : i32
        %parallel_loop3A_247 = arith.index_cast %parallel_loop3A_246 : i32 to index
        %parallel_loop3A_248 = arith.index_cast %parallel_loop3A_245 : i32 to index
        %parallel_loop3A_249 = tpu.vector_load %arg7[%parallel_loop3A_247, %parallel_loop3A_248] {strides = array<i32>} : memref<16x1024xf32, #tpu.memory_space<vmem>>, vector<1x16xf32>,
        %parallel_loop3A_250 = vector.shape_cast %parallel_loop3A_249 : vector<1x16xf32> to vector<16xf32>
        %parallel_loop3A_251 = arith.mulf %parallel_loop3A_250, %parallel_loop3A_90 : vector<16xf32>
        %parallel_loop3A_252 = arith.addf %parallel_loop3A_85, %parallel_loop3A_251 : vector<16xf32>
        %parallel_loop3A_253 = arith.constant 16 : i32
        %parallel_loop3A_254 = arith.muli %parallel_loop3A_80, %parallel_loop3A_253 : i32
        %parallel_loop3A_255 = arith.constant 9 : i32
        %parallel_loop3A_256 = arith.index_cast %parallel_loop3A_255 : i32 to index
        %parallel_loop3A_257 = arith.index_cast %parallel_loop3A_254 : i32 to index
        %parallel_loop3A_258 = tpu.vector_load %arg9[%parallel_loop3A_256, %parallel_loop3A_257] {strides = array<i32>} : memref<16x1024xf32, #tpu.memory_space<vmem>>, vector<1x16xf32>,
        %parallel_loop3A_259 = vector.shape_cast %parallel_loop3A_258 : vector<1x16xf32> to vector<16xf32>
        %parallel_loop3A_260 = vector.shape_cast %parallel_loop3A_252 : vector<16xf32> to vector<1x16xf32>
        tpu.vector_store %arg9[%parallel_loop3A_256, %parallel_loop3A_257], %parallel_loop3A_260 {strides = array<i32>} : memref<16x1024xf32, #tpu.memory_space<vmem>>, vector<1x16xf32>,
        %parallel_loop3A_261 = arith.constant 16 : i32
        %parallel_loop3A_262 = arith.muli %parallel_loop3A_80, %parallel_loop3A_261 : i32
        %parallel_loop3A_263 = arith.constant 10 : i32
        %parallel_loop3A_264 = arith.index_cast %parallel_loop3A_263 : i32 to index
        %parallel_loop3A_265 = arith.index_cast %parallel_loop3A_262 : i32 to index
        %parallel_loop3A_266 = tpu.vector_load %arg7[%parallel_loop3A_264, %parallel_loop3A_265] {strides = array<i32>} : memref<16x1024xf32, #tpu.memory_space<vmem>>, vector<1x16xf32>,
        %parallel_loop3A_267 = vector.shape_cast %parallel_loop3A_266 : vector<1x16xf32> to vector<16xf32>
        %parallel_loop3A_268 = arith.mulf %parallel_loop3A_267, %parallel_loop3A_90 : vector<16xf32>
        %parallel_loop3A_269 = arith.addf %parallel_loop3A_85, %parallel_loop3A_268 : vector<16xf32>
        %parallel_loop3A_270 = arith.constant 16 : i32
        %parallel_loop3A_271 = arith.muli %parallel_loop3A_80, %parallel_loop3A_270 : i32
        %parallel_loop3A_272 = arith.constant 10 : i32
        %parallel_loop3A_273 = arith.index_cast %parallel_loop3A_272 : i32 to index
        %parallel_loop3A_274 = arith.index_cast %parallel_loop3A_271 : i32 to index
        %parallel_loop3A_275 = tpu.vector_load %arg9[%parallel_loop3A_273, %parallel_loop3A_274] {strides = array<i32>} : memref<16x1024xf32, #tpu.memory_space<vmem>>, vector<1x16xf32>,
        %parallel_loop3A_276 = vector.shape_cast %parallel_loop3A_275 : vector<1x16xf32> to vector<16xf32>
        %parallel_loop3A_277 = vector.shape_cast %parallel_loop3A_269 : vector<16xf32> to vector<1x16xf32>
        tpu.vector_store %arg9[%parallel_loop3A_273, %parallel_loop3A_274], %parallel_loop3A_277 {strides = array<i32>} : memref<16x1024xf32, #tpu.memory_space<vmem>>, vector<1x16xf32>,
        %parallel_loop3A_278 = arith.constant 16 : i32
        %parallel_loop3A_279 = arith.muli %parallel_loop3A_80, %parallel_loop3A_278 : i32
        %parallel_loop3A_280 = arith.constant 11 : i32
        %parallel_loop3A_281 = arith.index_cast %parallel_loop3A_280 : i32 to index
        %parallel_loop3A_282 = arith.index_cast %parallel_loop3A_279 : i32 to index
        %parallel_loop3A_283 = tpu.vector_load %arg7[%parallel_loop3A_281, %parallel_loop3A_282] {strides = array<i32>} : memref<16x1024xf32, #tpu.memory_space<vmem>>, vector<1x16xf32>,
        %parallel_loop3A_284 = vector.shape_cast %parallel_loop3A_283 : vector<1x16xf32> to vector<16xf32>
        %parallel_loop3A_285 = arith.mulf %parallel_loop3A_284, %parallel_loop3A_90 : vector<16xf32>
        %parallel_loop3A_286 = arith.addf %parallel_loop3A_85, %parallel_loop3A_285 : vector<16xf32>
        %parallel_loop3A_287 = arith.constant 16 : i32
        %parallel_loop3A_288 = arith.muli %parallel_loop3A_80, %parallel_loop3A_287 : i32
        %parallel_loop3A_289 = arith.constant 11 : i32
        %parallel_loop3A_290 = arith.index_cast %parallel_loop3A_289 : i32 to index
        %parallel_loop3A_291 = arith.index_cast %parallel_loop3A_288 : i32 to index
        %parallel_loop3A_292 = tpu.vector_load %arg9[%parallel_loop3A_290, %parallel_loop3A_291] {strides = array<i32>} : memref<16x1024xf32, #tpu.memory_space<vmem>>, vector<1x16xf32>,
        %parallel_loop3A_293 = vector.shape_cast %parallel_loop3A_292 : vector<1x16xf32> to vector<16xf32>
        %parallel_loop3A_294 = vector.shape_cast %parallel_loop3A_286 : vector<16xf32> to vector<1x16xf32>
        tpu.vector_store %arg9[%parallel_loop3A_290, %parallel_loop3A_291], %parallel_loop3A_294 {strides = array<i32>} : memref<16x1024xf32, #tpu.memory_space<vmem>>, vector<1x16xf32>,
        %parallel_loop3A_295 = arith.constant 16 : i32
        %parallel_loop3A_296 = arith.muli %parallel_loop3A_80, %parallel_loop3A_295 : i32
        %parallel_loop3A_297 = arith.constant 12 : i32
        %parallel_loop3A_298 = arith.index_cast %parallel_loop3A_297 : i32 to index
        %parallel_loop3A_299 = arith.index_cast %parallel_loop3A_296 : i32 to index
        %parallel_loop3A_300 = tpu.vector_load %arg7[%parallel_loop3A_298, %parallel_loop3A_299] {strides = array<i32>} : memref<16x1024xf32, #tpu.memory_space<vmem>>, vector<1x16xf32>,
        %parallel_loop3A_301 = vector.shape_cast %parallel_loop3A_300 : vector<1x16xf32> to vector<16xf32>
        %parallel_loop3A_302 = arith.mulf %parallel_loop3A_301, %parallel_loop3A_90 : vector<16xf32>
        %parallel_loop3A_303 = arith.addf %parallel_loop3A_85, %parallel_loop3A_302 : vector<16xf32>
        %parallel_loop3A_304 = arith.constant 16 : i32
        %parallel_loop3A_305 = arith.muli %parallel_loop3A_80, %parallel_loop3A_304 : i32
        %parallel_loop3A_306 = arith.constant 12 : i32
        %parallel_loop3A_307 = arith.index_cast %parallel_loop3A_306 : i32 to index
        %parallel_loop3A_308 = arith.index_cast %parallel_loop3A_305 : i32 to index
        %parallel_loop3A_309 = tpu.vector_load %arg9[%parallel_loop3A_307, %parallel_loop3A_308] {strides = array<i32>} : memref<16x1024xf32, #tpu.memory_space<vmem>>, vector<1x16xf32>,
        %parallel_loop3A_310 = vector.shape_cast %parallel_loop3A_309 : vector<1x16xf32> to vector<16xf32>
        %parallel_loop3A_311 = vector.shape_cast %parallel_loop3A_303 : vector<16xf32> to vector<1x16xf32>
        tpu.vector_store %arg9[%parallel_loop3A_307, %parallel_loop3A_308], %parallel_loop3A_311 {strides = array<i32>} : memref<16x1024xf32, #tpu.memory_space<vmem>>, vector<1x16xf32>,
        %parallel_loop3A_312 = arith.constant 16 : i32
        %parallel_loop3A_313 = arith.muli %parallel_loop3A_80, %parallel_loop3A_312 : i32
        %parallel_loop3A_314 = arith.constant 13 : i32
        %parallel_loop3A_315 = arith.index_cast %parallel_loop3A_314 : i32 to index
        %parallel_loop3A_316 = arith.index_cast %parallel_loop3A_313 : i32 to index
        %parallel_loop3A_317 = tpu.vector_load %arg7[%parallel_loop3A_315, %parallel_loop3A_316] {strides = array<i32>} : memref<16x1024xf32, #tpu.memory_space<vmem>>, vector<1x16xf32>,
        %parallel_loop3A_318 = vector.shape_cast %parallel_loop3A_317 : vector<1x16xf32> to vector<16xf32>
        %parallel_loop3A_319 = arith.mulf %parallel_loop3A_318, %parallel_loop3A_90 : vector<16xf32>
        %parallel_loop3A_320 = arith.addf %parallel_loop3A_85, %parallel_loop3A_319 : vector<16xf32>
        %parallel_loop3A_321 = arith.constant 16 : i32
        %parallel_loop3A_322 = arith.muli %parallel_loop3A_80, %parallel_loop3A_321 : i32
        %parallel_loop3A_323 = arith.constant 13 : i32
        %parallel_loop3A_324 = arith.index_cast %parallel_loop3A_323 : i32 to index
        %parallel_loop3A_325 = arith.index_cast %parallel_loop3A_322 : i32 to index
        %parallel_loop3A_326 = tpu.vector_load %arg9[%parallel_loop3A_324, %parallel_loop3A_325] {strides = array<i32>} : memref<16x1024xf32, #tpu.memory_space<vmem>>, vector<1x16xf32>,
        %parallel_loop3A_327 = vector.shape_cast %parallel_loop3A_326 : vector<1x16xf32> to vector<16xf32>
        %parallel_loop3A_328 = vector.shape_cast %parallel_loop3A_320 : vector<16xf32> to vector<1x16xf32>
        tpu.vector_store %arg9[%parallel_loop3A_324, %parallel_loop3A_325], %parallel_loop3A_328 {strides = array<i32>} : memref<16x1024xf32, #tpu.memory_space<vmem>>, vector<1x16xf32>,
        %parallel_loop3A_329 = arith.constant 16 : i32
        %parallel_loop3A_330 = arith.muli %parallel_loop3A_80, %parallel_loop3A_329 : i32
        %parallel_loop3A_331 = arith.constant 14 : i32
        %parallel_loop3A_332 = arith.index_cast %parallel_loop3A_331 : i32 to index
        %parallel_loop3A_333 = arith.index_cast %parallel_loop3A_330 : i32 to index
        %parallel_loop3A_334 = tpu.vector_load %arg7[%parallel_loop3A_332, %parallel_loop3A_333] {strides = array<i32>} : memref<16x1024xf32, #tpu.memory_space<vmem>>, vector<1x16xf32>,
        %parallel_loop3A_335 = vector.shape_cast %parallel_loop3A_334 : vector<1x16xf32> to vector<16xf32>
        %parallel_loop3A_336 = arith.mulf %parallel_loop3A_335, %parallel_loop3A_90 : vector<16xf32>
        %parallel_loop3A_337 = arith.addf %parallel_loop3A_85, %parallel_loop3A_336 : vector<16xf32>
        %parallel_loop3A_338 = arith.constant 16 : i32
        %parallel_loop3A_339 = arith.muli %parallel_loop3A_80, %parallel_loop3A_338 : i32
        %parallel_loop3A_340 = arith.constant 14 : i32
        %parallel_loop3A_341 = arith.index_cast %parallel_loop3A_340 : i32 to index
        %parallel_loop3A_342 = arith.index_cast %parallel_loop3A_339 : i32 to index
        %parallel_loop3A_343 = tpu.vector_load %arg9[%parallel_loop3A_341, %parallel_loop3A_342] {strides = array<i32>} : memref<16x1024xf32, #tpu.memory_space<vmem>>, vector<1x16xf32>,
        %parallel_loop3A_344 = vector.shape_cast %parallel_loop3A_343 : vector<1x16xf32> to vector<16xf32>
        %parallel_loop3A_345 = vector.shape_cast %parallel_loop3A_337 : vector<16xf32> to vector<1x16xf32>
        tpu.vector_store %arg9[%parallel_loop3A_341, %parallel_loop3A_342], %parallel_loop3A_345 {strides = array<i32>} : memref<16x1024xf32, #tpu.memory_space<vmem>>, vector<1x16xf32>,
        %parallel_loop3A_346 = arith.constant 16 : i32
        %parallel_loop3A_347 = arith.muli %parallel_loop3A_80, %parallel_loop3A_346 : i32
        %parallel_loop3A_348 = arith.constant 15 : i32
        %parallel_loop3A_349 = arith.index_cast %parallel_loop3A_348 : i32 to index
        %parallel_loop3A_350 = arith.index_cast %parallel_loop3A_347 : i32 to index
        %parallel_loop3A_351 = tpu.vector_load %arg7[%parallel_loop3A_349, %parallel_loop3A_350] {strides = array<i32>} : memref<16x1024xf32, #tpu.memory_space<vmem>>, vector<1x16xf32>,
        %parallel_loop3A_352 = vector.shape_cast %parallel_loop3A_351 : vector<1x16xf32> to vector<16xf32>
        %parallel_loop3A_353 = arith.mulf %parallel_loop3A_352, %parallel_loop3A_90 : vector<16xf32>
        %parallel_loop3A_354 = arith.addf %parallel_loop3A_85, %parallel_loop3A_353 : vector<16xf32>
        %parallel_loop3A_355 = arith.constant 16 : i32
        %parallel_loop3A_356 = arith.muli %parallel_loop3A_80, %parallel_loop3A_355 : i32
        %parallel_loop3A_357 = arith.constant 15 : i32
        %parallel_loop3A_358 = arith.index_cast %parallel_loop3A_357 : i32 to index
        %parallel_loop3A_359 = arith.index_cast %parallel_loop3A_356 : i32 to index
        %parallel_loop3A_360 = tpu.vector_load %arg9[%parallel_loop3A_358, %parallel_loop3A_359] {strides = array<i32>} : memref<16x1024xf32, #tpu.memory_space<vmem>>, vector<1x16xf32>,
        %parallel_loop3A_361 = vector.shape_cast %parallel_loop3A_360 : vector<1x16xf32> to vector<16xf32>
        %parallel_loop3A_362 = vector.shape_cast %parallel_loop3A_354 : vector<16xf32> to vector<1x16xf32>
        tpu.vector_store %arg9[%parallel_loop3A_358, %parallel_loop3A_359], %parallel_loop3A_362 {strides = array<i32>} : memref<16x1024xf32, #tpu.memory_space<vmem>>, vector<1x16xf32>,
      } {sc.loop_unroll_factor = 4 : i64, sc.parallel_access}
      %dma_start3A_71 = arith.constant 0 : i32
      %dma_start3A_72 = tpu.memref_slice %arg5[%add3A_58, %dma_start3A_71] : memref<16384x1024xf32, #tpu.memory_space<hbm>> -> memref<16x1024xf32, #tpu.memory_space<hbm>>
      %dma_start3A_73 = arith.constant 0 : i32
      %dma_start3A_74 = tpu.memref_slice %arg5[%add3A_58, %dma_start3A_73] : memref<16384x1024xf32, #tpu.memory_space<hbm>> -> memref<16x1024xf32, #tpu.memory_space<hbm>>
      tpu.enqueue_dma source(%arg9 : memref<16x1024xf32, #tpu.memory_space<vmem>>) target(%dma_start3A_74 : memref<16x1024xf32, #tpu.memory_space<hbm>>) target_semaphore(%arg15 : memref<!tpu.dma_semaphore, #tpu.memory_space<semaphore_mem>>)
      %le3A_75 = arith.constant 14 : i32
      %le3A_76 = arith.cmpi sle, %scan3A_30, %le3A_75 : i32
      %convert_element_type3A_77 = arith.extui %le3A_76 : i1 to i32
      %cond3A_78 = arith.constant 0 : i32
      %cond3A_79 = arith.cmpi ne, %convert_element_type3A_77, %cond3A_78 : i32
      scf.if %cond3A_79 {
        %add3A_80 = arith.constant 32 : i32
        %add3A_81 = arith.addi %add3A_58, %add3A_80 : i32
        %dma_start3A_82 = arith.constant 0 : i32
        %dma_start3A_83 = tpu.memref_slice %arg2[%add3A_81, %dma_start3A_82] : memref<16384x1024xf32, #tpu.memory_space<hbm>> -> memref<16x1024xf32, #tpu.memory_space<hbm>>
        %dma_start3A_84 = arith.constant 0 : i32
        %dma_start3A_85 = tpu.memref_slice %arg2[%add3A_81, %dma_start3A_84] : memref<16384x1024xf32, #tpu.memory_space<hbm>> -> memref<16x1024xf32, #tpu.memory_space<hbm>>
        tpu.enqueue_dma source(%dma_start3A_85 : memref<16x1024xf32, #tpu.memory_space<hbm>>) target(%arg7 : memref<16x1024xf32, #tpu.memory_space<vmem>>) target_semaphore(%arg13 : memref<!tpu.dma_semaphore, #tpu.memory_space<semaphore_mem>>)
      } else {
      }
    }
    %scan3A_18 = arith.constant 16 : i32
    %add3A_19 = arith.constant 480 : i32
    %add3A_20 = arith.addi %mul3A_2, %add3A_19 : i32
    %dma_wait3A = arith.constant 0 : i32
    %dma_wait3A_21 = tpu.memref_slice %arg5[%add3A_20, %dma_wait3A] : memref<16384x1024xf32, #tpu.memory_space<hbm>> -> memref<16x1024xf32, #tpu.memory_space<hbm>>
    %dma_wait3A_22 = arith.constant 0 : i32
    %dma_wait3A_23 = tpu.memref_slice %arg5[%add3A_20, %dma_wait3A_22] : memref<16384x1024xf32, #tpu.memory_space<hbm>> -> memref<16x1024xf32, #tpu.memory_space<hbm>>
    tpu.wait_dma2 semaphore(%arg14 : memref<!tpu.dma_semaphore, #tpu.memory_space<semaphore_mem>>) src(%arg8 : memref<16x1024xf32, #tpu.memory_space<vmem>>) dst(%dma_wait3A_23 : memref<16x1024xf32, #tpu.memory_space<hbm>>)
    %add3A_24 = arith.constant 496 : i32
    %add3A_25 = arith.addi %mul3A_2, %add3A_24 : i32
    %dma_wait3A_26 = arith.constant 0 : i32
    %dma_wait3A_27 = tpu.memref_slice %arg5[%add3A_25, %dma_wait3A_26] : memref<16384x1024xf32, #tpu.memory_space<hbm>> -> memref<16x1024xf32, #tpu.memory_space<hbm>>
    %dma_wait3A_28 = arith.constant 0 : i32
    %dma_wait3A_29 = tpu.memref_slice %arg5[%add3A_25, %dma_wait3A_28] : memref<16384x1024xf32, #tpu.memory_space<hbm>> -> memref<16x1024xf32, #tpu.memory_space<hbm>>
    tpu.wait_dma2 semaphore(%arg15 : memref<!tpu.dma_semaphore, #tpu.memory_space<semaphore_mem>>) src(%arg9 : memref<16x1024xf32, #tpu.memory_space<vmem>>) dst(%dma_wait3A_29 : memref<16x1024xf32, #tpu.memory_space<hbm>>)
    return
  }
}

</mosaic_0001>

<sc_bundles>
// kernel: kernel.3.cloned.1.call-start
scs
__scs_entry_jumppad:
0x0: {  	(pc) =	sbr.rel $0x88, $3  }
0x1: {  	(tag) =	ssettag $0x0;
	lr =	simm.s32 $0x1  }
0x2: {  	[smem:$0x3F9E] =	sst lr;
	_ =	strace $0xD0000000  }
0x3: {  	_ = 	snop  }
0x4: {  	_ = 	snop  }
0x5: {  	_ = 	snop  }
0x6: {  	_ = 	snop  }
0x7: {  	_ = 	snop  }
__scs_overlays_trampoline_lowered:
0x8: {  	[smem:$0x3FAD] =	sst s0  }
0x9: {  	[smem:$0x3FAE] =	sst s1  }
0xa: {  	[smem:$0x3FAF] =	sst s2  }
0xb: {  	[smem:$0x3FB0] =	sst s3  }
0xc: {  	[smem:$0x3FB1] =	sst s4  }
0xd: {  	[smem:$0x3FB2] =	sst s5  }
0xe: {  	[smem:$0x3FB3] =	sst s6  }
0xf: {  	[smem:$0x3FB4] =	sst s7  }
0x10: {  	[smem:$0x3FB5] =	sst s8  }
0x11: {  	[smem:$0x3FB6] =	sst s9;
	s0 =	simm.s32 @!p0 $0x0  }
0x12: {  	s1 =	sld [smem:$0x3F9C];
	s0 =	simm.s32 @p0 $0x1  }
0x13: {  	[smem:$0x3FB7] =	sst s0;
	s0 =	simm.s32 @!p1 $0x0  }
0x14: {  	s2 =	sld [smem:$0x3F9B];
	s0 =	simm.s32 @p1 $0x1  }
0x15: {  	[smem:$0x3FB8] =	sst s0;
	s0 =	simm.s32 @!p2 $0x0  }
0x16: {  	s3 =	sld [smem:$0x3FDB];
	s0 =	simm.s32 @p2 $0x1  }
0x17: {  	s4 =	simm.s32 $0x1BF5;
	[smem:$0x3FBA] =	sst s0  }
0x18: {  	s0 =	sld [smem:$0x3F9D];
	_ =	swait.ge [sflag:s4], $0x0  }
0x19: {  	s7 =	sld [smem:$0x3F9E]  }
0x1a: {  	s8 =	sadd.s32 $0xFFFFE003, lr  }
0x1b: {  	s9 =	sadd.s32 $0xFFFFFEF7, lr;
	s5 =	simm.s32 $0xFFFFFFFF;
	p2 =	slt.u32 s8, $0xFFFFF086  }
0x1c: {  	p1 =	slt.u32 s9, $0xF7A;
	s5 =	simm.s32 @!p2 $0x0  }
0x1d: {  	s5 =	simm.s32 @p1 $0x1;
	p0 =	seq.s32 s7, s2  }
0x1e: {  	s7 =	smul.u32 @!p0 $0xF7A, s2;
	p2 =	seq.s32 @!p0 s5, $0x0  }
0x1f: {  	s9 =	smul.u32 $0xF7A, s1;
	s8 =	simm.s32 @!p0 $0x1BF5;
	p2 =	por !p2, p0  }
0x20: {  	[sflag:s8] =	ssyncset.s32 @!p0 $0xFFFFF086;
	s6 =	sadd.s32 @!p0 s3, s7;
	s7 =	simm.s32 @!p0 $0x108  }
0x21: {  	s3 =	sadd.s32 s3, s9;
	s6 =	sadd.s32 @!p0 $0x88, s6;
	s7 =	simm.s32 @p2 $0x1082  }
0x22: {  	[simem:s7], [sflag:s8] =	dma.local @!p0 [hbm:s6], $0xF7A  }
0x23: {  	s9 =	sor.u32 $0xD0000000, s2;
	s6 =	simm.s32 $0x108;
	_ =	swait.ge @!p0 [sflag:s8], $0x0  }
0x24: {  	s3 =	sadd.s32 $0x88, s3;
	s6 =	simm.s32 @!p1 $0x1082;
	[sflag:s4] =	ssyncset.s32 $0xFFFFF086  }
0x25: {  	[simem:s6], [sflag:s4] =	dma.local [hbm:s3], $0xF7A  }
0x26: {  	[smem:$0x3F9E] =	sst s1;
	(tag) =	ssettag s2;
	_ =	strace s9  }
0x27: {  	s1 =	sld [smem:$0x3FAE]  }
0x28: {  	s2 =	sld [smem:$0x3FAF]  }
0x29: {  	s4 =	sld [smem:$0x3FB1]  }
0x2a: {  	p0 =	seq.s32 s5, $0x0;
	s5 =	sld [smem:$0x3FB2]  }
0x2b: {  	s6 =	sld [smem:$0x3FB3]  }
0x2c: {  	s7 =	sld [smem:$0x3FB4]  }
0x2d: {  	s3 =	simm.s32 $0x108;
	s8 =	sld [smem:$0x3FB5]  }
0x2e: {  	s3 =	simm.s32 @!p0 $0x1082;
	s9 =	sld [smem:$0x3FB6]  }
0x2f: {  	lr =	sadd.s32 s0, s3;
	s0 =	sld [smem:$0x3FAD]  }
0x30: {  	s3 =	sld [smem:$0x3FB0]  }
0x31: {  	[smem:$0x3FB9] =	sst s10  }
0x32: {  	s10 =	sld [smem:$0x3FB7];
	_ =	sdelay $0x3  }
0x33: {  	p0 =	seq.s32 s10, $0x1;
	s10 =	sld [smem:$0x3FB9];
	_ =	sdelay $0x3  }
0x34: {  	[smem:$0x3FB9] =	sst s10  }
0x35: {  	s10 =	sld [smem:$0x3FB8];
	_ =	sdelay $0x3  }
0x36: {  	p1 =	seq.s32 s10, $0x1;
	s10 =	sld [smem:$0x3FB9];
	_ =	sdelay $0x3  }
0x37: {  	[smem:$0x3FB9] =	sst s10  }
0x38: {  	s10 =	sld [smem:$0x3FBA]  }
0x39: {  	_ = 	snop;
	(pc) =	sbr.ind lr, $3  }
0x3a: {  	_ = 	snop  }
0x3b: {  	_ = 	snop  }
0x3c: {  	p2 =	seq.s32 s10, $0x1;
	s10 =	sld [smem:$0x3FB9]  }
0x3d: {  	_ =	shalt  }
0x3e: {  	_ =	shalt  }
0x3f: {  	_ =	shalt  }
0x40: {  	_ =	shalt  }
0x41: {  	_ =	shalt  }
0x42: {  	_ =	shalt  }
0x43: {  	_ =	shalt  }
0x44: {  	_ =	shalt  }
0x45: {  	_ =	shalt  }
0x46: {  	_ =	shalt  }
0x47: {  	_ =	shalt  }
0x48: {  	_ =	shalt  }
0x49: {  	_ =	shalt  }
0x4a: {  	_ =	shalt  }
0x4b: {  	_ =	shalt  }
0x4c: {  	_ =	shalt  }
0x4d: {  	_ =	shalt  }
0x4e: {  	_ =	shalt  }
0x4f: {  	_ =	shalt  }
0x50: {  	_ =	shalt  }
0x51: {  	_ =	shalt  }
0x52: {  	_ =	shalt  }
0x53: {  	_ =	shalt  }
0x54: {  	_ =	shalt  }
0x55: {  	_ =	shalt  }
0x56: {  	_ =	shalt  }
0x57: {  	_ =	shalt  }
0x58: {  	_ =	shalt  }
0x59: {  	_ =	shalt  }
0x5a: {  	_ =	shalt  }
0x5b: {  	_ =	shalt  }
0x5c: {  	_ =	shalt  }
0x5d: {  	_ =	shalt  }
0x5e: {  	_ =	shalt  }
0x5f: {  	_ =	shalt  }
0x60: {  	_ =	shalt  }
0x61: {  	_ =	shalt  }
0x62: {  	_ =	shalt  }
0x63: {  	_ =	shalt  }
0x64: {  	_ =	shalt  }
0x65: {  	_ =	shalt  }
0x66: {  	_ =	shalt  }
0x67: {  	_ =	shalt  }
0x68: {  	_ =	shalt  }
0x69: {  	_ =	shalt  }
0x6a: {  	_ =	shalt  }
0x6b: {  	_ =	shalt  }
0x6c: {  	_ =	shalt  }
0x6d: {  	_ =	shalt  }
0x6e: {  	_ =	shalt  }
0x6f: {  	_ =	shalt  }
0x70: {  	_ =	shalt  }
0x71: {  	_ =	shalt  }
0x72: {  	_ =	shalt  }
0x73: {  	_ =	shalt  }
0x74: {  	_ =	shalt  }
0x75: {  	_ =	shalt  }
0x76: {  	_ =	shalt  }
0x77: {  	_ =	shalt  }
0x78: {  	_ =	shalt  }
0x79: {  	_ =	shalt  }
0x7a: {  	_ =	shalt  }
0x7b: {  	_ =	shalt  }
0x7c: {  	_ =	shalt  }
0x7d: {  	_ =	shalt  }
0x7e: {  	_ =	shalt  }
0x7f: {  	_ =	shalt  }
0x80: {  	_ =	shalt  }
0x81: {  	_ =	shalt  }
0x82: {  	_ =	shalt  }
0x83: {  	_ =	shalt  }
0x84: {  	_ =	shalt  }
0x85: {  	_ =	shalt  }
0x86: {  	_ =	shalt  }
0x87: {  	_ =	shalt  }
.Lfunc_end0:
.L_simem_size_0:
called_computation_lowered:
.L_overlay_start_0:
0x88: {  	s2 =	sld [smem:$0x3FD9]  }
0x89: {  	s3 =	sld [smem:$0x3FFE];
	_ =	sdelay $0x1  }
0x8a: {  	s1 =	srdreg.scid  }
0x8b: {  	s0 =	sand.u32 $0x1, s1  }
0x8c: {  	s18 =	sshll.u32 s0, $0xA;
	s2 =	sadd.s32 s3, s2  }
0x8d: {  	s2 =	sadd.s32 s2, s18  }
0x8e: {  	[smem:$0x3FC5] =	sst s2  }
0x8f: {  	_ = 	snop  }
0x90: {  	s2 =	sld [smem:$0x3FC9]  }
0x91: {  	s19 =	sld [smem:$0x3FC8]  }
0x92: {  	s4 =	sld [smem:$0x3FC7]  }
0x93: {  	s5 =	sld [smem:$0x3FD0];
	(tm) =	ssettm $0x1  }
0x94: {  	s6 =	sld [smem:$0x3FFB];
	_ =	sdelay $0x3  }
0x95: {  	_ =	strace s6  }
0x96: {  	s6 =	sld [smem:$0x3FFC];
	_ =	sdelay $0x3  }
0x97: {  	_ =	strace s6  }
0x98: {  	s6 =	sld [smem:$0x3FFD];
	_ =	sdelay $0x3  }
0x99: {  	_ =	strace s6  }
0x9a: {  	_ =	strace $0x8FFFFFFF  }
0x9b: {  	s20 =	sld [smem:$0x3FDB];
	_ =	sdelay $0x1  }
0x9c: {  	s7 =	simm.s32 $_scs_section_size  }
0x9d: {  	s8 =	simm.s32 $_size__tile_overlayer_lowered;
	s9 =	simm.s32 $_tile_overlayer_lowered  }
0x9e: {  	s23 =	simm.s32 $0x1BFF;
	s22 =	sshll.u32 s9, $0x1;
	s6 =	sadd.s32 s7, s20  }
0x9f: {  	s10 =	simm.s32 $0x0;
	s21 =	sshll.u32 s8, $0x1;
	s8 =	sadd.s32 s22, s6  }
0xa0: {  	[timem:s10], [sflag:s23] =	dma.local [hbm:s8], s21  }
0xa1: {  	_ =	swait.ge [sflag:s23], s21  }
0xa2: {  	s7 =	ssub.s32 $0x0, s21;
	[sflag:s23] =	ssyncset.done $0x0  }
0xa3: {  	[sflag:s23] =	ssyncadd.s32 s7;
	_ =	sdelay $0x1  }
0xa4: {  	s24 =	simm.s32 $0x1B8B  }
0xa5: {  	_ =	swait.ge [sflag:s24], $0x1  }
0xa6: {  	[sflag:s24] =	ssyncset.done $0x0  }
0xa7: {  	s25 =	simm.s32 $0x1B8E;
	[sflag:s24] =	ssyncadd.s32 $0xFFFFFFFF  }
0xa8: {  	s26 =	simm.s32 $execute0_lowered;
	[smem:$0x3FD2] =	sst s25  }
0xa9: {  	s7 =	sshll.u32 s26, $0x1;
	_ =	strace $0x80000046;
	[dreg:$0x1] =	wrdreg $0xFFFFFFFF  }
0xaa: {  	s28 =	simm.s32 $_size_execute0_lowered;
	s6 =	sadd.s32 s6, s7;
	[dreg:$0x0] =	wrdreg $0x0  }
0xab: {  	s7 =	sshll.u32 s28, $0x1;
	[dreg:$0x2] =	wrdreg s6  }
0xac: {  	[dreg:$0x3] =	wrdreg s7  }
0xad: {  	[dreg:$0x4] =	wrdreg $0xC0  }
0xae: {  	_ =	task [dreg:s10], $0x5FFFF  }
0xaf: {  	[dreg:$0x1] =	wrdreg $0xFFFFFFFF  }
0xb0: {  	[dreg:$0x0] =	wrdreg $0x60  }
0xb1: {  	[dreg:$0x2] =	wrdreg s2  }
0xb2: {  	[dreg:$0x3] =	wrdreg s19  }
0xb3: {  	[dreg:$0x4] =	wrdreg s4  }
0xb4: {  	[dreg:$0x5] =	wrdreg s5  }
0xb5: {  	[dreg:$0x6] =	wrdreg $0x9  }
0xb6: {  	_ =	task.clear_ibuf [dreg:s10], $0x7FFFF;
	_ =	strace $0x90000046  }
0xb7: {  	s29 =	simm.s32 $0x9;
	_ =	strace $0x80000048  }
0xb8: {  	_ =	swait.ge [sflag:s29], $0x1  }
0xb9: {  	[sflag:s29] =	ssyncadd.s32 $0xFFFFFFFF  }
0xba: {  	_ =	strace $0x90000048  }
0xbb: {  	_ =	sfence  }
0xbc: {  	s30 =	sld [smem:$0x0];
	_ =	sdelay $0x2  }
0xbd: {  	s31 =	sshll.u32 s1, $0xD;
	s1 =	sshrl.u32 s1, $0x2  }
0xbe: {  	s3 =	sand.u32 $0x4000, s31;
	s1 =	sadd.s32 s1, s30  }
0xbf: {  	s0 =	sor.u32 s3, s0;
	s1 =	sshll.u32 s1, $0x11  }
0xc0: {  	s0 =	sor.u32 s1, s0  }
0xc1: {  	s0 =	sadd.s32 $0x8F2B, s0  }
0xc2: {  	[sflag:s0] =	ssyncadd.remote.s32 $0x1  }
0xc3: {  	_ =	sfence.sel $0xFFFF  }
0xc4: {  	[dreg:$0x0] =	wrdreg $0xFFFFFFFF;
	(pc) =	sbr.abs _section_cstart, $3  }
0xc5: {  	[dreg:$0x1] =	wrdreg $0xFFFFFFFF  }
0xc6: {  	_ =	task.clear_ibuf [dreg:s10], $0x2FFFF;
	_ =	strace $0x9FFFFFFF  }
0xc7: {  	(tm) =	ssettm $0x7FFFFFFF  }
tec
execute0_lowered:
.L_overlay_start_1:
0x0: {  	(tag) =	ssettag $0x1  }
0x1: {  	s0 =	rddreg [dreg:$0x0];
	s1 =	srdreg.scid  }
0x2: {  	s2 =	stileid.u32;
	s4 =	simm.s32 $0x0;
	s1 =	sand.u32 $0x1, s1  }
0x3: {  	s2 =	sshll.u32 s2, $0x11;
	[smem:$0x7FF] =	sst s4;
	s3 =	sshll.u32 s1, $0x10  }
0x4: {  	s1 =	ssub.s32 $0x2, s1;
	_ =	strace $0x80000047;
	s3 =	sor.u32 s3, s2  }
.Ltmp0:
0x5: {  	[smem:$0x7F9] =	sst s3;
	s3 =	sadd.s32 s0, s3;
	(pc) =	sbr.rel .LBB2_1-.Ltmp0, $4  }
0x6: {  	s29 =	sshrl.u32 s1, $0x1;
	s0 =	sadd.s32 $0x1000, s0;
	[smem:$0x7FA] =	sst s3  }
0x7: {  	s1 =	ssub.s32 s1, s29;
	s30 =	sadd.s32 $0x800, s3;
	[smem:$0x7FC] =	sst s0  }
0x8: {  	s31 =	smax.u32 s1, $0x1;
	[smem:$0x7FB] =	sst s30  }
0x9: {  	s2 =	simm.s32 $0x0;
	[smem:$0x7FD] =	sst s31  }
.LBB2_12:
0xa: {  	s0 =	simm.s32 $0x3  }
0xb: {  	_ =	swait.ge [sflag:s0], $0x4000  }
0xc: {  	[sflag:s0] =	ssyncset.done $0x0  }
0xd: {  	s1 =	simm.s32 $0x4;
	[sflag:s0] =	ssyncadd.s32 $0xFFFFC000  }
0xe: {  	_ =	swait.ge [sflag:s1], $0x4000  }
0xf: {  	s2 =	sld [smem:$0x7F8]  }
0x10: {  	s31 =	sld [smem:$0x7FD];
	_ =	sdelay $0x1  }
0x11: {  	s2 =	sadd.s32 $0x1, s2  }
0x12: {  	p0 =	sne.s32 s2, s31  }
.Ltmp1:
0x13: {  	_ = 	snop;
	(pc) =	sbr.rel @!p0 .LBB2_13-.Ltmp1, $3  }
0x14: {  	_ =	sdelay $0x1  }
0x15: {  	[sflag:s1] =	ssyncset.done $0x0  }
0x16: {  	[sflag:s1] =	ssyncadd.s32 $0xFFFFC000  }
.LBB2_1:
0x17: {  	[smem:$0x7F8] =	sst s2  }
0x18: {  	s0 =	rddreg [dreg:$0x1];
	s1 =	simm.s32 $0x10000;
	s25 =	simm.s32 $0x5  }
0x19: {  	[tilespmem:s1], [sflag:$0x5] =	stream.linear.gather [hbm4b:s0+s4], $0x400, $0x38;
	[tilespmem:$0x10800] =	vst v63  }
0x1a: {  	_ =	swait.ge [sflag:s25], $0x400  }
0x1b: {  	[sflag:s25] =	ssyncset.done $0x0  }
0x1c: {  	[sflag:s25] =	ssyncadd.s32 $0xFFFFFC00  }
0x1d: {  	s28 =	simm.s32 $0x10400;
	s26 =	rddreg [dreg:$0x2]  }
0x1e: {  	[tilespmem:s28], [sflag:$0x5] =	stream.linear.gather [hbm4b:s26+s4], $0x400, $0x38;
	[tilespmem:$0x10800] =	vst v63  }
0x1f: {  	_ =	swait.ge [sflag:s25], $0x400  }
0x20: {  	s29 =	sld [smem:$0x7FA]  }
0x21: {  	[sflag:s25] =	ssyncset.done $0x0  }
0x22: {  	s30 =	sld [smem:$0x7FB];
	[sflag:s25] =	ssyncadd.s32 $0xFFFFFC00  }
0x23: {  	[tilespmem:s4], [sflag:$0x1] =	stream.linear.gather [hbm4b:s29+s4], $0x4000, $0x38;
	[tilespmem:$0x10800] =	vst v63  }
0x24: {  	s31 =	simm.s32 $0x4000;
	s2 =	simm.s32 $0x0  }
0x25: {  	[tilespmem:s31], [sflag:$0x2] =	stream.linear.gather [hbm4b:s30+s4], $0x4000, $0x38;
	[tilespmem:$0x10800] =	vst v63  }
.LBB2_2:
0x26: {  	s0 =	simm.s32 $0x1  }
0x27: {  	_ =	swait.ge [sflag:s0], $0x4000  }
0x28: {  	p0 =	seq.s32 s2, $0x0;
	s30 =	simm.s32 $0x0;
	[sflag:s0] =	ssyncset.done $0x0  }
0x29: {  	[smem:$0x7D5] =	sst s2;
	s2 =	simm.s32 @!p0 $0x3;
	[sflag:s0] =	ssyncadd.s32 $0xFFFFC000  }
0x2a: {  	s21 =	sand.u32 $0x40, s30;
	_ =	swait.ge @!p0 [sflag:s2], $0x4000  }
0x2b: {  	s3 =	sand.u32 $0x380, s30;
	s4 =	sor.u32 $0x30, s21;
	[sflag:s2] =	ssyncset.done @!p0 $0x0  }
0x2c: {  	s22 =	sor.u32 s3, s4;
	[sflag:s2] =	ssyncadd.s32 @!p0 $0xFFFFC000  }
0x2d: {  	s6 =	sand.u32 $0x1C00, s30;
	v31 =	vld [tilespmem:s22+$0x10000]  }
0x2e: {  	s23 =	sor.u32 s6, s4;
	v32 =	vld [tilespmem:s22+$0x10400]  }
0x2f: {  	v0 =	vld [tilespmem:s23+$0x0]  }
0x30: {  	v1 =	vld [tilespmem:s23+$0x80]  }
0x31: {  	v2 =	vld [tilespmem:s23+$0x100]  }
0x32: {  	v3 =	vld [tilespmem:s23+$0x180];
	_ =	sdelay $0x1  }
0x33: {  	v0 =	vmul.f32 v0, v32  }
0x34: {  	v1 =	vmul.f32 v1, v32  }
0x35: {  	p1 =	por $0x0, $0x0;
	s4 =	simm.s32 $0x1;
	v2 =	vmul.f32 v2, v32;
	v0 =	vadd.f32 v0, v31  }
0x36: {  	s4 =	simm.s32 @!p1 $0x0;
	v3 =	vmul.f32 v3, v32;
	v1 =	vadd.f32 v1, v31  }
0x37: {  	s4 =	sshll.u32 s4, $0x6;
	[tilespmem:s23+$0x8000] =	vst v0;
	v0 =	vadd.f32 v2, v31  }
0x38: {  	s8 =	sor.u32 $0x10, s21;
	s25 =	sadd.s32 $0x0, s4;
	[tilespmem:s23+$0x8080] =	vst v1;
	v1 =	vadd.f32 v3, v31  }
0x39: {  	s9 =	sor.u32 s3, s8;
	s5 =	sadd.s32 $0x30, s25;
	[tilespmem:s23+$0x8100] =	vst v0  }
0x3a: {  	v25 =	vld [tilespmem:s9+$0x10400];
	s7 =	sor.u32 $0x200, s5;
	[tilespmem:s23+$0x8180] =	vst v1  }
0x3b: {  	s4 =	sor.u32 s6, s8;
	v2 =	vld [tilespmem:s7+$0x0]  }
0x3c: {  	v4 =	vld [tilespmem:s4+$0x80]  }
0x3d: {  	s29 =	sor.u32 $0x20, s21;
	v5 =	vld [tilespmem:s4+$0x100]  }
0x3e: {  	s3 =	sor.u32 s3, s29;
	v6 =	vld [tilespmem:s4+$0x180]  }
0x3f: {  	v27 =	vld [tilespmem:s3+$0x10400]  }
0x40: {  	s10 =	sor.u32 s6, s29;
	v26 =	vld [tilespmem:s9+$0x10000];
	v2 =	vmul.f32 v2, v32  }
0x41: {  	v7 =	vld [tilespmem:s10+$0x0]  }
0x42: {  	v3 =	vld [tilespmem:s4+$0x0];
	v2 =	vadd.f32 v2, v31  }
0x43: {  	v8 =	vld [tilespmem:s10+$0x80]  }
0x44: {  	v9 =	vld [tilespmem:s10+$0x100];
	s1 =	sor.u32 $0x280, s5;
	[tilespmem:s7+$0x8000] =	vst v2  }
0x45: {  	v4 =	vmul.f32 v4, v25;
	v2 =	vld [tilespmem:s1+$0x0]  }
0x46: {  	v28 =	vld [tilespmem:s3+$0x10000]  }
0x47: {  	s9 =	sor.u32 s21, s6;
	v10 =	vld [tilespmem:s10+$0x180];
	v4 =	vadd.f32 v4, v26;
	v3 =	vmul.f32 v3, v25  }
0x48: {  	v11 =	vld [tilespmem:s9+$0x0];
	v5 =	vmul.f32 v5, v25  }
0x49: {  	s26 =	simm.s32 $0x10400;
	v6 =	vmul.f32 v6, v25;
	[tilespmem:s4+$0x8080] =	vst v4;
	v4 =	vmul.f32 v8, v27;
	v8 =	vld [tilespmem:s9+$0x100];
	v3 =	vadd.f32 v3, v26  }
0x4a: {  	v5 =	vadd.f32 v5, v26;
	v1 =	vld [tilespmem:s26+$0x0];
	v2 =	vmul.f32 v2, v32  }
0x4b: {  	s24 =	simm.s32 $0x10000;
	v9 =	vmul.f32 v9, v27;
	v6 =	vadd.f32 v6, v26;
	[tilespmem:s4+$0x8000] =	vst v3;
	v3 =	vmul.f32 v7, v27;
	v7 =	vld [tilespmem:s9+$0x80]  }
0x4c: {  	s28 =	sadd.s32 $0x10, s25;
	[tilespmem:s4+$0x8100] =	vst v5;
	v0 =	vld [tilespmem:s24+$0x0];
	v2 =	vadd.f32 v2, v31  }
0x4d: {  	s6 =	sor.u32 $0x200, s28;
	v9 =	vadd.f32 v9, v28;
	v5 =	vld [tilespmem:s9+$0x180];
	[tilespmem:s4+$0x8180] =	vst v6  }
0x4e: {  	s8 =	sor.u32 $0x300, s5;
	v6 =	vmul.f32 v10, v27;
	v10 =	vld [tilespmem:s6+$0x0];
	v3 =	vadd.f32 v3, v28;
	[tilespmem:s1+$0x8000] =	vst v2  }
0x4f: {  	[tilespmem:s10+$0x8100] =	vst v9;
	v4 =	vadd.f32 v4, v28;
	v2 =	vmul.f32 v11, v1;
	v11 =	vld [tilespmem:s8+$0x0]  }
0x50: {  	v6 =	vadd.f32 v6, v28;
	[tilespmem:s10+$0x8000] =	vst v3;
	v3 =	vmul.f32 v7, v1  }
0x51: {  	[tilespmem:s10+$0x8080] =	vst v4;
	v4 =	vmul.f32 v8, v1;
	v2 =	vadd.f32 v2, v0  }
0x52: {  	[tilespmem:s10+$0x8180] =	vst v6;
	v5 =	vmul.f32 v5, v1;
	v3 =	vadd.f32 v3, v0  }
0x53: {  	s29 =	sadd.s32 $0x20, s25;
	[tilespmem:s9+$0x8000] =	vst v2;
	v2 =	vadd.f32 v4, v0;
	v4 =	vmul.f32 v10, v25  }
0x54: {  	s11 =	sor.u32 $0x200, s29;
	[tilespmem:s9+$0x8080] =	vst v3;
	v3 =	vadd.f32 v5, v0;
	v5 =	vmul.f32 v11, v32  }
0x55: {  	v6 =	vld [tilespmem:s11+$0x0];
	[tilespmem:s9+$0x8100] =	vst v2;
	v2 =	vadd.f32 v4, v26  }
0x56: {  	s12 =	sor.u32 $0x200, s25;
	[tilespmem:s9+$0x8180] =	vst v3;
	v3 =	vadd.f32 v5, v31  }
0x57: {  	s13 =	sor.u32 $0x280, s28;
	v4 =	vld [tilespmem:s12+$0x0];
	[tilespmem:s6+$0x8000] =	vst v2  }
0x58: {  	s14 =	sor.u32 $0x380, s5;
	v2 =	vld [tilespmem:s13+$0x0];
	[tilespmem:s8+$0x8000] =	vst v3  }
0x59: {  	v5 =	vld [tilespmem:s14+$0x0]  }
0x5a: {  	v3 =	vmul.f32 v6, v27;
	_ =	sdelay $0x1  }
0x5b: {  	v3 =	vadd.f32 v3, v28;
	v4 =	vmul.f32 v4, v1  }
0x5c: {  	v2 =	vmul.f32 v2, v25  }
0x5d: {  	s15 =	sor.u32 $0x280, s29;
	[tilespmem:s11+$0x8000] =	vst v3;
	v4 =	vadd.f32 v4, v0;
	v5 =	vmul.f32 v5, v32  }
0x5e: {  	v3 =	vld [tilespmem:s15+$0x0];
	v2 =	vadd.f32 v2, v26  }
0x5f: {  	s16 =	sor.u32 $0x280, s25;
	[tilespmem:s12+$0x8000] =	vst v4;
	v4 =	vadd.f32 v5, v31  }
0x60: {  	s17 =	sor.u32 $0x300, s28;
	v5 =	vld [tilespmem:s16+$0x0];
	[tilespmem:s13+$0x8000] =	vst v2  }
0x61: {  	v2 =	vld [tilespmem:s17+$0x0];
	[tilespmem:s14+$0x8000] =	vst v4  }
0x62: {  	v4 =	vld [tilespmem:s23+$0x2000]  }
0x63: {  	v3 =	vmul.f32 v3, v27;
	v6 =	vld [tilespmem:s23+$0x2080]  }
0x64: {  	v7 =	vld [tilespmem:s23+$0x2100]  }
0x65: {  	v8 =	vld [tilespmem:s23+$0x2180];
	v3 =	vadd.f32 v3, v28;
	v5 =	vmul.f32 v5, v1  }
0x66: {  	v2 =	vmul.f32 v2, v25  }
0x67: {  	s18 =	sor.u32 $0x300, s29;
	[tilespmem:s15+$0x8000] =	vst v3;
	v5 =	vadd.f32 v5, v0;
	v4 =	vmul.f32 v4, v32  }
0x68: {  	v3 =	vld [tilespmem:s18+$0x0];
	v2 =	vadd.f32 v2, v26;
	v6 =	vmul.f32 v6, v32  }
0x69: {  	[tilespmem:s16+$0x8000] =	vst v5;
	v5 =	vmul.f32 v7, v32;
	v4 =	vadd.f32 v4, v31  }
0x6a: {  	[tilespmem:s17+$0x8000] =	vst v2;
	v2 =	vadd.f32 v6, v31;
	v6 =	vmul.f32 v8, v32  }
0x6b: {  	[tilespmem:s23+$0xA000] =	vst v4;
	v4 =	vadd.f32 v5, v31  }
0x6c: {  	s21 =	simm.s32 $0x40;
	[tilespmem:s23+$0xA080] =	vst v2;
	v5 =	vadd.f32 v6, v31  }
0x6d: {  	s15 =	sand.u32 $0x40, s21;
	v3 =	vmul.f32 v3, v27;
	[tilespmem:s23+$0xA100] =	vst v4  }
0x6e: {  	s20 =	simm.s32 $0x10440;
	s22 =	sand.u32 $0x380, s21;
	[tilespmem:s23+$0xA180] =	vst v5;
	s23 =	sor.u32 $0x30, s15  }
0x6f: {  	s26 =	simm.s32 $0x200;
	v4 =	vadd.f32 v3, v28;
	v3 =	vld [tilespmem:s20+$0x0];
	s24 =	sor.u32 s22, s23  }
0x70: {  	s20 =	sand.u32 $0x1C00, s26;
	v35 =	vld [tilespmem:s24+$0x10000]  }
0x71: {  	s13 =	sor.u32 s20, s23;
	v36 =	vld [tilespmem:s24+$0x10400]  }
0x72: {  	[tilespmem:s18+$0x8000] =	vst v4;
	v4 =	vld [tilespmem:s13+$0x0]  }
0x73: {  	v5 =	vld [tilespmem:s13+$0x80]  }
0x74: {  	s8 =	sor.u32 $0x10, s15;
	v6 =	vld [tilespmem:s13+$0x100]  }
0x75: {  	s0 =	sor.u32 s22, s8;
	v7 =	vld [tilespmem:s13+$0x180]  }
0x76: {  	v30 =	vld [tilespmem:s0+$0x10400]  }
0x77: {  	s1 =	sor.u32 $0x300, s25;
	v29 =	vld [tilespmem:s0+$0x10000];
	v4 =	vmul.f32 v4, v36  }
0x78: {  	s3 =	sor.u32 $0x380, s28;
	s16 =	sor.u32 $0x20, s15;
	v23 =	vld [tilespmem:s1+$0x0];
	v5 =	vmul.f32 v5, v36  }
0x79: {  	p1 =	por !p1, !p1;
	s7 =	simm.s32 $0x1;
	s6 =	sor.u32 s22, s16;
	v24 =	vld [tilespmem:s3+$0x0];
	v6 =	vmul.f32 v6, v36;
	v4 =	vadd.f32 v4, v35  }
0x7a: {  	s7 =	simm.s32 @!p1 $0x0;
	v16 =	vld [tilespmem:s6+$0x10400];
	v7 =	vmul.f32 v7, v36;
	v5 =	vadd.f32 v5, v35  }
0x7b: {  	s19 =	simm.s32 $0x10040;
	s7 =	sshll.u32 s7, $0x6;
	v14 =	vld [tilespmem:s6+$0x10000];
	[tilespmem:s13+$0x8000] =	vst v4;
	v4 =	vadd.f32 v6, v35  }
0x7c: {  	s2 =	sor.u32 $0x2200, s5;
	v2 =	vld [tilespmem:s19+$0x0];
	s26 =	sadd.s32 $0x200, s7;
	s7 =	simm.s32 $0x80;
	[tilespmem:s13+$0x8080] =	vst v5;
	v5 =	vadd.f32 v7, v35  }
0x7d: {  	s17 =	sor.u32 $0x380, s29;
	v12 =	vld [tilespmem:s2+$0x0];
	s14 =	sadd.s32 $0x30, s26;
	s12 =	sand.u32 $0x40, s7;
	[tilespmem:s13+$0x8100] =	vst v4  }
0x7e: {  	s21 =	sand.u32 $0x380, s7;
	s11 =	sor.u32 $0x200, s14;
	s23 =	sor.u32 $0x10, s12;
	v39 =	vld [tilespmem:s17+$0x0];
	[tilespmem:s13+$0x8180] =	vst v5  }
0x7f: {  	s0 =	sor.u32 s21, s23;
	v5 =	vld [tilespmem:s11+$0x0]  }
0x80: {  	s22 =	sor.u32 $0x20, s12;
	v10 =	vld [tilespmem:s0+$0x10400]  }
0x81: {  	s7 =	sor.u32 s21, s22;
	v8 =	vld [tilespmem:s0+$0x10000]  }
0x82: {  	v11 =	vld [tilespmem:s7+$0x10400]  }
0x83: {  	s18 =	simm.s32 $0x10080;
	v9 =	vld [tilespmem:s7+$0x10000]  }
0x84: {  	s19 =	simm.s32 $0x10480;
	v4 =	vld [tilespmem:s18+$0x0];
	s18 =	sor.u32 $0x30, s12;
	v5 =	vmul.f32 v5, v36  }
0x85: {  	v6 =	vld [tilespmem:s19+$0x0];
	s24 =	sor.u32 s21, s18  }
0x86: {  	s21 =	simm.s32 $0xC0;
	v37 =	vld [tilespmem:s24+$0x10000];
	v5 =	vadd.f32 v5, v35  }
0x87: {  	s19 =	simm.s32 $0x100C0;
	v38 =	vld [tilespmem:s24+$0x10400];
	s6 =	sand.u32 $0x40, s21  }
0x88: {  	s24 =	sor.u32 $0x30, s6;
	[tilespmem:s11+$0x8000] =	vst v5;
	s11 =	sor.u32 $0x280, s14;
	v5 =	vld [tilespmem:s19+$0x0]  }
0x89: {  	s21 =	sand.u32 $0x380, s21;
	s19 =	simm.s32 $0x104C0;
	v13 =	vld [tilespmem:s11+$0x0];
	[smem:$0x7D6] =	sst s24  }
0x8a: {  	s7 =	sor.u32 s21, s24;
	s24 =	sor.u32 $0x10, s6;
	v7 =	vld [tilespmem:s19+$0x0]  }
0x8b: {  	v33 =	vld [tilespmem:s7+$0x10000];
	[smem:$0x7D8] =	sst s24  }
0x8c: {  	v12 =	vmul.f32 v12, v32;
	[smem:$0x7D7] =	sst s6  }
0x8d: {  	s19 =	sor.u32 s20, s8;
	v34 =	vld [tilespmem:s7+$0x10400]  }
0x8e: {  	v12 =	vadd.f32 v12, v31;
	v19 =	vld [tilespmem:s19+$0x0]  }
0x8f: {  	v20 =	vld [tilespmem:s19+$0x80];
	v15 =	vmul.f32 v13, v36  }
0x90: {  	s7 =	sor.u32 s21, s24;
	[tilespmem:s2+$0x8000] =	vst v12;
	s24 =	sor.u32 $0x2280, s5;
	v40 =	vld [tilespmem:s19+$0x100]  }
0x91: {  	v17 =	vld [tilespmem:s24+$0x0];
	v15 =	vadd.f32 v15, v35  }
0x92: {  	v12 =	vld [tilespmem:s7+$0x10000]  }
0x93: {  	s31 =	sor.u32 $0x300, s14;
	v13 =	vld [tilespmem:s7+$0x10400];
	[tilespmem:s11+$0x8000] =	vst v15;
	s11 =	sor.u32 $0x20, s6  }
0x94: {  	s6 =	simm.s32 $0x100;
	v15 =	vld [tilespmem:s31+$0x0];
	[smem:$0x7D9] =	sst s11  }
0x95: {  	s0 =	sor.u32 s21, s11;
	s7 =	sand.u32 $0x40, s6;
	v41 =	vld [tilespmem:s19+$0x180]  }
0x96: {  	v21 =	vmul.f32 v17, v32;
	s6 =	sand.u32 $0x380, s6;
	v18 =	vld [tilespmem:s0+$0x10400];
	s11 =	sor.u32 $0x30, s7  }
0x97: {  	v17 =	vld [tilespmem:s0+$0x10000];
	[smem:$0x7DA] =	sst s11;
	s2 =	sor.u32 s6, s11  }
0x98: {  	s8 =	simm.s32 $0x10100;
	v42 =	vadd.f32 v21, v31;
	v21 =	vld [tilespmem:s2+$0x10000]  }
0x99: {  	v22 =	vmul.f32 v15, v36;
	v15 =	vld [tilespmem:s8+$0x0];
	s8 =	sor.u32 $0x10, s7;
	[smem:$0x7E1] =	sst s7  }
0x9a: {  	v20 =	vmul.f32 v20, v30;
	[smem:$0x7DF] =	sst s8  }
0x9b: {  	v19 =	vmul.f32 v19, v30;
	s11 =	sor.u32 s6, s8;
	v43 =	vadd.f32 v22, v35;
	v22 =	vld [tilespmem:s2+$0x10400]  }
0x9c: {  	v58 =	vadd.f32 v20, v29;
	v20 =	vld [tilespmem:s11+$0x10400]  }
0x9d: {  	v57 =	vadd.f32 v19, v29;
	s21 =	sor.u32 s20, s16;
	v19 =	vld [tilespmem:s11+$0x10000]  }
0x9e: {  	s15 =	sor.u32 s15, s20;
	v40 =	vmul.f32 v40, v30;
	[tilespmem:s24+$0x8000] =	vst v42;
	v59 =	vld [tilespmem:s21+$0x0]  }
0x9f: {  	v41 =	vmul.f32 v41, v30;
	[tilespmem:s19+$0x8000] =	vst v57;
	v44 =	vld [tilespmem:s15+$0x0]  }
0xa0: {  	v23 =	vmul.f32 v23, v1;
	v40 =	vadd.f32 v40, v29;
	s0 =	sor.u32 $0x380, s14;
	v45 =	vld [tilespmem:s15+$0x80];
	[tilespmem:s31+$0x8000] =	vst v43  }
0xa1: {  	v24 =	vmul.f32 v24, v25;
	[tilespmem:s19+$0x8080] =	vst v58;
	v41 =	vadd.f32 v41, v29;
	v61 =	vld [tilespmem:s0+$0x0]  }
0xa2: {  	v23 =	vadd.f32 v23, v0;
	v39 =	vmul.f32 v39, v27;
	s24 =	sor.u32 $0x2300, s5;
	[tilespmem:s19+$0x8100] =	vst v40;
	s11 =	sadd.s32 $0x10, s26;
	v46 =	vld [tilespmem:s21+$0x80]  }
0xa3: {  	v24 =	vadd.f32 v24, v26;
	v60 =	vld [tilespmem:s24+$0x0];
	s2 =	sor.u32 $0x200, s11;
	[tilespmem:s19+$0x8180] =	vst v41  }
0xa4: {  	v41 =	vld [tilespmem:s2+$0x0];
	[tilespmem:s1+$0x8000] =	vst v23;
	v23 =	vadd.f32 v39, v28  }
0xa5: {  	[tilespmem:s3+$0x8000] =	vst v24;
	v44 =	vmul.f32 v44, v3  }
0xa6: {  	s3 =	sor.u32 s30, s30;
	v62 =	vld [tilespmem:s21+$0x100];
	[tilespmem:s17+$0x8000] =	vst v23;
	v40 =	vmul.f32 v61, v36  }
0xa7: {  	v24 =	vld [tilespmem:s21+$0x180];
	v45 =	vmul.f32 v45, v3;
	[smem:$0x7E6] =	sst s3;
	v49 =	vadd.f32 v44, v2  }
0xa8: {  	v43 =	vmul.f32 v60, v32;
	v23 =	vld [tilespmem:s15+$0x100];
	v40 =	vadd.f32 v40, v35  }
0xa9: {  	s16 =	sor.u32 $0x380, s3;
	v45 =	vadd.f32 v45, v2;
	v63 =	vld [tilespmem:s15+$0x180];
	v41 =	vmul.f32 v41, v30;
	[tilespmem:s15+$0x8000] =	vst v49  }
0xaa: {  	v48 =	vmul.f32 v59, v16;
	v43 =	vadd.f32 v43, v31;
	v44 =	vld [tilespmem:s16+$0x0];
	[tilespmem:s0+$0x8000] =	vst v40  }
0xab: {  	[tilespmem:s15+$0x8080] =	vst v45;
	v39 =	vmul.f32 v62, v16;
	v41 =	vadd.f32 v41, v29;
	v51 =	vld [tilespmem:s13+$0x2000]  }
0xac: {  	[tilespmem:s24+$0x8000] =	vst v43;
	s24 =	simm.s32 $0x400;
	v24 =	vmul.f32 v24, v16;
	v40 =	vadd.f32 v48, v14;
	v52 =	vld [tilespmem:s13+$0x2080]  }
0xad: {  	v50 =	vmul.f32 v46, v16;
	v39 =	vadd.f32 v39, v14;
	[tilespmem:s2+$0x8000] =	vst v41;
	v53 =	vld [tilespmem:s13+$0x2100];
	s2 =	sand.u32 $0x1C00, s24  }
0xae: {  	v24 =	vadd.f32 v24, v14;
	v23 =	vmul.f32 v23, v3;
	v54 =	vld [tilespmem:s13+$0x2180];
	[tilespmem:s21+$0x8000] =	vst v40;
	s0 =	sor.u32 s2, s18  }
0xaf: {  	v41 =	vadd.f32 v50, v14;
	v43 =	vmul.f32 v63, v3;
	[tilespmem:s21+$0x8100] =	vst v39;
	v55 =	vld [tilespmem:s0+$0x0]  }
0xb0: {  	[tilespmem:s21+$0x8180] =	vst v24;
	v23 =	vadd.f32 v23, v2;
	v56 =	vmul.f32 v51, v36  }
0xb1: {  	[tilespmem:s21+$0x8080] =	vst v41;
	v57 =	vld [tilespmem:s0+$0x80];
	v43 =	vadd.f32 v43, v2;
	v24 =	vmul.f32 v52, v36  }
0xb2: {  	s20 =	sadd.s32 $0x20, s26;
	v44 =	vmul.f32 v44, v1;
	v58 =	vld [tilespmem:s0+$0x100];
	[tilespmem:s15+$0x8100] =	vst v23;
	v23 =	vadd.f32 v56, v35  }
0xb3: {  	s17 =	sor.u32 $0x200, s20;
	v60 =	vld [tilespmem:s0+$0x180];
	[tilespmem:s15+$0x8180] =	vst v43;
	v59 =	vmul.f32 v53, v36;
	v24 =	vadd.f32 v24, v35  }
0xb4: {  	v61 =	vld [tilespmem:s17+$0x0];
	v40 =	vmul.f32 v54, v36;
	v62 =	vmul.f32 v55, v38;
	v55 =	vadd.f32 v44, v0;
	[tilespmem:s13+$0xA000] =	vst v23  }
0xb5: {  	v49 =	vld [tilespmem:s4+$0x2080];
	v23 =	vadd.f32 v59, v35;
	[tilespmem:s13+$0xA080] =	vst v24  }
0xb6: {  	v47 =	vld [tilespmem:s4+$0x2000];
	s18 =	sor.u32 $0x200, s26;
	v48 =	vmul.f32 v57, v38;
	v24 =	vadd.f32 v40, v35;
	[tilespmem:s16+$0x8000] =	vst v55  }
0xb7: {  	p1 =	por !p1, !p1;
	s3 =	simm.s32 $0x1;
	v63 =	vld [tilespmem:s18+$0x0];
	v50 =	vmul.f32 v58, v38;
	[tilespmem:s13+$0xA100] =	vst v23;
	v23 =	vadd.f32 v62, v37  }
0xb8: {  	s3 =	simm.s32 @!p1 $0x0;
	v53 =	vld [tilespmem:s10+$0x2000];
	v51 =	vmul.f32 v60, v38;
	v40 =	vadd.f32 v48, v37;
	[tilespmem:s13+$0xA180] =	vst v24  }
0xb9: {  	s3 =	sshll.u32 s3, $0x6;
	v43 =	vmul.f32 v61, v16;
	v24 =	vld [tilespmem:s4+$0x2100];
	s13 =	sor.u32 $0x280, s11;
	[tilespmem:s0+$0x8000] =	vst v23;
	v23 =	vadd.f32 v50, v37  }
0xba: {  	s3 =	sadd.s32 $0x400, s3;
	v58 =	vmul.f32 v49, v25;
	v54 =	vadd.f32 v51, v37;
	[tilespmem:s0+$0x8080] =	vst v40;
	v56 =	vld [tilespmem:s13+$0x0]  }
0xbb: {  	s30 =	sor.u32 $0x2200, s14;
	s8 =	sadd.s32 $0x30, s3;
	v52 =	vld [tilespmem:s4+$0x2180];
	v43 =	vadd.f32 v43, v14;
	[tilespmem:s0+$0x8100] =	vst v23;
	v23 =	vmul.f32 v47, v25  }
0xbc: {  	s1 =	sor.u32 $0x200, s8;
	v41 =	vmul.f32 v63, v3;
	[tilespmem:s0+$0x8180] =	vst v54;
	v40 =	vadd.f32 v58, v26;
	v57 =	vld [tilespmem:s30+$0x0]  }
0xbd: {  	v39 =	vmul.f32 v53, v27;
	[tilespmem:s17+$0x8000] =	vst v43;
	v59 =	vld [tilespmem:s1+$0x0];
	v23 =	vadd.f32 v23, v26  }
0xbe: {  	v60 =	vld [tilespmem:s10+$0x2080];
	v41 =	vadd.f32 v41, v2;
	[tilespmem:s4+$0xA080] =	vst v40;
	v24 =	vmul.f32 v24, v25  }
0xbf: {  	v63 =	vld [tilespmem:s10+$0x2180];
	v39 =	vadd.f32 v39, v28;
	[tilespmem:s4+$0xA000] =	vst v23;
	v23 =	vmul.f32 v56, v30  }
0xc0: {  	v61 =	vmul.f32 v52, v25;
	v62 =	vld [tilespmem:s10+$0x2100];
	[tilespmem:s18+$0x8000] =	vst v41;
	v24 =	vadd.f32 v24, v26  }
0xc1: {  	s16 =	sor.u32 $0x280, s20;
	v48 =	vld [tilespmem:s9+$0x2000];
	[tilespmem:s10+$0xA000] =	vst v39;
	v49 =	vmul.f32 v57, v36;
	v23 =	vadd.f32 v23, v29  }
0xc2: {  	v41 =	vadd.f32 v61, v26;
	[tilespmem:s4+$0xA100] =	vst v24;
	v24 =	vld [tilespmem:s16+$0x0];
	v42 =	vmul.f32 v59, v38  }
0xc3: {  	v51 =	vld [tilespmem:s9+$0x2080];
	s17 =	sor.u32 $0x280, s26;
	v40 =	vadd.f32 v49, v35;
	[tilespmem:s13+$0x8000] =	vst v23;
	v23 =	vmul.f32 v60, v27  }
0xc4: {  	v50 =	vld [tilespmem:s17+$0x0];
	[tilespmem:s4+$0xA180] =	vst v41;
	v42 =	vadd.f32 v42, v37  }
0xc5: {  	v53 =	vld [tilespmem:s9+$0x2100];
	v52 =	vmul.f32 v62, v27;
	[tilespmem:s30+$0x8000] =	vst v40;
	v23 =	vadd.f32 v23, v28  }
0xc6: {  	v55 =	vld [tilespmem:s9+$0x2180];
	v54 =	vmul.f32 v63, v27;
	s4 =	sor.u32 $0x300, s11;
	[tilespmem:s1+$0x8000] =	vst v42  }
0xc7: {  	s7 =	sor.u32 $0x20, s7;
	v40 =	vadd.f32 v52, v28;
	s13 =	sor.u32 $0x2280, s14;
	v56 =	vld [tilespmem:s4+$0x0];
	v24 =	vmul.f32 v24, v16;
	[tilespmem:s10+$0xA080] =	vst v23  }
0xc8: {  	v57 =	vadd.f32 v54, v28;
	v58 =	vld [tilespmem:s13+$0x0];
	[smem:$0x7E2] =	sst s7  }
0xc9: {  	s18 =	sor.u32 $0x280, s8;
	v23 =	vmul.f32 v50, v3;
	v24 =	vadd.f32 v24, v14;
	[tilespmem:s10+$0xA100] =	vst v40  }
0xca: {  	s1 =	sor.u32 s6, s7;
	v60 =	vld [tilespmem:s18+$0x0];
	[tilespmem:s10+$0xA180] =	vst v57  }
0xcb: {  	v59 =	vmul.f32 v48, v1;
	s7 =	sor.u32 $0x2380, s5;
	v61 =	vadd.f32 v23, v2;
	v23 =	vld [tilespmem:s1+$0x10400];
	[tilespmem:s16+$0x8000] =	vst v24  }
0xcc: {  	v43 =	vmul.f32 v51, v1;
	v24 =	vld [tilespmem:s1+$0x10000];
	[smem:$0x7DD] =	sst s7  }
0xcd: {  	v62 =	vmul.f32 v53, v1;
	v42 =	vadd.f32 v59, v0;
	s5 =	sor.u32 $0x2200, s28;
	v39 =	vld [tilespmem:s7+$0x0]  }
0xce: {  	v63 =	vmul.f32 v55, v1;
	v43 =	vadd.f32 v43, v0;
	s10 =	sor.u32 $0x300, s20;
	[tilespmem:s17+$0x8000] =	vst v61;
	v48 =	vld [tilespmem:s5+$0x0]  }
0xcf: {  	v44 =	vadd.f32 v62, v0;
	s6 =	sor.u32 $0x2200, s29;
	v49 =	vmul.f32 v56, v30;
	[tilespmem:s9+$0xA000] =	vst v42;
	v51 =	vld [tilespmem:s10+$0x0]  }
0xd0: {  	s12 =	sor.u32 s12, s2;
	v45 =	vadd.f32 v63, v0;
	v41 =	vmul.f32 v58, v36;
	[tilespmem:s9+$0xA080] =	vst v43;
	v50 =	vld [tilespmem:s6+$0x0]  }
0xd1: {  	s16 =	sor.u32 $0x300, s26;
	[tilespmem:s9+$0xA100] =	vst v44;
	v42 =	vadd.f32 v49, v29;
	v49 =	vld [tilespmem:s12+$0x80];
	v40 =	vmul.f32 v60, v38  }
0xd2: {  	s23 =	sor.u32 s2, s23;
	[tilespmem:s9+$0xA180] =	vst v45;
	v41 =	vadd.f32 v41, v35;
	v52 =	vld [tilespmem:s16+$0x0]  }
0xd3: {  	s9 =	sor.u32 $0x380, s11;
	v59 =	vld [tilespmem:s23+$0x0];
	[tilespmem:s4+$0x8000] =	vst v42;
	v40 =	vadd.f32 v40, v37;
	v54 =	vmul.f32 v48, v25  }
0xd4: {  	s17 =	sor.u32 $0x2300, s14;
	[tilespmem:s13+$0x8000] =	vst v41;
	v53 =	vld [tilespmem:s9+$0x0];
	v56 =	vmul.f32 v51, v16  }
0xd5: {  	v55 =	vld [tilespmem:s17+$0x0];
	v43 =	vmul.f32 v50, v27;
	[tilespmem:s18+$0x8000] =	vst v40;
	v40 =	vadd.f32 v54, v26  }
0xd6: {  	v60 =	vld [tilespmem:s23+$0x80];
	v49 =	vmul.f32 v49, v6;
	v46 =	vadd.f32 v56, v14  }
0xd7: {  	v48 =	vld [tilespmem:s12+$0x0];
	v44 =	vmul.f32 v52, v3;
	v58 =	vadd.f32 v43, v28;
	[tilespmem:s5+$0x8000] =	vst v40  }
0xd8: {  	v62 =	vld [tilespmem:s23+$0x100];
	v43 =	vmul.f32 v59, v10;
	v49 =	vadd.f32 v49, v4;
	[tilespmem:s10+$0x8000] =	vst v46  }
0xd9: {  	s7 =	sor.u32 $0x300, s8;
	v63 =	vld [tilespmem:s23+$0x180];
	v41 =	vmul.f32 v53, v30;
	v44 =	vadd.f32 v44, v2;
	[tilespmem:s6+$0x8000] =	vst v58  }
0xda: {  	s1 =	sor.u32 $0x2200, s25;
	v57 =	vld [tilespmem:s7+$0x0];
	v45 =	vmul.f32 v55, v36;
	v43 =	vadd.f32 v43, v8;
	[tilespmem:s12+$0x8080] =	vst v49  }
0xdb: {  	s22 =	sor.u32 s2, s22;
	v42 =	vld [tilespmem:s1+$0x0];
	v46 =	vmul.f32 v60, v10;
	v61 =	vadd.f32 v41, v29;
	[tilespmem:s16+$0x8000] =	vst v44  }
0xdc: {  	v50 =	vld [tilespmem:s22+$0x180];
	v45 =	vadd.f32 v45, v35;
	v48 =	vmul.f32 v48, v6;
	[tilespmem:s23+$0x8000] =	vst v43  }
0xdd: {  	v52 =	vld [tilespmem:s22+$0x0];
	v41 =	vmul.f32 v62, v10;
	v46 =	vadd.f32 v46, v8;
	[tilespmem:s9+$0x8000] =	vst v61  }
0xde: {  	v54 =	vld [tilespmem:s22+$0x100];
	v44 =	vmul.f32 v63, v10;
	[tilespmem:s17+$0x8000] =	vst v45;
	v48 =	vadd.f32 v48, v4  }
0xdf: {  	v53 =	vld [tilespmem:s22+$0x80];
	v41 =	vadd.f32 v41, v8;
	v47 =	vmul.f32 v57, v38;
	[tilespmem:s23+$0x8080] =	vst v46  }
0xe0: {  	v56 =	vld [tilespmem:s12+$0x180];
	v44 =	vadd.f32 v44, v8;
	[tilespmem:s12+$0x8000] =	vst v48  }
0xe1: {  	s4 =	sor.u32 $0x2280, s28;
	v55 =	vld [tilespmem:s12+$0x100];
	[tilespmem:s23+$0x8100] =	vst v41;
	v47 =	vadd.f32 v47, v37  }
0xe2: {  	s5 =	sor.u32 $0x380, s20;
	v59 =	vld [tilespmem:s4+$0x0];
	[tilespmem:s23+$0x8180] =	vst v44  }
0xe3: {  	s2 =	sor.u32 $0x380, s8;
	s13 =	simm.s32 $0x200;
	s10 =	simm.s32 $0x40;
	v60 =	vld [tilespmem:s5+$0x0];
	v40 =	vmul.f32 v52, v11;
	[tilespmem:s7+$0x8000] =	vst v47  }
0xe4: {  	v57 =	vmul.f32 v53, v11;
	s7 =	sor.u32 s10, s13;
	v58 =	vld [tilespmem:s2+$0x0];
	[smem:$0x7DB] =	sst s29  }
0xe5: {  	s14 =	sor.u32 $0x2380, s14;
	s6 =	sor.u32 $0x2280, s29;
	v50 =	vmul.f32 v50, v11;
	v40 =	vadd.f32 v40, v9;
	[smem:$0x7E7] =	sst s7  }
0xe6: {  	v48 =	vmul.f32 v55, v6;
	v43 =	vadd.f32 v57, v9;
	v61 =	vld [tilespmem:s6+$0x0];
	[smem:$0x7DE] =	sst s14  }
0xe7: {  	v49 =	vmul.f32 v56, v6;
	v50 =	vadd.f32 v50, v9;
	[tilespmem:s22+$0x8000] =	vst v40  }
0xe8: {  	s31 =	smov.u32 s28;
	s28 =	sadd.s32 $0x10, s3;
	v42 =	vmul.f32 v42, v1;
	v48 =	vadd.f32 v48, v4;
	s16 =	sor.u32 $0x380, s7;
	[tilespmem:s22+$0x8080] =	vst v43  }
0xe9: {  	s17 =	sor.u32 $0x200, s28;
	v49 =	vadd.f32 v49, v4;
	v47 =	vmul.f32 v54, v11;
	v62 =	vld [tilespmem:s16+$0x0];
	[tilespmem:s22+$0x8180] =	vst v50  }
0xea: {  	v42 =	vadd.f32 v42, v0;
	v46 =	vmul.f32 v59, v25;
	v63 =	vld [tilespmem:s17+$0x0];
	[tilespmem:s12+$0x8100] =	vst v48  }
0xeb: {  	v41 =	vmul.f32 v60, v16;
	v47 =	vadd.f32 v47, v9;
	[tilespmem:s12+$0x8180] =	vst v49  }
0xec: {  	v46 =	vadd.f32 v46, v26;
	[tilespmem:s1+$0x8000] =	vst v42;
	v45 =	vmul.f32 v58, v38  }
0xed: {  	s30 =	smov.u32 s20;
	s20 =	sor.u32 $0x200, s3;
	s13 =	sadd.s32 $0x20, s3;
	v41 =	vadd.f32 v41, v14;
	[tilespmem:s22+$0x8100] =	vst v47;
	v47 =	vld [tilespmem:s19+$0x2000];
	v44 =	vmul.f32 v61, v27  }
0xee: {  	s18 =	sor.u32 $0x200, s13;
	[tilespmem:s4+$0x8000] =	vst v46;
	v53 =	vld [tilespmem:s20+$0x0];
	v45 =	vadd.f32 v45, v37;
	v55 =	vmul.f32 v62, v3  }
0xef: {  	[tilespmem:s5+$0x8000] =	vst v41;
	v52 =	vld [tilespmem:s18+$0x0];
	v57 =	vmul.f32 v63, v10;
	v44 =	vadd.f32 v44, v28  }
0xf0: {  	v62 =	vld [tilespmem:s19+$0x2080];
	[tilespmem:s2+$0x8000] =	vst v45;
	v59 =	vadd.f32 v55, v2  }
0xf1: {  	v63 =	vld [tilespmem:s19+$0x2100];
	v46 =	vadd.f32 v57, v8;
	[tilespmem:s6+$0x8000] =	vst v44  }
0xf2: {  	v54 =	vld [tilespmem:s0+$0x2000];
	[tilespmem:s16+$0x8000] =	vst v59  }
0xf3: {  	v56 =	vld [tilespmem:s0+$0x2080];
	[tilespmem:s17+$0x8000] =	vst v46  }
0xf4: {  	v47 =	vmul.f32 v47, v30;
	v58 =	vld [tilespmem:s0+$0x2100];
	s10 =	sld [smem:$0x7D6]  }
0xf5: {  	s7 =	simm.s32 $0x600;
	v60 =	vmul.f32 v52, v11  }
0xf6: {  	v40 =	vld [tilespmem:s14+$0x0];
	s4 =	sand.u32 $0x1C00, s7;
	v45 =	vmul.f32 v53, v6;
	v47 =	vadd.f32 v47, v29  }
0xf7: {  	v61 =	vld [tilespmem:s0+$0x2180];
	v42 =	vadd.f32 v60, v9;
	v44 =	vmul.f32 v62, v30;
	s2 =	sor.u32 s4, s10  }
0xf8: {  	v45 =	vadd.f32 v45, v4;
	v41 =	vmul.f32 v63, v30;
	[tilespmem:s19+$0xA000] =	vst v47;
	v43 =	vmul.f32 v56, v38;
	v56 =	vld [tilespmem:s2+$0x0]  }
0xf9: {  	[tilespmem:s18+$0x8000] =	vst v42;
	v63 =	vadd.f32 v44, v29;
	v49 =	vmul.f32 v54, v38;
	v55 =	vmul.f32 v58, v38;
	v58 =	vld [tilespmem:s2+$0x80]  }
0xfa: {  	v51 =	vld [tilespmem:s21+$0x2000];
	[tilespmem:s20+$0x8000] =	vst v45;
	v41 =	vadd.f32 v41, v29  }
0xfb: {  	v60 =	vld [tilespmem:s2+$0x100];
	[tilespmem:s19+$0xA080] =	vst v63;
	v54 =	vadd.f32 v49, v37  }
0xfc: {  	v57 =	vmul.f32 v61, v38;
	v62 =	vld [tilespmem:s2+$0x180];
	[tilespmem:s19+$0xA100] =	vst v41;
	v43 =	vadd.f32 v43, v37  }
0xfd: {  	v46 =	vld [tilespmem:s19+$0x2180];
	s16 =	sor.u32 $0x280, s28;
	v59 =	vadd.f32 v55, v37;
	[tilespmem:s0+$0xA000] =	vst v54;
	v53 =	vmul.f32 v56, v34  }
0xfe: {  	v52 =	vld [tilespmem:s16+$0x0];
	v61 =	vadd.f32 v57, v37;
	[tilespmem:s0+$0xA080] =	vst v43;
	v54 =	vmul.f32 v58, v34  }
0xff: {  	v50 =	vld [tilespmem:s21+$0x2080];
	[tilespmem:s0+$0xA100] =	vst v59;
	v55 =	vadd.f32 v53, v33  }
0x100: {  	v48 =	vld [tilespmem:s21+$0x2100];
	s17 =	sor.u32 $0x2280, s25;
	[tilespmem:s0+$0xA180] =	vst v61;
	v56 =	vmul.f32 v60, v34;
	v58 =	vadd.f32 v54, v33  }
0x101: {  	v47 =	vld [tilespmem:s17+$0x0];
	v45 =	vmul.f32 v62, v34;
	[tilespmem:s2+$0x8000] =	vst v55  }
0x102: {  	p1 =	por !p1, !p1;
	s5 =	sor.u32 $0x280, s13;
	v46 =	vmul.f32 v46, v30;
	v57 =	vld [tilespmem:s21+$0x2180];
	s0 =	simm.s32 $0x1;
	v59 =	vadd.f32 v56, v33;
	[tilespmem:s2+$0x8080] =	vst v58  }
0x103: {  	s9 =	sor.u32 $0x280, s3;
	v43 =	vmul.f32 v52, v10;
	s0 =	simm.s32 @!p1 $0x0;
	v60 =	vld [tilespmem:s5+$0x0];
	v61 =	vadd.f32 v45, v33;
	[smem:$0x7DC] =	sst s3  }
0x104: {  	s10 =	sor.u32 $0x2200, s8;
	v46 =	vadd.f32 v46, v29;
	s0 =	sshll.u32 s0, $0x6;
	v62 =	vmul.f32 v51, v16;
	v63 =	vld [tilespmem:s9+$0x0];
	[tilespmem:s2+$0x8100] =	vst v59  }
0x105: {  	v43 =	vadd.f32 v43, v8;
	s18 =	sadd.s32 $0x600, s0;
	v53 =	vmul.f32 v50, v16;
	v50 =	vld [tilespmem:s10+$0x0];
	[tilespmem:s2+$0x8180] =	vst v61  }
0x106: {  	s20 =	sadd.s32 $0x30, s18;
	v54 =	vadd.f32 v62, v14;
	v55 =	vmul.f32 v48, v16;
	[tilespmem:s19+$0xA180] =	vst v46;
	v58 =	vld [tilespmem:s15+$0x2000]  }
0x107: {  	v57 =	vmul.f32 v57, v16;
	s1 =	sor.u32 $0x200, s20;
	v42 =	vadd.f32 v53, v14;
	[tilespmem:s16+$0x8000] =	vst v43;
	v61 =	vld [tilespmem:s15+$0x2100]  }
0x108: {  	v60 =	vmul.f32 v60, v11;
	v45 =	vadd.f32 v55, v14;
	[tilespmem:s21+$0xA000] =	vst v54;
	v56 =	vld [tilespmem:s1+$0x0]  }
0x109: {  	v59 =	vld [tilespmem:s15+$0x2080];
	v43 =	vadd.f32 v57, v14;
	[tilespmem:s21+$0xA080] =	vst v42;
	v62 =	vmul.f32 v63, v6  }
0x10a: {  	v41 =	vadd.f32 v60, v9;
	[tilespmem:s21+$0xA100] =	vst v45;
	v63 =	vld [tilespmem:s15+$0x2180];
	v53 =	vmul.f32 v50, v38  }
0x10b: {  	s14 =	sor.u32 $0x300, s28;
	[tilespmem:s21+$0xA180] =	vst v43;
	v55 =	vmul.f32 v58, v3;
	v42 =	vadd.f32 v62, v4  }
0x10c: {  	s16 =	sor.u32 $0x2200, s11;
	v54 =	vld [tilespmem:s14+$0x0];
	[tilespmem:s5+$0x8000] =	vst v41;
	v44 =	vmul.f32 v61, v3;
	v45 =	vadd.f32 v53, v37  }
0x10d: {  	s7 =	sor.u32 $0x2300, s31;
	v46 =	vmul.f32 v56, v34;
	v56 =	vld [tilespmem:s16+$0x0];
	v41 =	vadd.f32 v55, v2;
	[tilespmem:s9+$0x8000] =	vst v42  }
0x10e: {  	v51 =	vld [tilespmem:s7+$0x0];
	s5 =	sor.u32 $0x300, s13;
	v57 =	vmul.f32 v59, v3;
	v44 =	vadd.f32 v44, v2;
	[tilespmem:s10+$0x8000] =	vst v45  }
0x10f: {  	s19 =	sor.u32 $0x2200, s30;
	v58 =	vld [tilespmem:s5+$0x0];
	v46 =	vadd.f32 v46, v33;
	[tilespmem:s15+$0xA000] =	vst v41;
	v60 =	vmul.f32 v63, v3  }
0x110: {  	v59 =	vld [tilespmem:s19+$0x0];
	s9 =	sor.u32 $0x2280, s8;
	v42 =	vadd.f32 v57, v2;
	[tilespmem:s15+$0xA100] =	vst v44  }
0x111: {  	s3 =	sor.u32 $0x300, s3;
	v62 =	vmul.f32 v54, v10;
	[tilespmem:s1+$0x8000] =	vst v46;
	v61 =	vld [tilespmem:s9+$0x0];
	v46 =	vadd.f32 v60, v2  }
0x112: {  	s21 =	sor.u32 $0x280, s20;
	v55 =	vld [tilespmem:s3+$0x0];
	v48 =	vmul.f32 v56, v30;
	[tilespmem:s15+$0xA080] =	vst v42  }
0x113: {  	s10 =	sor.u32 $0x2300, s29;
	v41 =	vadd.f32 v62, v8;
	v63 =	vld [tilespmem:s21+$0x0];
	[tilespmem:s15+$0xA180] =	vst v46  }
0x114: {  	v53 =	vmul.f32 v58, v11;
	v42 =	vld [tilespmem:s10+$0x0];
	v54 =	vadd.f32 v48, v29;
	[smem:$0x7E4] =	sst s26  }
0x115: {  	s0 =	sor.u32 $0x2200, s26;
	v45 =	vmul.f32 v59, v16;
	[tilespmem:s14+$0x8000] =	vst v41  }
0x116: {  	s1 =	sor.u32 $0x380, s28;
	v44 =	vadd.f32 v53, v9;
	v56 =	vld [tilespmem:s0+$0x0];
	[tilespmem:s16+$0x8000] =	vst v54  }
0x117: {  	v45 =	vadd.f32 v45, v14;
	v57 =	vmul.f32 v61, v38;
	v58 =	vld [tilespmem:s1+$0x0];
	[smem:$0x7E5] =	sst s11  }
0x118: {  	v43 =	vmul.f32 v63, v34;
	s14 =	sor.u32 $0x2280, s11;
	[tilespmem:s5+$0x8000] =	vst v44  }
0x119: {  	v49 =	vadd.f32 v57, v37;
	v44 =	vld [tilespmem:s14+$0x0];
	s5 =	sor.u32 $0x380, s13;
	[tilespmem:s19+$0x8000] =	vst v45  }
0x11a: {  	v43 =	vadd.f32 v43, v33;
	v45 =	vld [tilespmem:s5+$0x0];
	[smem:$0x7E8] =	sst s30  }
0x11b: {  	[tilespmem:s9+$0x8000] =	vst v49  }
0x11c: {  	[tilespmem:s21+$0x8000] =	vst v43  }
0x11d: {  	s6 =	sld [smem:$0x7D7]  }
0x11e: {  	v48 =	vmul.f32 v55, v6;
	s9 =	sor.u32 $0x2300, s8  }
0x11f: {  	s19 =	sor.u32 $0x300, s20;
	v59 =	vld [tilespmem:s9+$0x0];
	v41 =	vmul.f32 v56, v3;
	s21 =	sld [smem:$0x7D8]  }
0x120: {  	v48 =	vadd.f32 v48, v4;
	v60 =	vld [tilespmem:s19+$0x0];
	s15 =	sor.u32 s6, s4  }
0x121: {  	v41 =	vadd.f32 v41, v2;
	v52 =	vld [tilespmem:s15+$0x0]  }
0x122: {  	[tilespmem:s3+$0x8000] =	vst v48;
	v46 =	vmul.f32 v58, v10;
	s6 =	sor.u32 s4, s21;
	v53 =	vld [tilespmem:s15+$0x80]  }
0x123: {  	v47 =	vmul.f32 v47, v1;
	s29 =	smov.u32 s26;
	s26 =	sor.u32 $0x2280, s30;
	v54 =	vld [tilespmem:s6+$0x0];
	[tilespmem:s0+$0x8000] =	vst v41  }
0x124: {  	v49 =	vld [tilespmem:s26+$0x0];
	v46 =	vadd.f32 v46, v8;
	v43 =	vmul.f32 v59, v38;
	s0 =	sld [smem:$0x7D9]  }
0x125: {  	v62 =	vadd.f32 v47, v0;
	v61 =	vld [tilespmem:s6+$0x80];
	v50 =	vmul.f32 v60, v34  }
0x126: {  	v63 =	vld [tilespmem:s6+$0x100];
	[tilespmem:s1+$0x8000] =	vst v46;
	v43 =	vadd.f32 v43, v37;
	v52 =	vmul.f32 v52, v7  }
0x127: {  	v57 =	vld [tilespmem:s6+$0x180];
	[tilespmem:s17+$0x8000] =	vst v62;
	v50 =	vadd.f32 v50, v33;
	s16 =	sor.u32 s4, s0;
	v53 =	vmul.f32 v53, v7  }
0x128: {  	v58 =	vld [tilespmem:s16+$0x0];
	[tilespmem:s9+$0x8000] =	vst v43;
	v59 =	vmul.f32 v54, v13;
	v52 =	vadd.f32 v52, v5  }
0x129: {  	v60 =	vld [tilespmem:s16+$0x80];
	[tilespmem:s19+$0x8000] =	vst v50;
	v53 =	vadd.f32 v53, v5  }
0x12a: {  	v48 =	vmul.f32 v61, v13;
	v61 =	vld [tilespmem:s16+$0x100];
	v43 =	vadd.f32 v59, v12;
	[tilespmem:s15+$0x8000] =	vst v52  }
0x12b: {  	s4 =	simm.s32 $0x80;
	v62 =	vld [tilespmem:s16+$0x180];
	[tilespmem:s15+$0x8080] =	vst v53  }
0x12c: {  	v46 =	vmul.f32 v57, v13;
	v57 =	vld [tilespmem:s15+$0x180];
	s1 =	sor.u32 s4, s24;
	[tilespmem:s6+$0x8000] =	vst v43  }
0x12d: {  	v42 =	vmul.f32 v42, v27;
	s8 =	sor.u32 $0x2380, s8;
	v47 =	vmul.f32 v63, v13;
	v63 =	vld [tilespmem:s15+$0x100];
	v48 =	vadd.f32 v48, v12;
	[smem:$0x7E9] =	sst s1  }
0x12e: {  	v46 =	vadd.f32 v46, v12;
	[smem:$0x7E0] =	sst s8  }
0x12f: {  	v42 =	vadd.f32 v42, v28;
	v45 =	vmul.f32 v45, v11;
	[tilespmem:s6+$0x8080] =	vst v48  }
0x130: {  	s0 =	sor.u32 $0x380, s20;
	v55 =	vmul.f32 v58, v18;
	v58 =	vadd.f32 v47, v12;
	[tilespmem:s6+$0x8180] =	vst v46  }
0x131: {  	v59 =	vmul.f32 v60, v18;
	v43 =	vmul.f32 v57, v7;
	v57 =	vadd.f32 v45, v9;
	v60 =	vld [tilespmem:s0+$0x0];
	[tilespmem:s10+$0x8000] =	vst v42  }
0x132: {  	v50 =	vmul.f32 v61, v18;
	s1 =	sor.u32 $0x380, s1;
	v41 =	vld [tilespmem:s8+$0x0];
	[tilespmem:s6+$0x8100] =	vst v58;
	v61 =	vadd.f32 v55, v17  }
0x133: {  	s17 =	sadd.s32 $0x10, s18;
	v52 =	vmul.f32 v62, v18;
	v62 =	vld [tilespmem:s1+$0x0];
	v47 =	vadd.f32 v59, v17;
	[tilespmem:s5+$0x8000] =	vst v57  }
0x134: {  	s19 =	sor.u32 $0x200, s17;
	v53 =	vmul.f32 v63, v7;
	v54 =	vld [tilespmem:s23+$0x2000];
	v50 =	vadd.f32 v50, v17;
	[tilespmem:s16+$0x8000] =	vst v61  }
0x135: {  	v52 =	vadd.f32 v52, v17;
	v63 =	vld [tilespmem:s19+$0x0];
	[tilespmem:s16+$0x8080] =	vst v47  }
0x136: {  	v53 =	vadd.f32 v53, v5;
	v55 =	vld [tilespmem:s22+$0x2000];
	[tilespmem:s16+$0x8100] =	vst v50;
	v48 =	vmul.f32 v60, v34  }
0x137: {  	v51 =	vmul.f32 v51, v25;
	s9 =	smov.u32 s18;
	s18 =	sadd.s32 $0x20, s18;
	v43 =	vadd.f32 v43, v5;
	v42 =	vld [tilespmem:s22+$0x2080];
	[tilespmem:s16+$0x8180] =	vst v52  }
0x138: {  	s9 =	smov.u32 s9;
	s21 =	sor.u32 $0x200, s18;
	v47 =	vld [tilespmem:s23+$0x2080];
	[tilespmem:s15+$0x8100] =	vst v53;
	v48 =	vadd.f32 v48, v33  }
0x139: {  	v51 =	vadd.f32 v51, v26;
	v44 =	vmul.f32 v44, v30;
	s24 =	sor.u32 $0x200, s9;
	[tilespmem:s15+$0x8180] =	vst v43;
	v56 =	vld [tilespmem:s21+$0x0]  }
0x13a: {  	v49 =	vmul.f32 v49, v16;
	[tilespmem:s0+$0x8000] =	vst v48;
	v48 =	vld [tilespmem:s24+$0x0]  }
0x13b: {  	v44 =	vadd.f32 v44, v29;
	[tilespmem:s7+$0x8000] =	vst v51;
	v58 =	vmul.f32 v62, v6;
	v51 =	vld [tilespmem:s2+$0x2000]  }
0x13c: {  	v59 =	vadd.f32 v49, v14;
	v54 =	vmul.f32 v54, v10;
	v46 =	vld [tilespmem:s2+$0x2080]  }
0x13d: {  	[tilespmem:s14+$0x8000] =	vst v44;
	v60 =	vmul.f32 v63, v13;
	v62 =	vadd.f32 v58, v4;
	v61 =	vld [tilespmem:s2+$0x2100]  }
0x13e: {  	[tilespmem:s26+$0x8000] =	vst v59;
	v54 =	vadd.f32 v54, v8;
	v43 =	vmul.f32 v56, v18;
	v63 =	vld [tilespmem:s2+$0x2180]  }
0x13f: {  	v50 =	vld [tilespmem:s23+$0x2100];
	v57 =	vadd.f32 v60, v12;
	[tilespmem:s1+$0x8000] =	vst v62;
	v48 =	vmul.f32 v48, v7  }
0x140: {  	v52 =	vld [tilespmem:s23+$0x2180];
	s26 =	sor.u32 $0x2280, s29;
	[tilespmem:s23+$0xA000] =	vst v54;
	v43 =	vadd.f32 v43, v17;
	v58 =	vmul.f32 v51, v34  }
0x141: {  	s29 =	sor.u32 $0x2300, s11;
	v44 =	vld [tilespmem:s26+$0x0];
	[tilespmem:s19+$0x8000] =	vst v57;
	v46 =	vmul.f32 v46, v34;
	v59 =	vadd.f32 v48, v5  }
0x142: {  	v45 =	vld [tilespmem:s29+$0x0];
	[tilespmem:s21+$0x8000] =	vst v43;
	v61 =	vmul.f32 v61, v34;
	v60 =	vadd.f32 v58, v33  }
0x143: {  	s10 =	sor.u32 $0x280, s17;
	v49 =	vld [tilespmem:s12+$0x2000];
	v56 =	vmul.f32 v63, v34;
	v46 =	vadd.f32 v46, v33;
	[tilespmem:s24+$0x8000] =	vst v59  }
0x144: {  	v62 =	vld [tilespmem:s10+$0x0];
	v63 =	vadd.f32 v61, v33;
	[tilespmem:s2+$0xA000] =	vst v60  }
0x145: {  	v47 =	vmul.f32 v47, v10;
	v43 =	vld [tilespmem:s22+$0x2180];
	v57 =	vadd.f32 v56, v33;
	[tilespmem:s2+$0xA080] =	vst v46  }
0x146: {  	v50 =	vmul.f32 v50, v10;
	s19 =	sor.u32 $0x2300, s30;
	v51 =	vld [tilespmem:s22+$0x2100];
	[tilespmem:s2+$0xA100] =	vst v63  }
0x147: {  	s14 =	sor.u32 $0x280, s18;
	v47 =	vadd.f32 v47, v8;
	v58 =	vmul.f32 v52, v10;
	v46 =	vld [tilespmem:s19+$0x0];
	[tilespmem:s2+$0xA180] =	vst v57  }
0x148: {  	v50 =	vadd.f32 v50, v8;
	v61 =	vmul.f32 v55, v11;
	v60 =	vld [tilespmem:s14+$0x0];
	[smem:$0x7EA] =	sst s9  }
0x149: {  	v59 =	vmul.f32 v62, v13;
	v48 =	vadd.f32 v58, v8;
	[tilespmem:s23+$0xA080] =	vst v47  }
0x14a: {  	v58 =	vadd.f32 v61, v9;
	[tilespmem:s23+$0xA100] =	vst v50  }
0x14b: {  	s5 =	sor.u32 $0x280, s9;
	v63 =	vadd.f32 v59, v12;
	[tilespmem:s23+$0xA180] =	vst v48  }
0x14c: {  	s7 =	sor.u32 $0x2200, s20;
	v62 =	vld [tilespmem:s5+$0x0];
	[tilespmem:s22+$0xA000] =	vst v58  }
0x14d: {  	v42 =	vmul.f32 v42, v11;
	v57 =	vld [tilespmem:s7+$0x0];
	[tilespmem:s10+$0x8000] =	vst v63  }
0x14e: {  	v43 =	vmul.f32 v43, v11;
	s0 =	sld [smem:$0x7DA]  }
0x14f: {  	s3 =	simm.s32 $0x800;
	v42 =	vadd.f32 v42, v9;
	v51 =	vmul.f32 v51, v11;
	v59 =	vld [tilespmem:s12+$0x2080]  }
0x150: {  	v43 =	vadd.f32 v43, v9;
	v50 =	vld [tilespmem:s12+$0x2100];
	s10 =	sand.u32 $0x1C00, s3;
	v53 =	vmul.f32 v60, v18  }
0x151: {  	v48 =	vld [tilespmem:s12+$0x2180];
	v51 =	vadd.f32 v51, v9;
	[tilespmem:s22+$0xA080] =	vst v42;
	s8 =	sor.u32 s10, s0;
	v60 =	vmul.f32 v62, v7  }
0x152: {  	[tilespmem:s22+$0xA180] =	vst v43;
	v61 =	vadd.f32 v53, v17;
	v52 =	vmul.f32 v57, v34;
	v47 =	vld [tilespmem:s8+$0x0]  }
0x153: {  	v63 =	vmul.f32 v49, v6;
	[tilespmem:s22+$0xA100] =	vst v51;
	v62 =	vld [tilespmem:s8+$0x80];
	v42 =	vadd.f32 v60, v5  }
0x154: {  	v58 =	vmul.f32 v59, v6;
	v57 =	vld [tilespmem:s8+$0x100];
	[tilespmem:s14+$0x8000] =	vst v61;
	v52 =	vadd.f32 v52, v33  }
0x155: {  	s11 =	sor.u32 $0x300, s17;
	v50 =	vmul.f32 v50, v6;
	v59 =	vld [tilespmem:s8+$0x180];
	v60 =	vadd.f32 v63, v4;
	[tilespmem:s5+$0x8000] =	vst v42  }
0x156: {  	v48 =	vmul.f32 v48, v6;
	v51 =	vadd.f32 v58, v4;
	v61 =	vld [tilespmem:s11+$0x0];
	[tilespmem:s7+$0x8000] =	vst v52  }
0x157: {  	v50 =	vadd.f32 v50, v4;
	[tilespmem:s12+$0xA000] =	vst v60;
	v47 =	vmul.f32 v47, v22  }
0x158: {  	s21 =	smov.u32 s9;
	s9 =	sor.u32 $0x2200, s28;
	[tilespmem:s12+$0xA080] =	vst v51;
	v60 =	vadd.f32 v48, v4;
	v53 =	vmul.f32 v62, v22  }
0x159: {  	s23 =	sor.u32 $0x2380, s31;
	s31 =	smov.u32 s13;
	v55 =	vld [tilespmem:s9+$0x0];
	[tilespmem:s12+$0xA100] =	vst v50;
	v49 =	vmul.f32 v57, v22;
	v47 =	vadd.f32 v47, v21  }
0x15a: {  	s14 =	sor.u32 $0x2300, s25;
	s25 =	sor.u32 $0x2200, s13;
	s13 =	sld [smem:$0x7DB];
	v57 =	vmul.f32 v59, v22;
	[tilespmem:s12+$0xA180] =	vst v60;
	v63 =	vadd.f32 v53, v21  }
0x15b: {  	v43 =	vld [tilespmem:s14+$0x0];
	s5 =	sor.u32 $0x300, s18;
	v52 =	vmul.f32 v61, v13;
	v49 =	vadd.f32 v49, v21;
	[tilespmem:s8+$0x8000] =	vst v47  }
0x15c: {  	p1 =	por !p1, !p1;
	s2 =	simm.s32 $0x1;
	v62 =	vld [tilespmem:s5+$0x0];
	v59 =	vadd.f32 v57, v21;
	[tilespmem:s8+$0x8080] =	vst v63  }
0x15d: {  	s2 =	simm.s32 @!p1 $0x0;
	v58 =	vld [tilespmem:s25+$0x0];
	v52 =	vadd.f32 v52, v12;
	[tilespmem:s8+$0x8100] =	vst v49  }
0x15e: {  	s1 =	sor.u32 $0x2280, s20;
	s2 =	sshll.u32 s2, $0x6;
	v42 =	vld [tilespmem:s23+$0x0];
	s7 =	sor.u32 $0x300, s21;
	v61 =	vmul.f32 v55, v10;
	[tilespmem:s8+$0x8180] =	vst v59  }
0x15f: {  	v32 =	vmul.f32 v39, v32;
	s24 =	smov.u32 s28;
	s30 =	sadd.s32 $0x800, s2;
	v48 =	vld [tilespmem:s7+$0x0];
	s28 =	sld [smem:$0x7DC];
	[tilespmem:s11+$0x8000] =	vst v52  }
0x160: {  	s2 =	sadd.s32 $0x30, s30;
	v51 =	vld [tilespmem:s1+$0x0];
	s22 =	sor.u32 $0x2380, s13;
	v49 =	vadd.f32 v61, v8;
	s21 =	sld [smem:$0x7DD]  }
0x161: {  	v31 =	vadd.f32 v32, v31;
	s0 =	sor.u32 $0x200, s2;
	v47 =	vld [tilespmem:s22+$0x0];
	v62 =	vmul.f32 v62, v18  }
0x162: {  	s4 =	sor.u32 $0x380, s17;
	v57 =	vmul.f32 v58, v11;
	v63 =	vld [tilespmem:s0+$0x0];
	[tilespmem:s9+$0x8000] =	vst v49  }
0x163: {  	v58 =	vld [tilespmem:s4+$0x0];
	v32 =	vadd.f32 v62, v17;
	s12 =	sor.u32 $0x2200, s28;
	[tilespmem:s21+$0x8000] =	vst v31;
	s21 =	simm.s32 $0x10500  }
0x164: {  	v59 =	vadd.f32 v57, v9;
	v56 =	vld [tilespmem:s12+$0x0];
	[dreg:$0x7] =	wrdreg s21  }
0x165: {  	[tilespmem:s5+$0x8000] =	vst v32  }
0x166: {  	v36 =	vmul.f32 v40, v36;
	s11 =	simm.s32 $0x10500;
	[tilespmem:s25+$0x8000] =	vst v59  }
0x167: {  	v31 =	vld [tilespmem:s11+$0x0];
	s11 =	sld [smem:$0x7DE]  }
0x168: {  	v60 =	vadd.f32 v36, v35;
	v62 =	vmul.f32 v51, v34  }
0x169: {  	v39 =	vmul.f32 v63, v22  }
0x16a: {  	v38 =	vmul.f32 v41, v38;
	s9 =	sor.u32 $0x2280, s24;
	v36 =	vadd.f32 v62, v33;
	v63 =	vmul.f32 v48, v7;
	[tilespmem:s11+$0x8000] =	vst v60  }
0x16b: {  	v61 =	vld [tilespmem:s9+$0x0];
	s5 =	sor.u32 $0x380, s18;
	v39 =	vadd.f32 v39, v21;
	s13 =	sld [smem:$0x7DF]  }
0x16c: {  	v37 =	vadd.f32 v38, v37;
	s21 =	sor.u32 $0x2280, s31;
	v53 =	vmul.f32 v58, v13;
	v38 =	vld [tilespmem:s5+$0x0];
	v32 =	vadd.f32 v63, v5;
	s25 =	sld [smem:$0x7E0];
	[tilespmem:s1+$0x8000] =	vst v36  }
0x16d: {  	v54 =	vmul.f32 v44, v3;
	v41 =	vld [tilespmem:s21+$0x0];
	s1 =	sor.u32 $0x2300, s20;
	[tilespmem:s0+$0x8000] =	vst v39  }
0x16e: {  	v52 =	vmul.f32 v56, v6;
	s0 =	sor.u32 $0x280, s2;
	[tilespmem:s7+$0x8000] =	vst v32;
	v36 =	vadd.f32 v53, v12;
	v55 =	vld [tilespmem:s1+$0x0]  }
0x16f: {  	v58 =	vadd.f32 v54, v2;
	v56 =	vmul.f32 v45, v30;
	v57 =	vld [tilespmem:s0+$0x0];
	s13 =	sor.u32 s10, s13;
	[tilespmem:s25+$0x8000] =	vst v37  }
0x170: {  	v35 =	vmul.f32 v61, v10;
	v37 =	vadd.f32 v52, v4;
	v48 =	vld [tilespmem:s13+$0x0];
	s7 =	sld [smem:$0x7E1];
	[tilespmem:s4+$0x8000] =	vst v36  }
0x171: {  	v32 =	vadd.f32 v56, v29;
	v38 =	vmul.f32 v38, v18;
	v40 =	vld [tilespmem:s13+$0x80];
	[tilespmem:s26+$0x8000] =	vst v58  }
0x172: {  	v59 =	vmul.f32 v46, v16;
	v52 =	vadd.f32 v35, v8;
	v63 =	vld [tilespmem:s13+$0x100];
	[tilespmem:s12+$0x8000] =	vst v37  }
0x173: {  	v41 =	vmul.f32 v41, v11;
	v54 =	vadd.f32 v38, v17;
	v53 =	vld [tilespmem:s13+$0x180];
	s4 =	sld [smem:$0x7E2];
	[tilespmem:s29+$0x8000] =	vst v32  }
0x174: {  	v43 =	vmul.f32 v43, v1;
	v27 =	vmul.f32 v47, v27;
	v62 =	vadd.f32 v59, v14;
	[tilespmem:s9+$0x8000] =	vst v52;
	v52 =	vld [tilespmem:s6+$0x2000]  }
0x175: {  	v25 =	vmul.f32 v42, v25;
	v41 =	vadd.f32 v41, v9;
	[tilespmem:s5+$0x8000] =	vst v54;
	v54 =	vld [tilespmem:s6+$0x2100]  }
0x176: {  	v43 =	vadd.f32 v43, v0;
	v27 =	vadd.f32 v27, v28;
	[tilespmem:s19+$0x8000] =	vst v62;
	s11 =	sor.u32 s7, s10;
	v28 =	vld [tilespmem:s16+$0x2100]  }
0x177: {  	v25 =	vadd.f32 v25, v26;
	v44 =	vmul.f32 v55, v34;
	[tilespmem:s21+$0x8000] =	vst v41;
	v60 =	vld [tilespmem:s11+$0x0]  }
0x178: {  	v45 =	vmul.f32 v57, v22;
	[tilespmem:s14+$0x8000] =	vst v43;
	v61 =	vld [tilespmem:s11+$0x80]  }
0x179: {  	[tilespmem:s23+$0x8000] =	vst v25;
	v44 =	vadd.f32 v44, v33;
	v59 =	vld [tilespmem:s11+$0x100];
	v58 =	vmul.f32 v48, v20  }
0x17a: {  	[tilespmem:s22+$0x8000] =	vst v27;
	v45 =	vadd.f32 v45, v21;
	s25 =	sor.u32 s10, s4;
	v40 =	vmul.f32 v40, v20;
	v35 =	vmul.f32 v53, v20;
	v53 =	vld [tilespmem:s6+$0x2080]  }
0x17b: {  	v39 =	vmul.f32 v63, v20;
	v55 =	vld [tilespmem:s25+$0x0];
	[tilespmem:s1+$0x8000] =	vst v44;
	v44 =	vadd.f32 v58, v19  }
0x17c: {  	v56 =	vld [tilespmem:s25+$0x80];
	[tilespmem:s0+$0x8000] =	vst v45;
	v40 =	vadd.f32 v40, v19  }
0x17d: {  	v57 =	vld [tilespmem:s25+$0x100];
	v39 =	vadd.f32 v39, v19;
	v46 =	vmul.f32 v60, v31;
	[tilespmem:s13+$0x8000] =	vst v44  }
0x17e: {  	s5 =	simm.s32 $0x600;
	s4 =	simm.s32 $0xC0;
	v35 =	vadd.f32 v35, v19;
	v36 =	vmul.f32 v61, v31;
	v61 =	vld [tilespmem:s25+$0x180];
	[tilespmem:s13+$0x8080] =	vst v40  }
0x17f: {  	s10 =	sor.u32 $0x2380, s20;
	s0 =	sor.u32 s4, s5;
	s4 =	sadd.s32 $0x10, s30;
	v60 =	vld [tilespmem:s11+$0x180];
	[tilespmem:s13+$0x8100] =	vst v39;
	v48 =	vmul.f32 v59, v31;
	v46 =	vadd.f32 v46, v15  }
0x180: {  	v62 =	vld [tilespmem:s10+$0x0];
	s7 =	sor.u32 $0x200, s4;
	[tilespmem:s13+$0x8180] =	vst v35;
	v36 =	vadd.f32 v36, v15;
	v38 =	vmul.f32 v55, v23  }
0x181: {  	s29 =	sor.u32 $0x300, s2;
	v32 =	vmul.f32 v56, v23;
	v56 =	vld [tilespmem:s7+$0x0];
	v48 =	vadd.f32 v48, v15;
	[tilespmem:s11+$0x8000] =	vst v46  }
0x182: {  	v37 =	vmul.f32 v57, v23;
	v57 =	vld [tilespmem:s29+$0x0];
	[tilespmem:s11+$0x8080] =	vst v36;
	v38 =	vadd.f32 v38, v24  }
0x183: {  	s1 =	sor.u32 $0x380, s0;
	v58 =	vld [tilespmem:s16+$0x2000];
	v32 =	vadd.f32 v32, v24;
	[tilespmem:s11+$0x8100] =	vst v48;
	v46 =	vmul.f32 v61, v23  }
0x184: {  	v63 =	vld [tilespmem:s1+$0x0];
	v37 =	vadd.f32 v37, v24;
	v45 =	vmul.f32 v60, v31;
	[tilespmem:s25+$0x8000] =	vst v38  }
0x185: {  	v59 =	vld [tilespmem:s16+$0x2080];
	[tilespmem:s25+$0x8080] =	vst v32;
	v46 =	vadd.f32 v46, v24  }
0x186: {  	s19 =	sadd.s32 $0x20, s30;
	v55 =	vld [tilespmem:s6+$0x2180];
	[tilespmem:s25+$0x8100] =	vst v37;
	v45 =	vadd.f32 v45, v15;
	v26 =	vmul.f32 v56, v20  }
0x187: {  	s9 =	sor.u32 $0x200, s19;
	v25 =	vmul.f32 v62, v34;
	v62 =	vld [tilespmem:s16+$0x2180];
	v37 =	vmul.f32 v57, v22;
	[tilespmem:s25+$0x8180] =	vst v46  }
0x188: {  	s12 =	sor.u32 $0x200, s30;
	s23 =	sor.u32 $0x2280, s28;
	[tilespmem:s11+$0x8180] =	vst v45;
	v26 =	vadd.f32 v26, v19;
	v60 =	vld [tilespmem:s9+$0x0]  }
0x189: {  	v27 =	vmul.f32 v63, v7;
	v37 =	vadd.f32 v37, v21;
	v61 =	vld [tilespmem:s12+$0x0];
	[smem:$0x7E3] =	sst s23  }
0x18a: {  	v25 =	vadd.f32 v25, v33;
	[tilespmem:s7+$0x8000] =	vst v26  }
0x18b: {  	v27 =	vadd.f32 v27, v5;
	[tilespmem:s29+$0x8000] =	vst v37  }
0x18c: {  	s26 =	sor.u32 $0x2300, s24;
	s22 =	smov.u32 s24;
	s24 =	sor.u32 $0x280, s4;
	[tilespmem:s10+$0x8000] =	vst v25;
	v25 =	vmul.f32 v52, v13  }
0x18d: {  	s29 =	sor.u32 $0x380, s2;
	[tilespmem:s1+$0x8000] =	vst v27;
	v27 =	vmul.f32 v53, v13;
	v48 =	vld [tilespmem:s24+$0x0]  }
0x18e: {  	v49 =	vld [tilespmem:s29+$0x0];
	v25 =	vadd.f32 v25, v12;
	v47 =	vmul.f32 v60, v23  }
0x18f: {  	v27 =	vadd.f32 v27, v12;
	v32 =	vmul.f32 v61, v31  }
0x190: {  	v51 =	vmul.f32 v54, v13;
	[tilespmem:s6+$0xA000] =	vst v25;
	v33 =	vadd.f32 v47, v24  }
0x191: {  	v53 =	vmul.f32 v55, v13;
	[tilespmem:s6+$0xA080] =	vst v27;
	v32 =	vadd.f32 v32, v15  }
0x192: {  	v63 =	vld [tilespmem:s23+$0x0];
	v25 =	vmul.f32 v48, v20;
	[tilespmem:s9+$0x8000] =	vst v33;
	v33 =	vadd.f32 v51, v12  }
0x193: {  	v26 =	vld [tilespmem:s26+$0x0];
	s10 =	sor.u32 $0x2300, s31;
	v56 =	vmul.f32 v49, v22;
	[tilespmem:s12+$0x8000] =	vst v32;
	v32 =	vadd.f32 v53, v12  }
0x194: {  	v50 =	vld [tilespmem:s10+$0x0];
	v25 =	vadd.f32 v25, v19;
	[tilespmem:s6+$0xA100] =	vst v33  }
0x195: {  	v52 =	vld [tilespmem:s15+$0x2000];
	v37 =	vadd.f32 v56, v21;
	[tilespmem:s6+$0xA180] =	vst v32  }
0x196: {  	v54 =	vld [tilespmem:s15+$0x2080];
	[tilespmem:s24+$0x8000] =	vst v25  }
0x197: {  	v55 =	vld [tilespmem:s15+$0x2100];
	s5 =	sld [smem:$0x7E4];
	[tilespmem:s29+$0x8000] =	vst v37  }
0x198: {  	v60 =	vld [tilespmem:s15+$0x2180];
	s12 =	sor.u32 $0x280, s19;
	s21 =	sld [smem:$0x7E7]  }
0x199: {  	v57 =	vmul.f32 v58, v18;
	s9 =	sor.u32 $0x280, s30;
	v27 =	vld [tilespmem:s12+$0x0]  }
0x19a: {  	s1 =	sor.u32 $0x2200, s17;
	v58 =	vld [tilespmem:s9+$0x0];
	s6 =	sld [smem:$0x7E5]  }
0x19b: {  	s20 =	smov.u32 s28;
	v25 =	vadd.f32 v57, v17;
	v61 =	vld [tilespmem:s1+$0x0];
	s28 =	sor.u32 $0x2300, s5;
	s5 =	sor.u32 $0x2380, s21  }
0x19c: {  	v34 =	vmul.f32 v62, v18;
	v62 =	vld [tilespmem:s28+$0x0];
	[dreg:$0x9] =	wrdreg s5  }
0x19d: {  	s14 =	sld [smem:$0x7E6];
	s7 =	sor.u32 $0x2380, s6;
	[tilespmem:s16+$0xA000] =	vst v25  }
0x19e: {  	v36 =	vmul.f32 v63, v6;
	s24 =	smov.u32 s7;
	v63 =	vld [tilespmem:s7+$0x0];
	s7 =	sld [smem:$0x7E9]  }
0x19f: {  	v59 =	vmul.f32 v59, v18  }
0x1a0: {  	s29 =	sor.u32 $0x2380, s14;
	s14 =	sor.u32 $0x2300, s20  }
0x1a1: {  	v28 =	vmul.f32 v28, v18;
	v32 =	vadd.f32 v59, v17;
	[dreg:$0x1b] =	wrdreg s14;
	s5 =	sor.u32 $0x2380, s7  }
0x1a2: {  	[dreg:$0xe] =	wrdreg s5  }
0x1a3: {  	s0 =	sor.u32 $0x2380, s0;
	v28 =	vadd.f32 v28, v17;
	s6 =	sor.u32 $0x300, s4;
	s23 =	sld [smem:$0x7E8];
	[tilespmem:s16+$0xA080] =	vst v32  }
0x1a4: {  	v25 =	vmul.f32 v27, v23;
	v27 =	vadd.f32 v34, v17;
	v47 =	vld [tilespmem:s6+$0x0];
	[dreg:$0x12] =	wrdreg s0  }
0x1a5: {  	[tilespmem:s16+$0xA100] =	vst v28  }
0x1a6: {  	[tilespmem:s16+$0xA180] =	vst v27  }
0x1a7: {  	s16 =	sld [smem:$0x7EA];
	_ =	sdelay $0x2  }
0x1a8: {  	s21 =	sor.u32 $0x2380, s23;
	s23 =	sor.u32 $0x2280, s16  }
0x1a9: {  	s5 =	smov.u32 s1;
	v48 =	vld [tilespmem:s8+$0x2000];
	v28 =	vadd.f32 v25, v24;
	s1 =	sor.u32 $0x2300, s16;
	[dreg:$0x16] =	wrdreg s23  }
0x1aa: {  	[smem:$0x7EB] =	sst s1  }
0x1ab: {  	v33 =	vmul.f32 v58, v31;
	s7 =	sor.u32 $0x2280, s17;
	[tilespmem:s12+$0x8000] =	vst v28  }
0x1ac: {  	v49 =	vld [tilespmem:s8+$0x2080];
	s12 =	sor.u32 $0x2300, s17;
	[smem:$0x7EC] =	sst s7  }
0x1ad: {  	v33 =	vadd.f32 v33, v15;
	s14 =	sor.u32 $0x2380, s17;
	[dreg:$0x15] =	wrdreg s12  }
0x1ae: {  	s20 =	sor.u32 $0x2380, s22;
	[dreg:$0x1a] =	wrdreg s14  }
0x1af: {  	v35 =	vmul.f32 v52, v7;
	s22 =	sor.u32 $0x2380, s31;
	s31 =	sor.u32 $0x2200, s16;
	s16 =	sor.u32 $0x2280, s18;
	v51 =	vld [tilespmem:s8+$0x2100];
	[tilespmem:s9+$0x8000] =	vst v33  }
0x1b0: {  	v27 =	vmul.f32 v54, v7;
	s17 =	sor.u32 $0x2300, s18;
	v54 =	vld [tilespmem:s8+$0x2180];
	[dreg:$0x1f] =	wrdreg s16  }
0x1b1: {  	v35 =	vadd.f32 v35, v5;
	s9 =	sor.u32 $0x2200, s18;
	s18 =	sor.u32 $0x2380, s18;
	[dreg:$0x18] =	wrdreg s17  }
0x1b2: {  	s1 =	simm.s32 $0x100;
	[dreg:$0x1d] =	wrdreg s18  }
0x1b3: {  	s23 =	simm.s32 $0x100;
	s0 =	sor.u32 s1, s3;
	[tilespmem:s15+$0xA000] =	vst v35  }
0x1b4: {  	s7 =	sor.u32 $0x380, s0;
	v56 =	vld [tilespmem:s9+$0x0];
	[dreg:$0x5] =	wrdreg s23  }
0x1b5: {  	v52 =	vadd.f32 v27, v5;
	s0 =	sor.u32 $0x2380, s0;
	[smem:$0x7ED] =	sst s7  }
0x1b6: {  	[smem:$0x7EE] =	sst s0  }
0x1b7: {  	v28 =	vmul.f32 v50, v11;
	v50 =	vmul.f32 v55, v7;
	s12 =	sor.u32 $0x2200, s30;
	s17 =	sor.u32 $0x300, s19;
	[tilespmem:s15+$0xA080] =	vst v52  }
0x1b8: {  	v53 =	vmul.f32 v60, v7;
	s14 =	sor.u32 $0x2280, s30;
	v58 =	vld [tilespmem:s17+$0x0];
	[smem:$0x7EF] =	sst s12  }
0x1b9: {  	v27 =	vadd.f32 v28, v9;
	v28 =	vadd.f32 v50, v5;
	s16 =	sor.u32 $0x2300, s30;
	[smem:$0x7F0] =	sst s14  }
0x1ba: {  	v57 =	vadd.f32 v53, v5;
	v55 =	vmul.f32 v47, v20;
	[smem:$0x7F1] =	sst s16  }
0x1bb: {  	[tilespmem:s15+$0xA100] =	vst v28  }
0x1bc: {  	s7 =	sor.u32 $0x300, s30;
	s23 =	smov.u32 s21;
	v28 =	vadd.f32 v55, v19;
	v33 =	vld [tilespmem:s21+$0x0];
	[tilespmem:s15+$0xA180] =	vst v57;
	s21 =	sor.u32 $0x2280, s4  }
0x1bd: {  	v46 =	vmul.f32 v26, v10;
	v26 =	vadd.f32 v36, v4;
	v59 =	vmul.f32 v48, v22;
	v36 =	vld [tilespmem:s7+$0x0];
	[smem:$0x7F2] =	sst s21  }
0x1be: {  	s15 =	smov.u32 s10;
	s10 =	sor.u32 $0x2300, s4;
	[tilespmem:s6+$0x8000] =	vst v28  }
0x1bf: {  	v60 =	vadd.f32 v59, v21;
	v34 =	vmul.f32 v49, v22;
	s12 =	sor.u32 $0x2380, s4;
	[smem:$0x7F3] =	sst s10  }
0x1c0: {  	v37 =	vmul.f32 v62, v3;
	[smem:$0x7F4] =	sst s12  }
0x1c1: {  	s18 =	sor.u32 $0x380, s4;
	v62 =	vadd.f32 v34, v21;
	s14 =	sor.u32 $0x2200, s19;
	v34 =	vld [tilespmem:s31+$0x0];
	[tilespmem:s8+$0xA000] =	vst v60  }
0x1c2: {  	s30 =	smov.u32 s18;
	v28 =	vadd.f32 v37, v2;
	v37 =	vld [tilespmem:s18+$0x0];
	s18 =	sor.u32 $0x2280, s19;
	[smem:$0x7F5] =	sst s14  }
0x1c3: {  	v40 =	vmul.f32 v61, v13;
	v30 =	vmul.f32 v63, v30;
	s21 =	sor.u32 $0x2300, s19;
	[smem:$0x7F6] =	sst s18  }
0x1c4: {  	v61 =	vmul.f32 v51, v22;
	[smem:$0x7F7] =	sst s21  }
0x1c5: {  	v32 =	vadd.f32 v40, v12;
	v30 =	vadd.f32 v30, v29;
	s16 =	sor.u32 $0x2200, s4;
	v63 =	vmul.f32 v54, v22;
	[tilespmem:s8+$0xA080] =	vst v62  }
0x1c6: {  	v25 =	vadd.f32 v46, v8;
	v38 =	vadd.f32 v61, v21;
	s12 =	sor.u32 $0x380, s19;
	s14 =	sor.u32 $0x2380, s19;
	[dreg:$0x11] =	wrdreg s29  }
0x1c7: {  	v35 =	vmul.f32 v56, v18;
	v39 =	vadd.f32 v63, v21;
	v40 =	vmul.f32 v58, v23;
	s19 =	smov.u32 s9;
	s18 =	simm.s32 $0x10;
	s9 =	simm.s32 $0x10140;
	v29 =	vld [tilespmem:s29+$0x0]  }
.LBB2_3:
0x1c8: {  	[smem:$0x7C6] =	sst s22  }
0x1c9: {  	[smem:$0x7C7] =	sst s14  }
0x1ca: {  	s0 =	rddreg [dreg:$0x7]  }
0x1cb: {  	s10 =	rddreg [dreg:$0x5]  }
0x1cc: {  	s21 =	sld [smem:$0x7EC];
	[tilespmem:s8+$0xA100] =	vst v38  }
0x1cd: {  	s29 =	rddreg [dreg:$0x1f];
	v40 =	vadd.f32 v40, v24;
	[tilespmem:s8+$0xA180] =	vst v39;
	s10 =	sadd.s32 $0x40, s10  }
0x1ce: {  	s0 =	sadd.s32 $0x40, s0;
	v33 =	vmul.f32 v33, v16;
	[tilespmem:s5+$0x8000] =	vst v32;
	s14 =	smov.u32 s16;
	s5 =	sand.u32 $0x40, s10  }
0x1cf: {  	v41 =	vld [tilespmem:s9+$0x0];
	v35 =	vadd.f32 v35, v17;
	s16 =	sand.u32 $0x380, s10;
	v36 =	vmul.f32 v36, v31;
	[smem:$0x7CA] =	sst s14;
	[tilespmem:s17+$0x8000] =	vst v40;
	s14 =	sor.u32 $0x30, s5  }
0x1d0: {  	s1 =	smov.u32 s12;
	[dreg:$0x7] =	wrdreg s0;
	v49 =	vadd.f32 v33, v14;
	v14 =	vmovc v9;
	v9 =	vmovc v17;
	v17 =	vmov v24;
	v48 =	vmul.f32 v34, v7;
	v24 =	vld [tilespmem:s12+$0x0];
	s12 =	sor.u32 s16, s14  }
0x1d1: {  	[dreg:$0x5] =	wrdreg s10;
	v50 =	vadd.f32 v36, v15;
	v32 =	vld [tilespmem:s12+$0x10000]  }
0x1d2: {  	s3 =	sadd.s32 $0x200, s3;
	s6 =	sor.u32 $0x10, s5;
	v51 =	vmul.f32 v37, v20;
	v33 =	vld [tilespmem:s12+$0x10400];
	s12 =	sld [smem:$0x7E3];
	v53 =	vadd.f32 v48, v5  }
0x1d3: {  	v47 =	vld [tilespmem:s0+$0x0];
	s17 =	sor.u32 $0x20, s5;
	s0 =	sor.u32 s16, s6;
	[tilespmem:s7+$0x8000] =	vst v50;
	s7 =	sand.u32 $0x1C00, s3  }
0x1d4: {  	s22 =	sor.u32 s16, s17;
	v54 =	vadd.f32 v51, v19;
	[tilespmem:s31+$0x8000] =	vst v53;
	s8 =	sor.u32 s7, s14;
	s14 =	sld [smem:$0x7F5]  }
0x1d5: {  	s16 =	sor.u32 s5, s7;
	s5 =	sor.u32 s10, s3;
	[tilespmem:s12+$0x8000] =	vst v26;
	s12 =	sld [smem:$0x7EF]  }
0x1d6: {  	v52 =	vld [tilespmem:s21+$0x0];
	[tilespmem:s30+$0x8000] =	vst v54;
	s10 =	sor.u32 $0x380, s5;
	s30 =	sor.u32 $0x2380, s5;
	s5 =	sld [smem:$0x7F0]  }
0x1d7: {  	[smem:$0x7C9] =	sst s10  }
0x1d8: {  	s31 =	sor.u32 s7, s17;
	s10 =	rddreg [dreg:$0x15];
	s17 =	smov.u32 s14  }
0x1d9: {  	[tilespmem:s19+$0x8000] =	vst v35;
	[smem:$0x7CC] =	sst s17  }
0x1da: {  	v55 =	vld [tilespmem:s29+$0x0];
	s14 =	smov.u32 s12;
	s17 =	rddreg [dreg:$0x16]  }
0x1db: {  	s19 =	sor.u32 s7, s6;
	s7 =	smov.u32 s5;
	[smem:$0x7D1] =	sst s14  }
0x1dc: {  	s12 =	smov.u32 s10;
	[dreg:$0x16] =	wrdreg s7  }
0x1dd: {  	v16 =	vmov v11;
	v11 =	vmov v18;
	v18 =	vmov v23;
	[smem:$0x7C8] =	sst s12  }
0x1de: {  	v24 =	vmul.f32 v24, v18;
	s14 =	sld [smem:$0x7F3]  }
0x1df: {  	v29 =	vmul.f32 v29, v1;
	[tilespmem:s26+$0x8000] =	vst v25;
	v58 =	vmul.f32 v55, v11;
	s26 =	smov.u32 s17;
	s17 =	sld [smem:$0x7F2]  }
0x1e0: {  	v24 =	vadd.f32 v24, v17;
	s7 =	sld [smem:$0x7F7]  }
0x1e1: {  	s4 =	sor.u32 $0x2200, s2;
	[tilespmem:s15+$0x8000] =	vst v27;
	v56 =	vadd.f32 v29, v0;
	v29 =	vmul.f32 v52, v13;
	v36 =	vadd.f32 v58, v9;
	[smem:$0x7E3] =	sst s26  }
0x1e2: {  	v23 =	vld [tilespmem:s4+$0x0];
	[tilespmem:s1+$0x8000] =	vst v24;
	s26 =	rddreg [dreg:$0x18]  }
0x1e3: {  	v29 =	vadd.f32 v29, v12;
	[tilespmem:s29+$0x8000] =	vst v36;
	s29 =	sld [smem:$0x7F1]  }
0x1e4: {  	s15 =	smov.u32 s14;
	s14 =	sld [smem:$0x7F6]  }
0x1e5: {  	[tilespmem:s21+$0x8000] =	vst v29;
	s21 =	smov.u32 s17;
	s17 =	rddreg [dreg:$0x1b]  }
0x1e6: {  	[dreg:$0x15] =	wrdreg s15  }
0x1e7: {  	v23 =	vmul.f32 v23, v22;
	s12 =	smov.u32 s7;
	[smem:$0x7EC] =	sst s21  }
0x1e8: {  	v57 =	vld [tilespmem:s8+$0x0];
	[dreg:$0x18] =	wrdreg s12  }
0x1e9: {  	v26 =	vld [tilespmem:s8+$0x80];
	v23 =	vadd.f32 v23, v21;
	s21 =	sld [smem:$0x7EB]  }
0x1ea: {  	v25 =	vld [tilespmem:s8+$0x100];
	s7 =	smov.u32 s29;
	s12 =	smov.u32 s20;
	s20 =	sld [smem:$0x7F4]  }
0x1eb: {  	p1 =	por !p1, !p1;
	v27 =	vld [tilespmem:s8+$0x180];
	[tilespmem:s4+$0x8000] =	vst v23;
	s4 =	sor.u32 $0x2280, s2;
	[smem:$0x7EB] =	sst s7  }
0x1ec: {  	s1 =	simm.s32 $0x1;
	[smem:$0x7CF] =	sst s12;
	s15 =	smov.u32 s14  }
0x1ed: {  	v23 =	vld [tilespmem:s4+$0x0];
	s1 =	simm.s32 @!p1 $0x0;
	[dreg:$0x1f] =	wrdreg s15  }
0x1ee: {  	v29 =	vld [tilespmem:s0+$0x10400];
	s6 =	smov.u32 s26;
	s26 =	smov.u32 s21;
	s15 =	rddreg [dreg:$0x1a]  }
0x1ef: {  	v24 =	vld [tilespmem:s19+$0x0];
	v26 =	vmul.f32 v26, v33;
	s1 =	sshll.u32 s1, $0x6;
	s21 =	smov.u32 s20;
	[dreg:$0x1b] =	wrdreg s26  }
0x1f0: {  	v59 =	vld [tilespmem:s19+$0x80];
	s14 =	smov.u32 s17;
	s17 =	smov.u32 s15;
	[dreg:$0x1a] =	wrdreg s21  }
0x1f1: {  	[tilespmem:s28+$0x8000] =	vst v28;
	v28 =	vld [tilespmem:s19+$0x100];
	v26 =	vadd.f32 v26, v32;
	s15 =	sadd.s32 s1, s3;
	s1 =	smov.u32 s3;
	[smem:$0x7CD] =	sst s17  }
0x1f2: {  	v27 =	vmul.f32 v27, v33;
	v62 =	vld [tilespmem:s31+$0x80];
	s12 =	sor.u32 $0x280, s15;
	s3 =	smov.u32 s1;
	s1 =	rddreg [dreg:$0x12]  }
0x1f3: {  	v60 =	vmul.f32 v23, v22;
	v23 =	vld [tilespmem:s22+$0x10400];
	[tilespmem:s8+$0x8080] =	vst v26;
	s21 =	sor.u32 $0x300, s15;
	[smem:$0x7CE] =	sst s12  }
0x1f4: {  	v26 =	vadd.f32 v27, v32;
	v27 =	vmul.f32 v24, v29;
	v24 =	vld [tilespmem:s31+$0x0];
	[tilespmem:s23+$0x8000] =	vst v49;
	s29 =	sadd.s32 $0x10, s15;
	[smem:$0x7D2] =	sst s21  }
0x1f5: {  	[tilespmem:s24+$0x8000] =	vst v30;
	v34 =	vld [tilespmem:s31+$0x100];
	s24 =	sor.u32 $0x280, s29;
	s12 =	rddreg [dreg:$0x11]  }
0x1f6: {  	s17 =	sor.u32 $0x300, s29;
	[smem:$0x7CB] =	sst s24  }
0x1f7: {  	s23 =	sor.u32 $0x380, s29;
	[smem:$0x7D0] =	sst s17  }
0x1f8: {  	s21 =	sor.u32 $0x2200, s29;
	[smem:$0x7D4] =	sst s23  }
0x1f9: {  	v35 =	vmul.f32 v57, v33;
	s28 =	sadd.s32 $0x20, s15;
	[smem:$0x7D3] =	sst s21  }
0x1fa: {  	v25 =	vmul.f32 v25, v33;
	s23 =	sor.u32 $0x2200, s28;
	v42 =	vmul.f32 v34, v23;
	v34 =	vld [tilespmem:s0+$0x10000];
	s0 =	sld [smem:$0x7EE]  }
0x1fb: {  	v35 =	vadd.f32 v35, v32;
	s21 =	sor.u32 $0x2200, s15;
	[smem:$0x7F5] =	sst s23  }
0x1fc: {  	v25 =	vadd.f32 v25, v32;
	s26 =	sadd.s32 $0x30, s15;
	[smem:$0x7EF] =	sst s21;
	s23 =	sor.u32 $0x2280, s29  }
0x1fd: {  	[tilespmem:s8+$0x8000] =	vst v35;
	s7 =	sor.u32 $0x200, s15;
	s21 =	sor.u32 $0x2280, s28;
	[smem:$0x7F2] =	sst s23  }
0x1fe: {  	[tilespmem:s8+$0x8100] =	vst v25;
	v25 =	vadd.f32 v60, v21;
	s20 =	sor.u32 $0x200, s28;
	[smem:$0x7F6] =	sst s21;
	s23 =	sor.u32 $0x2280, s15  }
0x1ff: {  	v30 =	vld [tilespmem:s19+$0x180];
	[tilespmem:s8+$0x8180] =	vst v26;
	s10 =	sor.u32 $0x200, s26;
	s21 =	sor.u32 $0x2300, s29;
	[smem:$0x7F0] =	sst s23  }
0x200: {  	v26 =	vmul.f32 v28, v29;
	v28 =	vld [tilespmem:s10+$0x0];
	[tilespmem:s4+$0x8000] =	vst v25;
	s4 =	sor.u32 $0x280, s28;
	s15 =	sor.u32 $0x2300, s15;
	[smem:$0x7F3] =	sst s21  }
0x201: {  	s17 =	sor.u32 $0x300, s28;
	[tilespmem:s12+$0x8000] =	vst v56;
	s12 =	sor.u32 $0x380, s28;
	[smem:$0x7F1] =	sst s15  }
0x202: {  	s23 =	sor.u32 $0x2300, s28;
	s15 =	sor.u32 $0x2380, s28;
	s28 =	rddreg [dreg:$0x9]  }
0x203: {  	s24 =	sor.u32 $0x2300, s2;
	s21 =	sor.u32 $0x2380, s29;
	[smem:$0x7F7] =	sst s23  }
0x204: {  	s5 =	sor.u32 $0x200, s29;
	v25 =	vmul.f32 v30, v29;
	v30 =	vld [tilespmem:s24+$0x0];
	[smem:$0x7F4] =	sst s21  }
0x205: {  	v63 =	vmul.f32 v24, v23;
	v24 =	vld [tilespmem:s31+$0x180];
	s29 =	smov.u32 s28;
	s23 =	rddreg [dreg:$0xe];
	s21 =	smov.u32 s0  }
0x206: {  	v45 =	vld [tilespmem:s16+$0x0];
	s28 =	smov.u32 s23;
	s23 =	smov.u32 s1;
	s1 =	sld [smem:$0x7C6]  }
0x207: {  	v46 =	vld [tilespmem:s16+$0x80];
	[dreg:$0x12] =	wrdreg s21  }
0x208: {  	v28 =	vmul.f32 v28, v33;
	[dreg:$0xe] =	wrdreg s23  }
0x209: {  	v1 =	vmovc v3;
	v3 =	vmov v6;
	v6 =	vmov v7;
	v52 =	vld [tilespmem:s13+$0x2000];
	v30 =	vmul.f32 v30, v22;
	s23 =	smov.u32 s30;
	s21 =	smov.u32 s1;
	s1 =	sld [smem:$0x7C7]  }
0x20a: {  	v7 =	vmovc v31;
	v0 =	vmovc v2;
	v2 =	vmov v4;
	v31 =	vmov v47;
	v58 =	vld [tilespmem:s25+$0x2000];
	v28 =	vadd.f32 v28, v32;
	[smem:$0x7EE] =	sst s23  }
0x20b: {  	v4 =	vmovc v5;
	v61 =	vmul.f32 v59, v29;
	v59 =	vld [tilespmem:s25+$0x2080];
	s0 =	sor.u32 $0x280, s26;
	v38 =	vmul.f32 v45, v31;
	s23 =	rddreg [dreg:$0x1d];
	v30 =	vadd.f32 v30, v21  }
0x20c: {  	v5 =	vmovc v15;
	v15 =	vmov v41;
	v43 =	vmul.f32 v24, v23;
	v24 =	vld [tilespmem:s22+$0x10000];
	s22 =	smov.u32 s23;
	[tilespmem:s10+$0x8000] =	vst v28;
	v28 =	vmul.f32 v46, v31;
	s23 =	smov.u32 s1;
	s1 =	sld [smem:$0x7ED]  }
0x20d: {  	v49 =	vld [tilespmem:s0+$0x0];
	[tilespmem:s24+$0x8000] =	vst v30;
	v30 =	vadd.f32 v38, v15  }
0x20e: {  	v47 =	vld [tilespmem:s16+$0x100];
	v28 =	vadd.f32 v28, v15  }
0x20f: {  	v27 =	vadd.f32 v27, v34;
	s24 =	sor.u32 $0x2380, s2;
	v44 =	vld [tilespmem:s1+$0x0];
	[tilespmem:s16+$0x8000] =	vst v30  }
0x210: {  	v51 =	vld [tilespmem:s24+$0x0];
	v30 =	vadd.f32 v61, v34;
	[tilespmem:s16+$0x8080] =	vst v28  }
0x211: {  	v28 =	vld [tilespmem:s13+$0x2080];
	[tilespmem:s19+$0x8000] =	vst v27;
	v27 =	vadd.f32 v63, v24  }
0x212: {  	v36 =	vmul.f32 v62, v23;
	v26 =	vadd.f32 v26, v34;
	v54 =	vld [tilespmem:s13+$0x2100];
	[tilespmem:s19+$0x8080] =	vst v30  }
0x213: {  	v48 =	vld [tilespmem:s16+$0x180];
	v25 =	vadd.f32 v25, v34;
	[tilespmem:s31+$0x8000] =	vst v27  }
0x214: {  	v36 =	vadd.f32 v36, v24;
	v56 =	vld [tilespmem:s13+$0x2180];
	[tilespmem:s19+$0x8100] =	vst v26  }
0x215: {  	v53 =	vmul.f32 v49, v33;
	v30 =	vadd.f32 v42, v24;
	v46 =	vmul.f32 v51, v22;
	[tilespmem:s19+$0x8180] =	vst v25;
	v63 =	vld [tilespmem:s25+$0x2100]  }
0x216: {  	v55 =	vadd.f32 v43, v24;
	[tilespmem:s31+$0x8080] =	vst v36;
	v45 =	vld [tilespmem:s5+$0x0]  }
0x217: {  	v50 =	vmul.f32 v47, v31;
	v26 =	vadd.f32 v53, v32;
	v60 =	vadd.f32 v46, v21;
	v46 =	vld [tilespmem:s25+$0x2180];
	[tilespmem:s31+$0x8100] =	vst v30  }
0x218: {  	s30 =	sld [smem:$0x7E3];
	v41 =	vmul.f32 v48, v31;
	s2 =	smov.u32 s26;
	[tilespmem:s31+$0x8180] =	vst v55  }
0x219: {  	v38 =	vadd.f32 v50, v15;
	v57 =	vmul.f32 v44, v7;
	[tilespmem:s0+$0x8000] =	vst v26;
	s0 =	sor.u32 $0x300, s2;
	v50 =	vld [tilespmem:s20+$0x0]  }
0x21a: {  	v41 =	vadd.f32 v41, v15;
	v61 =	vld [tilespmem:s0+$0x0]  }
0x21b: {  	v47 =	vld [tilespmem:s30+$0x0];
	[tilespmem:s16+$0x8100] =	vst v38;
	v26 =	vadd.f32 v57, v5;
	v48 =	vmul.f32 v45, v29  }
0x21c: {  	s26 =	sld [smem:$0x7C8];
	[tilespmem:s16+$0x8180] =	vst v41;
	v25 =	vmul.f32 v52, v20  }
0x21d: {  	v52 =	vld [tilespmem:s7+$0x0];
	v28 =	vmul.f32 v28, v20;
	[tilespmem:s1+$0x8000] =	vst v26;
	s1 =	sld [smem:$0x7CB];
	v40 =	vadd.f32 v48, v34  }
0x21e: {  	v22 =	vmov v33;
	v25 =	vadd.f32 v25, v19;
	[tilespmem:s24+$0x8000] =	vst v60;
	v38 =	vmul.f32 v50, v23  }
0x21f: {  	v21 =	vmov v32;
	v49 =	vld [tilespmem:s26+$0x0];
	v27 =	vadd.f32 v28, v19;
	v32 =	vmul.f32 v61, v22;
	[tilespmem:s5+$0x8000] =	vst v40  }
0x220: {  	v62 =	vmul.f32 v54, v20;
	v38 =	vadd.f32 v38, v24;
	v40 =	vld [tilespmem:s1+$0x0];
	[tilespmem:s13+$0xA000] =	vst v25  }
0x221: {  	[dreg:$0x9] =	wrdreg s28;
	v51 =	vld [tilespmem:s6+$0x0];
	v28 =	vmul.f32 v56, v20;
	v32 =	vadd.f32 v32, v21;
	[tilespmem:s13+$0xA080] =	vst v27  }
0x222: {  	s28 =	smov.u32 s14;
	s14 =	smov.u32 s15;
	[dreg:$0x1d] =	wrdreg s23;
	v44 =	vmul.f32 v58, v18;
	v33 =	vadd.f32 v62, v19;
	v53 =	vld [tilespmem:s11+$0x2000];
	[tilespmem:s20+$0x8000] =	vst v38  }
0x223: {  	s15 =	smov.u32 s6;
	s23 =	sld [smem:$0x7C9];
	v30 =	vmul.f32 v59, v18;
	s6 =	sor.u32 $0x380, s2;
	v37 =	vmul.f32 v63, v18;
	v28 =	vadd.f32 v28, v19;
	[tilespmem:s0+$0x8000] =	vst v32;
	v63 =	vld [tilespmem:s4+$0x0]  }
0x224: {  	v36 =	vadd.f32 v44, v17;
	v57 =	vmul.f32 v52, v31;
	[tilespmem:s13+$0xA100] =	vst v33;
	v55 =	vld [tilespmem:s6+$0x0]  }
0x225: {  	v30 =	vadd.f32 v30, v17;
	v56 =	vld [tilespmem:s11+$0x2080];
	s5 =	sld [smem:$0x7CA];
	[tilespmem:s13+$0xA180] =	vst v28  }
0x226: {  	s24 =	smov.u32 s23;
	s23 =	sld [smem:$0x7CE];
	v58 =	vld [tilespmem:s11+$0x2100];
	v28 =	vadd.f32 v57, v15;
	[tilespmem:s25+$0xA000] =	vst v36;
	v61 =	vmul.f32 v40, v29  }
0x227: {  	s10 =	smov.u32 s7;
	v26 =	vmul.f32 v46, v18;
	v37 =	vadd.f32 v37, v17;
	v60 =	vld [tilespmem:s11+$0x2180];
	[tilespmem:s25+$0xA080] =	vst v30  }
0x228: {  	s7 =	sld [smem:$0x7CF];
	v27 =	vmul.f32 v51, v11;
	v62 =	vld [tilespmem:s5+$0x0];
	[tilespmem:s10+$0x8000] =	vst v28;
	v51 =	vmul.f32 v63, v23;
	v28 =	vadd.f32 v61, v34  }
0x229: {  	v35 =	vmul.f32 v47, v6;
	v44 =	vadd.f32 v26, v17;
	[tilespmem:s25+$0xA100] =	vst v37;
	s10 =	sld [smem:$0x7D0];
	v47 =	vld [tilespmem:s23+$0x0];
	v42 =	vmul.f32 v55, v22  }
0x22a: {  	s13 =	smov.u32 s19;
	s19 =	sld [smem:$0x7CC];
	v45 =	vmul.f32 v56, v7;
	v46 =	vld [tilespmem:s28+$0x0];
	v56 =	vadd.f32 v51, v24;
	[tilespmem:s1+$0x8000] =	vst v28  }
0x22b: {  	v59 =	vmul.f32 v53, v7;
	[tilespmem:s25+$0xA180] =	vst v44;
	v42 =	vadd.f32 v42, v21;
	v48 =	vld [tilespmem:s7+$0x0]  }
0x22c: {  	v54 =	vmul.f32 v49, v13;
	v41 =	vmul.f32 v58, v7;
	v49 =	vld [tilespmem:s10+$0x0];
	[tilespmem:s4+$0x8000] =	vst v56  }
0x22d: {  	v33 =	vadd.f32 v59, v5;
	[tilespmem:s6+$0x8000] =	vst v42;
	v61 =	vld [tilespmem:s19+$0x0]  }
0x22e: {  	v30 =	vmul.f32 v60, v7;
	v41 =	vadd.f32 v41, v5;
	v55 =	vmul.f32 v47, v31;
	v52 =	vld [tilespmem:s8+$0x2000]  }
0x22f: {  	v25 =	vadd.f32 v54, v12;
	[tilespmem:s11+$0xA000] =	vst v33;
	v28 =	vadd.f32 v45, v5;
	v54 =	vld [tilespmem:s8+$0x2080]  }
0x230: {  	[smem:$0x7ED] =	sst s24;
	v53 =	vadd.f32 v30, v5;
	[tilespmem:s11+$0xA100] =	vst v41;
	v30 =	vmul.f32 v46, v3;
	v59 =	vadd.f32 v55, v15;
	v57 =	vld [tilespmem:s8+$0x2100]  }
0x231: {  	s24 =	smov.u32 s7;
	v26 =	vadd.f32 v35, v4;
	s7 =	sld [smem:$0x7D2];
	[tilespmem:s11+$0xA080] =	vst v28;
	v58 =	vld [tilespmem:s8+$0x2180]  }
0x232: {  	s18 =	sadd.s32 $0x4, s18;
	v50 =	vmul.f32 v62, v20;
	v28 =	vadd.f32 v30, v2;
	v33 =	vld [tilespmem:s21+$0x0];
	[tilespmem:s23+$0x8000] =	vst v59;
	v60 =	vmul.f32 v49, v29  }
0x233: {  	p2 =	slt.u32 s18, $0x3C;
	s25 =	smov.u32 s31;
	s31 =	sld [smem:$0x7D1];
	v30 =	vmul.f32 v48, v10;
	v10 =	vmovc v13;
	v13 =	vmovc v20;
	v20 =	vmov v29;
	v29 =	vld [tilespmem:s17+$0x0];
	v40 =	vmul.f32 v52, v22  }
.Ltmp2:
0x234: {  	v32 =	vadd.f32 v50, v19;
	s23 =	smov.u32 s21;
	s21 =	sld [smem:$0x7D4];
	v36 =	vld [tilespmem:s7+$0x0];
	[tilespmem:s11+$0xA180] =	vst v53;
	v35 =	vadd.f32 v60, v34;
	v37 =	vmul.f32 v54, v22;
	(pc) =	sbr.rel @p2 .LBB2_3-.Ltmp2, $4  }
0x235: {  	v30 =	vadd.f32 v30, v8;
	v8 =	vmovc v12;
	v38 =	vmul.f32 v57, v22;
	v40 =	vadd.f32 v40, v21  }
0x236: {  	[dreg:$0x11] =	wrdreg s29;
	v12 =	vmovc v19;
	v19 =	vmov v34;
	v63 =	vmul.f32 v58, v22;
	v34 =	vld [tilespmem:s31+$0x0];
	[tilespmem:s10+$0x8000] =	vst v35;
	v62 =	vadd.f32 v37, v21  }
0x237: {  	s9 =	sadd.s32 $0x40, s9;
	s20 =	sld [smem:$0x7CD];
	v27 =	vadd.f32 v27, v9;
	v38 =	vadd.f32 v38, v21;
	v37 =	vld [tilespmem:s21+$0x0];
	[tilespmem:s8+$0xA000] =	vst v40  }
0x238: {  	s11 =	smov.u32 s16;
	s16 =	sld [smem:$0x7D3];
	s30 =	smov.u32 s21;
	v35 =	vmul.f32 v61, v18;
	v39 =	vadd.f32 v63, v21;
	v40 =	vmul.f32 v29, v23;
	[tilespmem:s8+$0xA080] =	vst v62;
	v29 =	vld [tilespmem:s29+$0x0]  }
0x239: {  	v36 =	vmul.f32 v36, v31  }
0x23a: {  	[tilespmem:s8+$0xA100] =	vst v38;
	v40 =	vadd.f32 v40, v24  }
0x23b: {  	[tilespmem:s8+$0xA180] =	vst v39;
	v36 =	vadd.f32 v36, v15  }
0x23c: {  	[tilespmem:s17+$0x8000] =	vst v40  }
0x23d: {  	v40 =	vld [tilespmem:s12+$0x0];
	[tilespmem:s7+$0x8000] =	vst v36  }
0x23e: {  	v37 =	vmul.f32 v37, v20;
	s1 =	sld [smem:$0x7ED];
	_ =	sdelay $0x1  }
0x23f: {  	v54 =	vadd.f32 v37, v19  }
0x240: {  	s0 =	sor.u32 $0x2200, s2;
	v55 =	vld [tilespmem:s1+$0x0]  }
0x241: {  	v56 =	vld [tilespmem:s0+$0x0];
	[tilespmem:s30+$0x8000] =	vst v54;
	v57 =	vmul.f32 v40, v23  }
0x242: {  	v58 =	vld [tilespmem:s13+$0x2000]  }
0x243: {  	v59 =	vld [tilespmem:s13+$0x2080];
	v38 =	vadd.f32 v57, v24  }
0x244: {  	v41 =	vld [tilespmem:s13+$0x2100]  }
0x245: {  	v60 =	vld [tilespmem:s13+$0x2180];
	[tilespmem:s12+$0x8000] =	vst v38;
	v37 =	vmul.f32 v55, v31  }
0x246: {  	v36 =	vmul.f32 v56, v22;
	v42 =	vld [tilespmem:s25+$0x2000]  }
0x247: {  	v39 =	vmul.f32 v58, v20;
	v43 =	vld [tilespmem:s25+$0x2080];
	v37 =	vadd.f32 v37, v15  }
0x248: {  	v36 =	vadd.f32 v36, v21;
	v40 =	vmul.f32 v59, v20;
	v44 =	vld [tilespmem:s25+$0x2100]  }
0x249: {  	v62 =	vmul.f32 v41, v20;
	v63 =	vld [tilespmem:s25+$0x2180];
	v61 =	vadd.f32 v39, v19;
	[tilespmem:s1+$0x8000] =	vst v37  }
0x24a: {  	[tilespmem:s0+$0x8000] =	vst v36;
	v38 =	vmul.f32 v60, v20;
	v47 =	vadd.f32 v40, v19;
	v48 =	vld [tilespmem:s11+$0x2000]  }
0x24b: {  	v39 =	vadd.f32 v62, v19;
	[tilespmem:s13+$0xA000] =	vst v61;
	v49 =	vld [tilespmem:s11+$0x2080];
	v42 =	vmul.f32 v42, v23  }
0x24c: {  	v38 =	vadd.f32 v38, v19;
	[tilespmem:s13+$0xA080] =	vst v47;
	v43 =	vmul.f32 v43, v23  }
0x24d: {  	[tilespmem:s13+$0xA100] =	vst v39;
	v44 =	vmul.f32 v44, v23;
	v42 =	vadd.f32 v42, v24  }
0x24e: {  	[tilespmem:s13+$0xA180] =	vst v38;
	v50 =	vld [tilespmem:s11+$0x2100];
	v41 =	vmul.f32 v63, v23;
	v52 =	vadd.f32 v43, v24  }
0x24f: {  	v51 =	vld [tilespmem:s11+$0x2180];
	v53 =	vadd.f32 v44, v24;
	[tilespmem:s25+$0xA000] =	vst v42;
	v40 =	vmul.f32 v48, v31  }
0x250: {  	s21 =	sor.u32 $0x2280, s2;
	v41 =	vadd.f32 v41, v24;
	[tilespmem:s25+$0xA080] =	vst v52;
	v37 =	vmul.f32 v49, v31  }
0x251: {  	v54 =	vld [tilespmem:s21+$0x0];
	[tilespmem:s25+$0xA100] =	vst v53;
	v40 =	vadd.f32 v40, v15  }
0x252: {  	[tilespmem:s25+$0xA180] =	vst v41;
	v37 =	vadd.f32 v37, v15  }
0x253: {  	v36 =	vmul.f32 v50, v31;
	[tilespmem:s11+$0xA000] =	vst v40  }
0x254: {  	v39 =	vmul.f32 v51, v31;
	[tilespmem:s11+$0xA080] =	vst v37  }
0x255: {  	v36 =	vadd.f32 v36, v15;
	s6 =	sld [smem:$0x7F5]  }
0x256: {  	v56 =	vmul.f32 v54, v22;
	v55 =	vld [tilespmem:s16+$0x0];
	v39 =	vadd.f32 v39, v15  }
0x257: {  	[tilespmem:s11+$0xA100] =	vst v36  }
0x258: {  	v34 =	vmul.f32 v34, v7;
	v58 =	vadd.f32 v56, v21;
	[tilespmem:s11+$0xA180] =	vst v39;
	v57 =	vld [tilespmem:s6+$0x0]  }
0x259: {  	v60 =	vadd.f32 v35, v17;
	s4 =	sld [smem:$0x7EF];
	[tilespmem:s5+$0x8000] =	vst v32  }
0x25a: {  	v34 =	vadd.f32 v34, v5;
	[tilespmem:s21+$0x8000] =	vst v58  }
0x25b: {  	v62 =	vmul.f32 v55, v20;
	s5 =	sld [smem:$0x7EC];
	[tilespmem:s19+$0x8000] =	vst v60  }
0x25c: {  	[tilespmem:s31+$0x8000] =	vst v34;
	v59 =	vld [tilespmem:s4+$0x0]  }
0x25d: {  	v36 =	vadd.f32 v62, v19;
	s1 =	sld [smem:$0x7E3];
	v38 =	vmul.f32 v57, v23;
	_ =	sdelay $0x1  }
0x25e: {  	s3 =	rddreg [dreg:$0x1f];
	[tilespmem:s16+$0x8000] =	vst v36;
	v41 =	vadd.f32 v38, v24  }
0x25f: {  	s25 =	sor.u32 $0x2300, s2;
	v61 =	vld [tilespmem:s5+$0x0];
	[tilespmem:s1+$0x8000] =	vst v26  }
0x260: {  	v63 =	vld [tilespmem:s25+$0x0];
	v37 =	vmul.f32 v59, v31;
	[tilespmem:s6+$0x8000] =	vst v41  }
0x261: {  	v40 =	vld [tilespmem:s3+$0x0];
	s6 =	sld [smem:$0x7F2];
	[tilespmem:s26+$0x8000] =	vst v25  }
0x262: {  	v44 =	vadd.f32 v37, v15;
	s8 =	sld [smem:$0x7F6];
	_ =	sdelay $0x1  }
0x263: {  	v42 =	vmul.f32 v61, v13;
	[tilespmem:s4+$0x8000] =	vst v44;
	v43 =	vld [tilespmem:s6+$0x0]  }
0x264: {  	v45 =	vmul.f32 v63, v22;
	s4 =	rddreg [dreg:$0x16];
	v46 =	vld [tilespmem:s8+$0x0]  }
0x265: {  	v34 =	vmul.f32 v40, v18;
	v26 =	vadd.f32 v42, v12;
	[tilespmem:s15+$0x8000] =	vst v27;
	v47 =	vld [tilespmem:s4+$0x0]  }
0x266: {  	v25 =	vadd.f32 v45, v21;
	s10 =	sld [smem:$0x7F0]  }
0x267: {  	v49 =	vadd.f32 v34, v17;
	[tilespmem:s5+$0x8000] =	vst v26  }
0x268: {  	[tilespmem:s25+$0x8000] =	vst v25;
	v50 =	vmul.f32 v43, v20  }
0x269: {  	[tilespmem:s3+$0x8000] =	vst v49;
	v48 =	vld [tilespmem:s10+$0x0];
	v32 =	vmul.f32 v46, v23  }
0x26a: {  	[tilespmem:s28+$0x8000] =	vst v28;
	v53 =	vmul.f32 v47, v7;
	v25 =	vadd.f32 v50, v19  }
0x26b: {  	s26 =	sor.u32 $0x2380, s2;
	s3 =	rddreg [dreg:$0x15];
	[tilespmem:s24+$0x8000] =	vst v30;
	v32 =	vadd.f32 v32, v24  }
0x26c: {  	v51 =	vld [tilespmem:s26+$0x0];
	s5 =	rddreg [dreg:$0x18];
	v55 =	vadd.f32 v53, v5;
	[tilespmem:s6+$0x8000] =	vst v25  }
0x26d: {  	v52 =	vld [tilespmem:s3+$0x0];
	s6 =	rddreg [dreg:$0x1b];
	[tilespmem:s8+$0x8000] =	vst v32  }
0x26e: {  	v27 =	vmul.f32 v48, v31;
	s9 =	sld [smem:$0x7F3];
	[tilespmem:s4+$0x8000] =	vst v55  }
0x26f: {  	v16 =	vmul.f32 v33, v16;
	v54 =	vld [tilespmem:s5+$0x0];
	s8 =	sld [smem:$0x7F7]  }
0x270: {  	v27 =	vadd.f32 v27, v15;
	v56 =	vld [tilespmem:s6+$0x0]  }
0x271: {  	v14 =	vadd.f32 v16, v14;
	v58 =	vmul.f32 v51, v22;
	v57 =	vld [tilespmem:s9+$0x0]  }
0x272: {  	v60 =	vmul.f32 v52, v13;
	[tilespmem:s10+$0x8000] =	vst v27;
	v59 =	vld [tilespmem:s8+$0x0]  }
0x273: {  	v1 =	vmul.f32 v29, v1;
	v61 =	vadd.f32 v58, v21;
	s4 =	sld [smem:$0x7EB];
	[tilespmem:s23+$0x8000] =	vst v14  }
0x274: {  	v62 =	vmul.f32 v54, v18;
	v30 =	vadd.f32 v60, v12;
	s7 =	sld [smem:$0x7F1]  }
0x275: {  	v0 =	vadd.f32 v1, v0;
	s28 =	rddreg [dreg:$0x11];
	[tilespmem:s26+$0x8000] =	vst v61;
	v33 =	vmul.f32 v56, v6  }
0x276: {  	v34 =	vadd.f32 v62, v17;
	[tilespmem:s3+$0x8000] =	vst v30;
	v25 =	vld [tilespmem:s4+$0x0];
	v36 =	vmul.f32 v57, v20  }
0x277: {  	[tilespmem:s28+$0x8000] =	vst v0;
	v63 =	vld [tilespmem:s7+$0x0];
	v37 =	vadd.f32 v33, v4;
	v22 =	vmul.f32 v59, v23  }
0x278: {  	v32 =	vld [tilespmem:s20+$0x0];
	s0 =	rddreg [dreg:$0x9];
	[tilespmem:s5+$0x8000] =	vst v34;
	v39 =	vadd.f32 v36, v19  }
0x279: {  	v35 =	vld [tilespmem:s22+$0x0];
	s3 =	rddreg [dreg:$0x1a];
	[tilespmem:s6+$0x8000] =	vst v37;
	v41 =	vadd.f32 v22, v24  }
0x27a: {  	v38 =	vld [tilespmem:s0+$0x0];
	s1 =	rddreg [dreg:$0x1d];
	[tilespmem:s9+$0x8000] =	vst v39  }
0x27b: {  	v40 =	vld [tilespmem:s3+$0x0];
	v25 =	vmul.f32 v25, v7;
	s2 =	rddreg [dreg:$0xe];
	[tilespmem:s8+$0x8000] =	vst v41  }
0x27c: {  	v42 =	vld [tilespmem:s1+$0x0];
	v21 =	vmul.f32 v63, v31;
	s5 =	sld [smem:$0x7F4]  }
0x27d: {  	v1 =	vmul.f32 v32, v10;
	v43 =	vadd.f32 v25, v5;
	v44 =	vld [tilespmem:s2+$0x0]  }
0x27e: {  	v45 =	vmul.f32 v35, v11;
	v47 =	vadd.f32 v21, v15;
	v48 =	vld [tilespmem:s14+$0x0]  }
0x27f: {  	v1 =	vadd.f32 v1, v8;
	v3 =	vmul.f32 v38, v3;
	[tilespmem:s4+$0x8000] =	vst v43;
	v46 =	vld [tilespmem:s5+$0x0]  }
0x280: {  	v0 =	vadd.f32 v45, v9;
	v49 =	vmul.f32 v40, v13;
	[tilespmem:s7+$0x8000] =	vst v47  }
0x281: {  	v50 =	vadd.f32 v3, v2;
	s4 =	rddreg [dreg:$0x12];
	[tilespmem:s20+$0x8000] =	vst v1;
	v51 =	vmul.f32 v42, v18  }
0x282: {  	v53 =	vadd.f32 v49, v12;
	v10 =	vld [tilespmem:s4+$0x0];
	s12 =	sld [smem:$0x7EE];
	[tilespmem:s22+$0x8000] =	vst v0;
	v54 =	vmul.f32 v44, v6  }
0x283: {  	[tilespmem:s0+$0x8000] =	vst v50;
	v55 =	vadd.f32 v51, v17;
	v58 =	vmul.f32 v48, v23  }
0x284: {  	[tilespmem:s3+$0x8000] =	vst v53;
	v57 =	vadd.f32 v54, v4;
	v56 =	vmul.f32 v46, v20  }
0x285: {  	[tilespmem:s1+$0x8000] =	vst v55;
	v61 =	vadd.f32 v58, v24  }
0x286: {  	v52 =	vld [tilespmem:s12+$0x0];
	[tilespmem:s2+$0x8000] =	vst v57;
	v59 =	vadd.f32 v56, v19  }
0x287: {  	v60 =	vmul.f32 v10, v7;
	[tilespmem:s14+$0x8000] =	vst v61  }
0x288: {  	[tilespmem:s5+$0x8000] =	vst v59  }
0x289: {  	v62 =	vadd.f32 v60, v5;
	s3 =	sld [smem:$0x7D5];
	_ =	sdelay $0x1  }
0x28a: {  	v3 =	vmul.f32 v52, v31;
	[tilespmem:s4+$0x8000] =	vst v62  }
0x28b: {  	s1 =	sld [smem:$0x7F9];
	p1 =	sne.s32 s3, $0xF  }
.Ltmp3:
0x28c: {  	v63 =	vadd.f32 v3, v15;
	(pc) =	sbr.rel @p1 .LBB2_6-.Ltmp3, $4  }
0x28d: {  	s29 =	sshll.u32 s3, $0xC  }
0x28e: {  	s30 =	rddreg [dreg:$0x3];
	s31 =	simm.s32 $0x8000;
	[tilespmem:s12+$0x8000] =	vst v63;
	s4 =	sor.u32 s1, s29  }
0x28f: {  	s1 =	simm.s32 $0x0;
	s0 =	sadd.s32 s30, s4;
	[smem:$0x7C5] =	sst s4  }
0x290: {  	[hbm4b:s0+s1] =	stream.linear.scatter [tilespmem:s31], [sflag:$0x3], $0x4000, $0x38;
	[tilespmem:$0x10800] =	vst v63  }
.Ltmp4:
0x291: {  	(pc) =	sbr.rel .LBB2_7-.Ltmp4, $4  }
0x292: {  	s0 =	simm.s32 $0x2  }
0x293: {  	_ =	swait.ge [sflag:s0], $0x4000  }
0x294: {  	[sflag:s0] =	ssyncset.done $0x0  }
0x295: {  	[sflag:s0] =	ssyncadd.s32 $0xFFFFC000  }
.LBB2_6:
0x296: {  	s0 =	sld [smem:$0x7FC];
	_ =	sdelay $0x2  }
.Ltmp5:
0x297: {  	s31 =	simm.s32 $0x2;
	s0 =	sadd.s32 s4, s0;
	(pc) =	sbr.rel @p0 .LBB2_8-.Ltmp5, $4  }
0x298: {  	[tilespmem:s1], [sflag:$0x1] =	stream.linear.gather [hbm4b:s0+s1], $0x4000, $0x38;
	[tilespmem:$0x10800] =	vst v63  }
0x299: {  	_ =	swait.ge [sflag:s31], $0x4000  }
0x29a: {  	[sflag:s31] =	ssyncset.done $0x0  }
0x29b: {  	[sflag:s31] =	ssyncadd.s32 $0xFFFFC000  }
.LBB2_7:
0x29c: {  	s0 =	simm.s32 $0x4  }
0x29d: {  	_ =	swait.ge [sflag:s0], $0x4000  }
0x29e: {  	[sflag:s0] =	ssyncset.done $0x0  }
0x29f: {  	[sflag:s0] =	ssyncadd.s32 $0xFFFFC000  }
.LBB2_8:
0x2a0: {  	s18 =	simm.s32 $0x0  }
0x2a1: {  	s0 =	sand.u32 $0x40, s18  }
0x2a2: {  	s3 =	sand.u32 $0x380, s18;
	s2 =	sor.u32 $0x30, s0  }
0x2a3: {  	s4 =	sor.u32 s3, s2  }
0x2a4: {  	s6 =	sand.u32 $0x1C00, s18;
	v31 =	vld [tilespmem:s4+$0x10000]  }
0x2a5: {  	s2 =	sor.u32 s6, s2;
	v32 =	vld [tilespmem:s4+$0x10400]  }
0x2a6: {  	v0 =	vld [tilespmem:s2+$0x4000]  }
0x2a7: {  	v1 =	vld [tilespmem:s2+$0x4080]  }
0x2a8: {  	v2 =	vld [tilespmem:s2+$0x4100]  }
0x2a9: {  	v3 =	vld [tilespmem:s2+$0x4180];
	_ =	sdelay $0x1  }
0x2aa: {  	v0 =	vmul.f32 v0, v32  }
0x2ab: {  	v1 =	vmul.f32 v1, v32  }
0x2ac: {  	p0 =	por $0x0, $0x0;
	s4 =	simm.s32 $0x1;
	v2 =	vmul.f32 v2, v32;
	v0 =	vadd.f32 v0, v31  }
0x2ad: {  	s4 =	simm.s32 @!p0 $0x0;
	v3 =	vmul.f32 v3, v32;
	v1 =	vadd.f32 v1, v31  }
0x2ae: {  	s4 =	sshll.u32 s4, $0x6;
	[tilespmem:s2+$0xC000] =	vst v0;
	v0 =	vadd.f32 v2, v31  }
0x2af: {  	s8 =	sor.u32 $0x10, s0;
	s29 =	sadd.s32 $0x0, s4;
	[tilespmem:s2+$0xC080] =	vst v1;
	v1 =	vadd.f32 v3, v31  }
0x2b0: {  	s9 =	sor.u32 s3, s8;
	s15 =	sadd.s32 $0x30, s29;
	[tilespmem:s2+$0xC100] =	vst v0  }
0x2b1: {  	s1 =	sor.u32 $0x20, s0;
	v25 =	vld [tilespmem:s9+$0x10400];
	s7 =	sor.u32 $0x200, s15;
	[tilespmem:s2+$0xC180] =	vst v1  }
0x2b2: {  	s3 =	sor.u32 s3, s1;
	v2 =	vld [tilespmem:s7+$0x4000]  }
0x2b3: {  	v27 =	vld [tilespmem:s3+$0x10400]  }
0x2b4: {  	s12 =	sor.u32 s6, s1;
	v26 =	vld [tilespmem:s9+$0x10000]  }
0x2b5: {  	v7 =	vld [tilespmem:s12+$0x4000]  }
0x2b6: {  	v8 =	vld [tilespmem:s12+$0x4080]  }
0x2b7: {  	v9 =	vld [tilespmem:s12+$0x4100];
	s4 =	sor.u32 s6, s8;
	v2 =	vmul.f32 v2, v32  }
0x2b8: {  	v4 =	vld [tilespmem:s4+$0x4080]  }
0x2b9: {  	v3 =	vld [tilespmem:s4+$0x4000];
	v2 =	vadd.f32 v2, v31  }
0x2ba: {  	v5 =	vld [tilespmem:s4+$0x4100]  }
0x2bb: {  	v6 =	vld [tilespmem:s4+$0x4180];
	s5 =	sor.u32 $0x280, s15;
	[tilespmem:s7+$0xC000] =	vst v2  }
0x2bc: {  	v2 =	vld [tilespmem:s5+$0x4000]  }
0x2bd: {  	v28 =	vld [tilespmem:s3+$0x10000];
	v4 =	vmul.f32 v4, v25  }
0x2be: {  	s25 =	simm.s32 $0x10000;
	v10 =	vld [tilespmem:s12+$0x4180];
	v3 =	vmul.f32 v3, v25  }
0x2bf: {  	s26 =	simm.s32 $0x10400;
	v5 =	vmul.f32 v5, v25;
	v0 =	vld [tilespmem:s25+$0x0];
	v4 =	vadd.f32 v4, v26  }
0x2c0: {  	v6 =	vmul.f32 v6, v25;
	v1 =	vld [tilespmem:s26+$0x0];
	v3 =	vadd.f32 v3, v26;
	s7 =	sor.u32 s0, s6  }
0x2c1: {  	v5 =	vadd.f32 v5, v26;
	[tilespmem:s4+$0xC080] =	vst v4;
	v11 =	vld [tilespmem:s7+$0x4000];
	v2 =	vmul.f32 v2, v32  }
0x2c2: {  	v9 =	vmul.f32 v9, v27;
	v6 =	vadd.f32 v6, v26;
	[tilespmem:s4+$0xC000] =	vst v3;
	v3 =	vmul.f32 v7, v27;
	v7 =	vld [tilespmem:s7+$0x4080]  }
0x2c3: {  	s26 =	sadd.s32 $0x10, s29;
	v4 =	vmul.f32 v8, v27;
	[tilespmem:s4+$0xC100] =	vst v5;
	v8 =	vld [tilespmem:s7+$0x4100];
	v2 =	vadd.f32 v2, v31  }
0x2c4: {  	v9 =	vadd.f32 v9, v28;
	[tilespmem:s4+$0xC180] =	vst v6;
	s6 =	sor.u32 $0x200, s26;
	v5 =	vld [tilespmem:s7+$0x4180]  }
0x2c5: {  	s8 =	sor.u32 $0x300, s15;
	v6 =	vmul.f32 v10, v27;
	v3 =	vadd.f32 v3, v28;
	v10 =	vld [tilespmem:s6+$0x4000];
	[tilespmem:s5+$0xC000] =	vst v2  }
0x2c6: {  	[tilespmem:s12+$0xC100] =	vst v9;
	v4 =	vadd.f32 v4, v28;
	v2 =	vmul.f32 v11, v1;
	v11 =	vld [tilespmem:s8+$0x4000]  }
0x2c7: {  	v6 =	vadd.f32 v6, v28;
	[tilespmem:s12+$0xC000] =	vst v3;
	v3 =	vmul.f32 v7, v1  }
0x2c8: {  	[tilespmem:s12+$0xC080] =	vst v4;
	v4 =	vmul.f32 v8, v1;
	v2 =	vadd.f32 v2, v0  }
0x2c9: {  	s30 =	sadd.s32 $0x20, s29;
	[tilespmem:s12+$0xC180] =	vst v6;
	v5 =	vmul.f32 v5, v1;
	v3 =	vadd.f32 v3, v0  }
0x2ca: {  	s9 =	sor.u32 $0x200, s30;
	[tilespmem:s7+$0xC000] =	vst v2;
	v2 =	vadd.f32 v4, v0;
	v4 =	vmul.f32 v10, v25  }
0x2cb: {  	v6 =	vld [tilespmem:s9+$0x4000];
	[tilespmem:s7+$0xC080] =	vst v3;
	v3 =	vadd.f32 v5, v0;
	v5 =	vmul.f32 v11, v32  }
0x2cc: {  	[tilespmem:s7+$0xC100] =	vst v2;
	v2 =	vadd.f32 v4, v26  }
0x2cd: {  	s10 =	sor.u32 $0x200, s29;
	[tilespmem:s7+$0xC180] =	vst v3;
	v3 =	vadd.f32 v5, v31  }
0x2ce: {  	s11 =	sor.u32 $0x280, s26;
	v4 =	vld [tilespmem:s10+$0x4000];
	[tilespmem:s6+$0xC000] =	vst v2  }
0x2cf: {  	s13 =	sor.u32 $0x380, s15;
	v2 =	vld [tilespmem:s11+$0x4000];
	[tilespmem:s8+$0xC000] =	vst v3  }
0x2d0: {  	v3 =	vmul.f32 v6, v27;
	v5 =	vld [tilespmem:s13+$0x4000];
	_ =	sdelay $0x1  }
0x2d1: {  	v3 =	vadd.f32 v3, v28  }
0x2d2: {  	v4 =	vmul.f32 v4, v1  }
0x2d3: {  	s14 =	sor.u32 $0x280, s30;
	[tilespmem:s9+$0xC000] =	vst v3;
	v2 =	vmul.f32 v2, v25  }
0x2d4: {  	v4 =	vadd.f32 v4, v0;
	v3 =	vld [tilespmem:s14+$0x4000];
	v5 =	vmul.f32 v5, v32  }
0x2d5: {  	v2 =	vadd.f32 v2, v26  }
0x2d6: {  	s16 =	sor.u32 $0x280, s29;
	[tilespmem:s10+$0xC000] =	vst v4;
	v4 =	vadd.f32 v5, v31  }
0x2d7: {  	s17 =	sor.u32 $0x300, s26;
	v5 =	vld [tilespmem:s16+$0x4000];
	[tilespmem:s11+$0xC000] =	vst v2  }
0x2d8: {  	v2 =	vld [tilespmem:s17+$0x4000];
	[tilespmem:s13+$0xC000] =	vst v4  }
0x2d9: {  	v3 =	vmul.f32 v3, v27;
	v4 =	vld [tilespmem:s2+$0x6000]  }
0x2da: {  	v6 =	vld [tilespmem:s2+$0x6080]  }
0x2db: {  	v7 =	vld [tilespmem:s2+$0x6100];
	v3 =	vadd.f32 v3, v28  }
0x2dc: {  	v8 =	vld [tilespmem:s2+$0x6180];
	v5 =	vmul.f32 v5, v1  }
0x2dd: {  	s11 =	sor.u32 $0x300, s30;
	[tilespmem:s14+$0xC000] =	vst v3;
	v2 =	vmul.f32 v2, v25  }
0x2de: {  	v3 =	vld [tilespmem:s11+$0x4000];
	v5 =	vadd.f32 v5, v0;
	v4 =	vmul.f32 v4, v32  }
0x2df: {  	v2 =	vadd.f32 v2, v26;
	v6 =	vmul.f32 v6, v32  }
0x2e0: {  	s21 =	simm.s32 $0x40;
	[tilespmem:s16+$0xC000] =	vst v5;
	v5 =	vmul.f32 v7, v32;
	v4 =	vadd.f32 v4, v31  }
0x2e1: {  	[tilespmem:s17+$0xC000] =	vst v2;
	v2 =	vadd.f32 v6, v31;
	v6 =	vmul.f32 v8, v32;
	s17 =	sand.u32 $0x40, s21  }
0x2e2: {  	s22 =	sand.u32 $0x380, s21;
	s14 =	sor.u32 $0x300, s29;
	s23 =	sor.u32 $0x30, s17;
	[tilespmem:s2+$0xE000] =	vst v4;
	v4 =	vadd.f32 v5, v31  }
0x2e3: {  	s25 =	simm.s32 $0x200;
	v23 =	vld [tilespmem:s14+$0x4000];
	v3 =	vmul.f32 v3, v27;
	[tilespmem:s2+$0xE080] =	vst v2;
	v5 =	vadd.f32 v6, v31;
	s24 =	sor.u32 s22, s23  }
0x2e4: {  	s28 =	sand.u32 $0x1C00, s25;
	v35 =	vld [tilespmem:s24+$0x10000];
	[tilespmem:s2+$0xE100] =	vst v4  }
0x2e5: {  	v36 =	vld [tilespmem:s24+$0x10400];
	v4 =	vadd.f32 v3, v28;
	[tilespmem:s2+$0xE180] =	vst v5;
	s2 =	sor.u32 s28, s23  }
0x2e6: {  	v5 =	vld [tilespmem:s2+$0x4080]  }
0x2e7: {  	[tilespmem:s11+$0xC000] =	vst v4;
	v4 =	vld [tilespmem:s2+$0x4000]  }
0x2e8: {  	v7 =	vld [tilespmem:s2+$0x4180]  }
0x2e9: {  	s5 =	simm.s32 $0x80;
	s10 =	sor.u32 $0x380, s26;
	v6 =	vld [tilespmem:s2+$0x4100]  }
0x2ea: {  	s19 =	simm.s32 $0x10040;
	s16 =	sand.u32 $0x40, s5;
	v24 =	vld [tilespmem:s10+$0x4000]  }
0x2eb: {  	s20 =	simm.s32 $0x10440;
	s21 =	sand.u32 $0x380, s5;
	s25 =	sor.u32 $0x30, s16;
	v2 =	vld [tilespmem:s19+$0x0];
	v5 =	vmul.f32 v5, v36  }
0x2ec: {  	s24 =	sor.u32 s21, s25;
	v3 =	vld [tilespmem:s20+$0x0];
	v4 =	vmul.f32 v4, v36  }
0x2ed: {  	p0 =	por !p0, !p0;
	s6 =	simm.s32 $0x1;
	v37 =	vld [tilespmem:s24+$0x10000];
	v7 =	vmul.f32 v7, v36;
	v5 =	vadd.f32 v5, v35  }
0x2ee: {  	s6 =	simm.s32 @!p0 $0x0;
	s9 =	sor.u32 $0x2200, s15;
	s23 =	sor.u32 $0x20, s17;
	v38 =	vld [tilespmem:s24+$0x10400];
	v6 =	vmul.f32 v6, v36;
	v4 =	vadd.f32 v4, v35  }
0x2ef: {  	s6 =	sshll.u32 s6, $0x6;
	v12 =	vld [tilespmem:s9+$0x4000];
	s3 =	sor.u32 s22, s23;
	[tilespmem:s2+$0xC080] =	vst v5;
	v5 =	vadd.f32 v7, v35  }
0x2f0: {  	s31 =	sadd.s32 $0x200, s6;
	v16 =	vld [tilespmem:s3+$0x10400];
	[tilespmem:s2+$0xC000] =	vst v4;
	v4 =	vadd.f32 v6, v35  }
0x2f1: {  	s19 =	sadd.s32 $0x30, s31;
	s20 =	sor.u32 $0x380, s30;
	v14 =	vld [tilespmem:s3+$0x10000];
	[tilespmem:s2+$0xC180] =	vst v5  }
0x2f2: {  	s13 =	sor.u32 $0x200, s19;
	s11 =	sor.u32 $0x10, s17;
	v39 =	vld [tilespmem:s20+$0x4000];
	[tilespmem:s2+$0xC100] =	vst v4  }
0x2f3: {  	s1 =	sor.u32 s22, s11;
	v5 =	vld [tilespmem:s13+$0x4000]  }
0x2f4: {  	s22 =	sor.u32 $0x10, s16;
	v30 =	vld [tilespmem:s1+$0x10400]  }
0x2f5: {  	v29 =	vld [tilespmem:s1+$0x10000];
	s0 =	sor.u32 s21, s22  }
0x2f6: {  	v10 =	vld [tilespmem:s0+$0x10400]  }
0x2f7: {  	s8 =	simm.s32 $0x10480;
	v8 =	vld [tilespmem:s0+$0x10000]  }
0x2f8: {  	s6 =	simm.s32 $0x10080;
	v6 =	vld [tilespmem:s8+$0x0];
	s8 =	sor.u32 $0x20, s16;
	v5 =	vmul.f32 v5, v36  }
0x2f9: {  	v4 =	vld [tilespmem:s6+$0x0];
	s6 =	sor.u32 s21, s8  }
0x2fa: {  	s3 =	simm.s32 $0xC0;
	v11 =	vld [tilespmem:s6+$0x10400];
	v5 =	vadd.f32 v5, v35  }
0x2fb: {  	s5 =	sand.u32 $0x40, s3;
	s1 =	simm.s32 $0x100C0;
	v9 =	vld [tilespmem:s6+$0x10000]  }
0x2fc: {  	s24 =	sor.u32 $0x280, s19;
	s21 =	sor.u32 $0x30, s5;
	[tilespmem:s13+$0xC000] =	vst v5;
	v5 =	vld [tilespmem:s1+$0x0]  }
0x2fd: {  	s0 =	sand.u32 $0x380, s3;
	s6 =	simm.s32 $0x104C0;
	v13 =	vld [tilespmem:s24+$0x4000];
	[smem:$0x7A2] =	sst s21  }
0x2fe: {  	v12 =	vmul.f32 v12, v32;
	s1 =	sor.u32 $0x10, s5;
	s21 =	sor.u32 s0, s21;
	v7 =	vld [tilespmem:s6+$0x0]  }
0x2ff: {  	v33 =	vld [tilespmem:s21+$0x10000];
	[smem:$0x7A4] =	sst s1  }
0x300: {  	v12 =	vadd.f32 v12, v31;
	[smem:$0x7A3] =	sst s5  }
0x301: {  	s3 =	sor.u32 s0, s1;
	v34 =	vld [tilespmem:s21+$0x10400]  }
0x302: {  	s1 =	sor.u32 $0x2280, s15;
	[tilespmem:s9+$0xC000] =	vst v12;
	v12 =	vld [tilespmem:s3+$0x10000]  }
0x303: {  	s21 =	sor.u32 s28, s11;
	v17 =	vld [tilespmem:s1+$0x4000];
	v15 =	vmul.f32 v13, v36  }
0x304: {  	v19 =	vld [tilespmem:s21+$0x4000]  }
0x305: {  	v20 =	vld [tilespmem:s21+$0x4080];
	v15 =	vadd.f32 v15, v35  }
0x306: {  	v40 =	vld [tilespmem:s21+$0x4100]  }
0x307: {  	s5 =	sor.u32 $0x20, s5;
	v13 =	vld [tilespmem:s3+$0x10400];
	s3 =	sor.u32 $0x300, s19;
	[tilespmem:s24+$0xC000] =	vst v15  }
0x308: {  	s6 =	simm.s32 $0x100;
	v15 =	vld [tilespmem:s3+$0x4000];
	[smem:$0x7A5] =	sst s5  }
0x309: {  	s0 =	sor.u32 s0, s5;
	s13 =	sand.u32 $0x40, s6;
	v41 =	vld [tilespmem:s21+$0x4180]  }
0x30a: {  	s11 =	sor.u32 $0x30, s13;
	v21 =	vmul.f32 v17, v32;
	s24 =	sand.u32 $0x380, s6;
	v18 =	vld [tilespmem:s0+$0x10400]  }
0x30b: {  	s6 =	sor.u32 s24, s11;
	v17 =	vld [tilespmem:s0+$0x10000];
	[smem:$0x7A6] =	sst s11  }
0x30c: {  	s9 =	simm.s32 $0x10100;
	v42 =	vadd.f32 v21, v31;
	v21 =	vld [tilespmem:s6+$0x10000]  }
0x30d: {  	v22 =	vmul.f32 v15, v36;
	v15 =	vld [tilespmem:s9+$0x0];
	s9 =	sor.u32 $0x10, s13;
	[smem:$0x7AE] =	sst s13  }
0x30e: {  	v19 =	vmul.f32 v19, v30;
	v20 =	vmul.f32 v20, v30;
	[smem:$0x7AD] =	sst s9  }
0x30f: {  	s11 =	sor.u32 s24, s9;
	v43 =	vadd.f32 v22, v35;
	v22 =	vld [tilespmem:s6+$0x10400]  }
0x310: {  	v57 =	vadd.f32 v19, v29;
	v58 =	vadd.f32 v20, v29;
	v20 =	vld [tilespmem:s11+$0x10400]  }
0x311: {  	s23 =	sor.u32 s28, s23;
	v40 =	vmul.f32 v40, v30;
	[tilespmem:s1+$0xC000] =	vst v42;
	v19 =	vld [tilespmem:s11+$0x10000]  }
0x312: {  	v23 =	vmul.f32 v23, v1;
	s17 =	sor.u32 s17, s28;
	[tilespmem:s21+$0xC000] =	vst v57;
	v59 =	vld [tilespmem:s23+$0x4000]  }
0x313: {  	v24 =	vmul.f32 v24, v25;
	v40 =	vadd.f32 v40, v29;
	[tilespmem:s21+$0xC080] =	vst v58;
	v44 =	vld [tilespmem:s17+$0x4000]  }
0x314: {  	v23 =	vadd.f32 v23, v0;
	v41 =	vmul.f32 v41, v30;
	v45 =	vld [tilespmem:s17+$0x4080];
	[tilespmem:s3+$0xC000] =	vst v43;
	s3 =	sor.u32 $0x380, s19  }
0x315: {  	v24 =	vadd.f32 v24, v26;
	[tilespmem:s21+$0xC100] =	vst v40;
	v61 =	vld [tilespmem:s3+$0x4000]  }
0x316: {  	v39 =	vmul.f32 v39, v27;
	[tilespmem:s14+$0xC000] =	vst v23;
	v62 =	vld [tilespmem:s23+$0x4100];
	v41 =	vadd.f32 v41, v29  }
0x317: {  	s1 =	sor.u32 $0x2300, s15;
	s6 =	sadd.s32 $0x10, s31;
	[tilespmem:s10+$0xC000] =	vst v24;
	v24 =	vld [tilespmem:s23+$0x4180]  }
0x318: {  	v23 =	vadd.f32 v39, v28;
	v60 =	vld [tilespmem:s1+$0x4000];
	s11 =	sor.u32 $0x200, s6;
	[tilespmem:s21+$0xC180] =	vst v41;
	v44 =	vmul.f32 v44, v3  }
0x319: {  	s9 =	sor.u32 s18, s18;
	v41 =	vld [tilespmem:s11+$0x4000];
	v45 =	vmul.f32 v45, v3  }
0x31a: {  	v46 =	vld [tilespmem:s23+$0x4080];
	s10 =	simm.s32 $0x400;
	[tilespmem:s20+$0xC000] =	vst v23;
	[smem:$0x7B4] =	sst s9;
	v49 =	vadd.f32 v44, v2;
	v40 =	vmul.f32 v61, v36  }
0x31b: {  	s5 =	sand.u32 $0x1C00, s10;
	v23 =	vld [tilespmem:s17+$0x4100];
	v39 =	vmul.f32 v62, v16;
	v45 =	vadd.f32 v45, v2  }
0x31c: {  	s0 =	sor.u32 s5, s25;
	v63 =	vld [tilespmem:s17+$0x4180];
	v24 =	vmul.f32 v24, v16;
	[tilespmem:s17+$0xC000] =	vst v49;
	v40 =	vadd.f32 v40, v35  }
0x31d: {  	s20 =	sor.u32 $0x380, s9;
	v55 =	vld [tilespmem:s0+$0x4000];
	v43 =	vmul.f32 v60, v32;
	v39 =	vadd.f32 v39, v14;
	[tilespmem:s17+$0xC080] =	vst v45  }
0x31e: {  	v44 =	vld [tilespmem:s20+$0x4000];
	v24 =	vadd.f32 v24, v14;
	v41 =	vmul.f32 v41, v30;
	[tilespmem:s3+$0xC000] =	vst v40  }
0x31f: {  	v48 =	vmul.f32 v59, v16;
	v43 =	vadd.f32 v43, v31;
	[tilespmem:s23+$0xC100] =	vst v39;
	v51 =	vld [tilespmem:s2+$0x6000]  }
0x320: {  	[tilespmem:s23+$0xC180] =	vst v24;
	v23 =	vmul.f32 v23, v3;
	v41 =	vadd.f32 v41, v29;
	v52 =	vld [tilespmem:s2+$0x6080]  }
0x321: {  	[tilespmem:s1+$0xC000] =	vst v43;
	v43 =	vmul.f32 v63, v3;
	v40 =	vadd.f32 v48, v14;
	v53 =	vld [tilespmem:s2+$0x6100]  }
0x322: {  	v50 =	vmul.f32 v46, v16;
	v23 =	vadd.f32 v23, v2;
	[tilespmem:s11+$0xC000] =	vst v41;
	v54 =	vld [tilespmem:s2+$0x6180]  }
0x323: {  	v43 =	vadd.f32 v43, v2;
	v44 =	vmul.f32 v44, v1;
	[tilespmem:s23+$0xC000] =	vst v40  }
0x324: {  	v60 =	vld [tilespmem:s0+$0x4180];
	v41 =	vadd.f32 v50, v14;
	[tilespmem:s17+$0xC100] =	vst v23;
	v56 =	vmul.f32 v51, v36  }
0x325: {  	v58 =	vld [tilespmem:s0+$0x4100];
	v62 =	vmul.f32 v55, v38;
	[tilespmem:s17+$0xC180] =	vst v43;
	v55 =	vadd.f32 v44, v0;
	v24 =	vmul.f32 v52, v36  }
0x326: {  	s14 =	sor.u32 $0x200, s31;
	s25 =	sadd.s32 $0x20, s31;
	v57 =	vld [tilespmem:s0+$0x4080];
	[tilespmem:s23+$0xC080] =	vst v41;
	v59 =	vmul.f32 v53, v36;
	v23 =	vadd.f32 v56, v35  }
0x327: {  	s3 =	sor.u32 $0x200, s25;
	v63 =	vld [tilespmem:s14+$0x4000];
	[tilespmem:s20+$0xC000] =	vst v55;
	v40 =	vmul.f32 v54, v36;
	v24 =	vadd.f32 v24, v35  }
0x328: {  	v61 =	vld [tilespmem:s3+$0x4000];
	[tilespmem:s2+$0xE000] =	vst v23;
	v23 =	vadd.f32 v59, v35  }
0x329: {  	v47 =	vld [tilespmem:s4+$0x6000];
	v51 =	vmul.f32 v60, v38;
	[tilespmem:s2+$0xE080] =	vst v24;
	v24 =	vadd.f32 v40, v35  }
0x32a: {  	p0 =	por !p0, !p0;
	s10 =	simm.s32 $0x1;
	v49 =	vld [tilespmem:s4+$0x6080];
	v50 =	vmul.f32 v58, v38;
	[tilespmem:s2+$0xE100] =	vst v23;
	v23 =	vadd.f32 v62, v37  }
0x32b: {  	s10 =	simm.s32 @!p0 $0x0;
	v48 =	vmul.f32 v57, v38;
	v52 =	vld [tilespmem:s4+$0x6180];
	v54 =	vadd.f32 v51, v37;
	[tilespmem:s2+$0xE180] =	vst v24  }
0x32c: {  	s11 =	sshll.u32 s10, $0x6;
	v41 =	vmul.f32 v63, v3;
	v24 =	vld [tilespmem:s4+$0x6100];
	s2 =	sor.u32 $0x280, s6;
	[tilespmem:s0+$0xC000] =	vst v23;
	v23 =	vadd.f32 v50, v37  }
0x32d: {  	s9 =	sadd.s32 $0x400, s11;
	v43 =	vmul.f32 v61, v16;
	v40 =	vadd.f32 v48, v37;
	[tilespmem:s0+$0xC180] =	vst v54;
	v56 =	vld [tilespmem:s2+$0x4000]  }
0x32e: {  	s18 =	sor.u32 $0x2200, s19;
	s11 =	sadd.s32 $0x30, s9;
	v53 =	vld [tilespmem:s12+$0x6000];
	v41 =	vadd.f32 v41, v2;
	[tilespmem:s0+$0xC100] =	vst v23;
	v23 =	vmul.f32 v47, v25  }
0x32f: {  	v58 =	vmul.f32 v49, v25;
	s1 =	sor.u32 $0x200, s11;
	v43 =	vadd.f32 v43, v14;
	[tilespmem:s0+$0xC080] =	vst v40;
	v57 =	vld [tilespmem:s18+$0x4000]  }
0x330: {  	v61 =	vmul.f32 v52, v25;
	[tilespmem:s14+$0xC000] =	vst v41;
	v59 =	vld [tilespmem:s1+$0x4000];
	v23 =	vadd.f32 v23, v26  }
0x331: {  	v60 =	vld [tilespmem:s12+$0x6080];
	v40 =	vadd.f32 v58, v26;
	[tilespmem:s3+$0xC000] =	vst v43;
	v24 =	vmul.f32 v24, v25  }
0x332: {  	v55 =	vld [tilespmem:s7+$0x6180];
	v41 =	vadd.f32 v61, v26;
	[tilespmem:s4+$0xE000] =	vst v23;
	v23 =	vmul.f32 v56, v30  }
0x333: {  	v39 =	vmul.f32 v53, v27;
	v62 =	vld [tilespmem:s12+$0x6100];
	[tilespmem:s4+$0xE080] =	vst v40;
	v24 =	vadd.f32 v24, v26  }
0x334: {  	v63 =	vld [tilespmem:s12+$0x6180];
	s14 =	sor.u32 $0x280, s25;
	[tilespmem:s4+$0xE180] =	vst v41;
	v49 =	vmul.f32 v57, v36;
	v23 =	vadd.f32 v23, v29  }
0x335: {  	v39 =	vadd.f32 v39, v28;
	[tilespmem:s4+$0xE100] =	vst v24;
	v24 =	vld [tilespmem:s14+$0x4000];
	v42 =	vmul.f32 v59, v38  }
0x336: {  	s10 =	sor.u32 $0x280, s31;
	v51 =	vld [tilespmem:s7+$0x6080];
	v40 =	vadd.f32 v49, v35;
	[tilespmem:s2+$0xC000] =	vst v23;
	v23 =	vmul.f32 v60, v27  }
0x337: {  	v50 =	vld [tilespmem:s10+$0x4000];
	[tilespmem:s12+$0xE000] =	vst v39;
	v42 =	vadd.f32 v42, v37  }
0x338: {  	v48 =	vld [tilespmem:s7+$0x6000];
	v52 =	vmul.f32 v62, v27;
	[tilespmem:s18+$0xC000] =	vst v40;
	v23 =	vadd.f32 v23, v28  }
0x339: {  	v53 =	vld [tilespmem:s7+$0x6100];
	v54 =	vmul.f32 v63, v27;
	s4 =	sor.u32 $0x2280, s19;
	[tilespmem:s1+$0xC000] =	vst v42  }
0x33a: {  	s20 =	sor.u32 $0x20, s13;
	v40 =	vadd.f32 v52, v28;
	v58 =	vld [tilespmem:s4+$0x4000];
	s1 =	sor.u32 $0x300, s6;
	v24 =	vmul.f32 v24, v16;
	[tilespmem:s12+$0xE080] =	vst v23  }
0x33b: {  	v57 =	vadd.f32 v54, v28;
	v56 =	vld [tilespmem:s1+$0x4000];
	[smem:$0x7AF] =	sst s20  }
0x33c: {  	s18 =	sor.u32 $0x280, s11;
	v23 =	vmul.f32 v50, v3;
	v24 =	vadd.f32 v24, v14;
	[tilespmem:s12+$0xE100] =	vst v40  }
0x33d: {  	s2 =	sor.u32 s24, s20;
	v60 =	vld [tilespmem:s18+$0x4000];
	[tilespmem:s12+$0xE180] =	vst v57  }
0x33e: {  	s3 =	sor.u32 $0x2380, s15;
	v61 =	vadd.f32 v23, v2;
	v23 =	vld [tilespmem:s2+$0x10400];
	[tilespmem:s14+$0xC000] =	vst v24  }
0x33f: {  	v59 =	vmul.f32 v48, v1;
	v24 =	vld [tilespmem:s2+$0x10000];
	[smem:$0x7AB] =	sst s3  }
0x340: {  	v41 =	vmul.f32 v58, v36;
	s14 =	sor.u32 $0x300, s25;
	v39 =	vld [tilespmem:s3+$0x4000]  }
0x341: {  	v43 =	vmul.f32 v51, v1;
	v42 =	vadd.f32 v59, v0;
	s12 =	sor.u32 $0x2200, s30;
	v51 =	vld [tilespmem:s14+$0x4000]  }
0x342: {  	v62 =	vmul.f32 v53, v1;
	v41 =	vadd.f32 v41, v35;
	[tilespmem:s10+$0xC000] =	vst v61;
	s3 =	sor.u32 $0x2200, s26;
	v50 =	vld [tilespmem:s12+$0x4000]  }
0x343: {  	v63 =	vmul.f32 v55, v1;
	s15 =	sor.u32 $0x300, s31;
	v43 =	vadd.f32 v43, v0;
	[tilespmem:s7+$0xE000] =	vst v42;
	v48 =	vld [tilespmem:s3+$0x4000]  }
0x344: {  	s13 =	sor.u32 $0x2300, s19;
	v44 =	vadd.f32 v62, v0;
	v49 =	vmul.f32 v56, v30;
	[tilespmem:s4+$0xC000] =	vst v41;
	v52 =	vld [tilespmem:s15+$0x4000]  }
0x345: {  	s16 =	sor.u32 s16, s5;
	v45 =	vadd.f32 v63, v0;
	[tilespmem:s7+$0xE080] =	vst v43;
	v55 =	vld [tilespmem:s13+$0x4000];
	v40 =	vmul.f32 v60, v38  }
0x346: {  	s24 =	sor.u32 s5, s22;
	[tilespmem:s7+$0xE100] =	vst v44;
	v42 =	vadd.f32 v49, v29;
	v49 =	vld [tilespmem:s16+$0x4080];
	v56 =	vmul.f32 v51, v16  }
0x347: {  	[tilespmem:s7+$0xE180] =	vst v45;
	v59 =	vld [tilespmem:s24+$0x4000];
	v40 =	vadd.f32 v40, v37;
	v43 =	vmul.f32 v50, v27  }
0x348: {  	s7 =	sor.u32 $0x380, s6;
	v60 =	vld [tilespmem:s24+$0x4080];
	[tilespmem:s1+$0xC000] =	vst v42;
	v54 =	vmul.f32 v48, v25;
	v46 =	vadd.f32 v56, v14  }
0x349: {  	v53 =	vld [tilespmem:s7+$0x4000];
	v44 =	vmul.f32 v52, v3;
	[tilespmem:s18+$0xC000] =	vst v40;
	v58 =	vadd.f32 v43, v28  }
0x34a: {  	s20 =	sor.u32 $0x300, s11;
	v48 =	vld [tilespmem:s16+$0x4000];
	v45 =	vmul.f32 v55, v36;
	v40 =	vadd.f32 v54, v26;
	[tilespmem:s14+$0xC000] =	vst v46  }
0x34b: {  	v49 =	vmul.f32 v49, v6;
	v57 =	vld [tilespmem:s20+$0x4000];
	v44 =	vadd.f32 v44, v2;
	[tilespmem:s12+$0xC000] =	vst v58  }
0x34c: {  	v62 =	vld [tilespmem:s24+$0x4100];
	v43 =	vmul.f32 v59, v10;
	v45 =	vadd.f32 v45, v35;
	[tilespmem:s3+$0xC000] =	vst v40  }
0x34d: {  	s2 =	sor.u32 $0x2200, s29;
	v63 =	vld [tilespmem:s24+$0x4180];
	v46 =	vmul.f32 v60, v10;
	v49 =	vadd.f32 v49, v4;
	[tilespmem:s15+$0xC000] =	vst v44  }
0x34e: {  	s22 =	sor.u32 s5, s8;
	v42 =	vld [tilespmem:s2+$0x4000];
	v43 =	vadd.f32 v43, v8;
	v41 =	vmul.f32 v53, v30;
	[tilespmem:s13+$0xC000] =	vst v45  }
0x34f: {  	v50 =	vld [tilespmem:s22+$0x4180];
	v48 =	vmul.f32 v48, v6;
	v46 =	vadd.f32 v46, v8;
	[tilespmem:s16+$0xC080] =	vst v49  }
0x350: {  	v52 =	vld [tilespmem:s22+$0x4000];
	[tilespmem:s24+$0xC000] =	vst v43;
	v61 =	vadd.f32 v41, v29;
	v47 =	vmul.f32 v57, v38  }
0x351: {  	v55 =	vld [tilespmem:s16+$0x4100];
	v48 =	vadd.f32 v48, v4;
	[tilespmem:s24+$0xC080] =	vst v46  }
0x352: {  	v56 =	vld [tilespmem:s16+$0x4180];
	v41 =	vmul.f32 v62, v10;
	[tilespmem:s7+$0xC000] =	vst v61;
	v47 =	vadd.f32 v47, v37  }
0x353: {  	v53 =	vld [tilespmem:s22+$0x4080];
	v44 =	vmul.f32 v63, v10;
	[tilespmem:s16+$0xC000] =	vst v48  }
0x354: {  	s1 =	sor.u32 $0x380, s11;
	v54 =	vld [tilespmem:s22+$0x4100];
	v41 =	vadd.f32 v41, v8;
	[tilespmem:s20+$0xC000] =	vst v47  }
0x355: {  	v44 =	vadd.f32 v44, v8;
	v58 =	vld [tilespmem:s1+$0x4000];
	[smem:$0x7A8] =	sst s26  }
0x356: {  	s3 =	sor.u32 $0x2280, s26;
	[tilespmem:s24+$0xC100] =	vst v41  }
0x357: {  	s4 =	sor.u32 $0x380, s25;
	s12 =	simm.s32 $0x40;
	s13 =	simm.s32 $0x200;
	v40 =	vmul.f32 v52, v11;
	v59 =	vld [tilespmem:s3+$0x4000];
	[tilespmem:s24+$0xC180] =	vst v44  }
0x358: {  	s7 =	sor.u32 s12, s13;
	v57 =	vmul.f32 v53, v11;
	v60 =	vld [tilespmem:s4+$0x4000];
	[smem:$0x7A9] =	sst s30  }
0x359: {  	s5 =	sor.u32 $0x2280, s30;
	s14 =	sor.u32 $0x2380, s19;
	v40 =	vadd.f32 v40, v9;
	v47 =	vmul.f32 v54, v11;
	[smem:$0x7B5] =	sst s7  }
0x35a: {  	v50 =	vmul.f32 v50, v11;
	v43 =	vadd.f32 v57, v9;
	v61 =	vld [tilespmem:s5+$0x4000];
	[smem:$0x7AC] =	sst s14  }
0x35b: {  	v48 =	vmul.f32 v55, v6;
	v47 =	vadd.f32 v47, v9;
	[tilespmem:s22+$0xC000] =	vst v40  }
0x35c: {  	v49 =	vmul.f32 v56, v6;
	v50 =	vadd.f32 v50, v9;
	s12 =	sadd.s32 $0x10, s9;
	s7 =	sor.u32 $0x380, s7;
	[tilespmem:s22+$0xC080] =	vst v43  }
0x35d: {  	v42 =	vmul.f32 v42, v1;
	s15 =	sor.u32 $0x200, s12;
	v48 =	vadd.f32 v48, v4;
	v62 =	vld [tilespmem:s7+$0x4000];
	[tilespmem:s22+$0xC100] =	vst v47  }
0x35e: {  	v49 =	vadd.f32 v49, v4;
	[tilespmem:s22+$0xC180] =	vst v50;
	v63 =	vld [tilespmem:s15+$0x4000];
	v45 =	vmul.f32 v58, v38  }
0x35f: {  	v42 =	vadd.f32 v42, v0;
	[tilespmem:s16+$0xC100] =	vst v48;
	v46 =	vmul.f32 v59, v25  }
0x360: {  	s10 =	smov.u32 s31;
	s31 =	smov.u32 s26;
	s26 =	sadd.s32 $0x20, s9;
	[tilespmem:s16+$0xC180] =	vst v49;
	v41 =	vmul.f32 v60, v16;
	v45 =	vadd.f32 v45, v37  }
0x361: {  	s18 =	sor.u32 $0x200, s26;
	v47 =	vld [tilespmem:s21+$0x6000];
	[tilespmem:s2+$0xC000] =	vst v42;
	v46 =	vadd.f32 v46, v26;
	v44 =	vmul.f32 v61, v27  }
0x362: {  	s19 =	sor.u32 $0x200, s9;
	v52 =	vld [tilespmem:s18+$0x4000];
	v41 =	vadd.f32 v41, v14;
	[tilespmem:s1+$0xC000] =	vst v45;
	v55 =	vmul.f32 v62, v3  }
0x363: {  	v53 =	vld [tilespmem:s19+$0x4000];
	v57 =	vmul.f32 v63, v10;
	[tilespmem:s3+$0xC000] =	vst v46;
	v44 =	vadd.f32 v44, v28  }
0x364: {  	v62 =	vld [tilespmem:s21+$0x6080];
	[tilespmem:s4+$0xC000] =	vst v41;
	v59 =	vadd.f32 v55, v2  }
0x365: {  	v63 =	vld [tilespmem:s21+$0x6100];
	v46 =	vadd.f32 v57, v8;
	[tilespmem:s5+$0xC000] =	vst v44  }
0x366: {  	v54 =	vld [tilespmem:s0+$0x6000];
	[tilespmem:s7+$0xC000] =	vst v59  }
0x367: {  	v56 =	vld [tilespmem:s0+$0x6080];
	[tilespmem:s15+$0xC000] =	vst v46  }
0x368: {  	v58 =	vld [tilespmem:s0+$0x6100];
	v60 =	vmul.f32 v52, v11;
	s4 =	sld [smem:$0x7A2]  }
0x369: {  	v45 =	vmul.f32 v53, v6;
	s3 =	simm.s32 $0x600  }
0x36a: {  	s20 =	smov.u32 s9;
	v40 =	vld [tilespmem:s14+$0x4000];
	v47 =	vmul.f32 v47, v30;
	s9 =	sand.u32 $0x1C00, s3;
	v42 =	vadd.f32 v60, v9  }
0x36b: {  	v61 =	vld [tilespmem:s0+$0x6180];
	v45 =	vadd.f32 v45, v4;
	v44 =	vmul.f32 v62, v30;
	s8 =	sor.u32 s9, s4  }
0x36c: {  	v47 =	vadd.f32 v47, v29;
	[tilespmem:s18+$0xC000] =	vst v42;
	v41 =	vmul.f32 v63, v30;
	v43 =	vmul.f32 v56, v38;
	v56 =	vld [tilespmem:s8+$0x4000]  }
0x36d: {  	[tilespmem:s19+$0xC000] =	vst v45;
	v49 =	vmul.f32 v54, v38;
	v55 =	vmul.f32 v58, v38;
	v63 =	vadd.f32 v44, v29;
	v58 =	vld [tilespmem:s8+$0x4080]  }
0x36e: {  	v51 =	vld [tilespmem:s23+$0x6000];
	[tilespmem:s21+$0xE000] =	vst v47;
	v41 =	vadd.f32 v41, v29  }
0x36f: {  	v54 =	vadd.f32 v49, v37;
	v60 =	vld [tilespmem:s8+$0x4100];
	[tilespmem:s21+$0xE080] =	vst v63  }
0x370: {  	v57 =	vmul.f32 v61, v38;
	v43 =	vadd.f32 v43, v37;
	v62 =	vld [tilespmem:s8+$0x4180];
	[tilespmem:s21+$0xE100] =	vst v41  }
0x371: {  	s5 =	sor.u32 $0x280, s12;
	v46 =	vld [tilespmem:s21+$0x6180];
	v59 =	vadd.f32 v55, v37;
	[tilespmem:s0+$0xE000] =	vst v54;
	v53 =	vmul.f32 v56, v34  }
0x372: {  	v52 =	vld [tilespmem:s5+$0x4000];
	v61 =	vadd.f32 v57, v37;
	[tilespmem:s0+$0xE080] =	vst v43;
	v54 =	vmul.f32 v58, v34  }
0x373: {  	v50 =	vld [tilespmem:s23+$0x6080];
	[tilespmem:s0+$0xE100] =	vst v59;
	v55 =	vadd.f32 v53, v33  }
0x374: {  	s13 =	sor.u32 $0x2280, s29;
	v48 =	vld [tilespmem:s23+$0x6100];
	[tilespmem:s0+$0xE180] =	vst v61;
	v56 =	vmul.f32 v60, v34;
	v58 =	vadd.f32 v54, v33  }
0x375: {  	v47 =	vld [tilespmem:s13+$0x4000];
	v45 =	vmul.f32 v62, v34;
	[tilespmem:s8+$0xC000] =	vst v55  }
0x376: {  	s7 =	sor.u32 $0x280, s26;
	v57 =	vld [tilespmem:s23+$0x6180];
	v46 =	vmul.f32 v46, v30;
	v59 =	vadd.f32 v56, v33;
	[tilespmem:s8+$0xC080] =	vst v58  }
0x377: {  	p0 =	por !p0, !p0;
	s2 =	simm.s32 $0x1;
	v43 =	vmul.f32 v52, v10;
	v60 =	vld [tilespmem:s7+$0x4000];
	v61 =	vadd.f32 v45, v33;
	[smem:$0x7AA] =	sst s20  }
0x378: {  	s14 =	sor.u32 $0x280, s20;
	s2 =	simm.s32 @!p0 $0x0;
	v46 =	vadd.f32 v46, v29;
	v62 =	vmul.f32 v51, v16;
	[tilespmem:s8+$0xC100] =	vst v59  }
0x379: {  	s2 =	sshll.u32 s2, $0x6;
	s1 =	smov.u32 s20;
	v43 =	vadd.f32 v43, v8;
	v53 =	vmul.f32 v50, v16;
	s20 =	sor.u32 $0x2200, s11;
	v63 =	vld [tilespmem:s14+$0x4000];
	[tilespmem:s8+$0xC180] =	vst v61  }
0x37a: {  	s28 =	smov.u32 s30;
	s30 =	sadd.s32 $0x600, s2;
	v54 =	vadd.f32 v62, v14;
	v55 =	vmul.f32 v48, v16;
	v50 =	vld [tilespmem:s20+$0x4000];
	[tilespmem:s21+$0xE180] =	vst v46  }
0x37b: {  	s19 =	sadd.s32 $0x30, s30;
	v42 =	vadd.f32 v53, v14;
	[tilespmem:s5+$0xC000] =	vst v43;
	v58 =	vld [tilespmem:s17+$0x6000]  }
0x37c: {  	s0 =	sor.u32 $0x200, s19;
	v57 =	vmul.f32 v57, v16;
	v45 =	vadd.f32 v55, v14;
	[tilespmem:s23+$0xE000] =	vst v54;
	v61 =	vld [tilespmem:s17+$0x6100]  }
0x37d: {  	v60 =	vmul.f32 v60, v11;
	[tilespmem:s23+$0xE080] =	vst v42;
	v56 =	vld [tilespmem:s0+$0x4000]  }
0x37e: {  	v59 =	vld [tilespmem:s17+$0x6080];
	v43 =	vadd.f32 v57, v14;
	[tilespmem:s23+$0xE100] =	vst v45;
	v62 =	vmul.f32 v63, v6  }
0x37f: {  	v41 =	vadd.f32 v60, v9;
	v63 =	vld [tilespmem:s17+$0x6180];
	v53 =	vmul.f32 v50, v38;
	[smem:$0x7A7] =	sst s12  }
0x380: {  	s18 =	sor.u32 $0x300, s12;
	v55 =	vmul.f32 v58, v3;
	[tilespmem:s23+$0xE180] =	vst v43;
	v42 =	vadd.f32 v62, v4  }
0x381: {  	s21 =	sor.u32 $0x2200, s6;
	v44 =	vmul.f32 v61, v3;
	v54 =	vld [tilespmem:s18+$0x4000];
	[tilespmem:s7+$0xC000] =	vst v41;
	v45 =	vadd.f32 v53, v37  }
0x382: {  	s15 =	smov.u32 s12;
	s12 =	sor.u32 $0x2300, s31;
	v46 =	vmul.f32 v56, v34;
	v56 =	vld [tilespmem:s21+$0x4000];
	v41 =	vadd.f32 v55, v2;
	[tilespmem:s14+$0xC000] =	vst v42  }
0x383: {  	v57 =	vmul.f32 v59, v3;
	s23 =	sor.u32 $0x300, s26;
	v51 =	vld [tilespmem:s12+$0x4000];
	v44 =	vadd.f32 v44, v2;
	[tilespmem:s20+$0xC000] =	vst v45  }
0x384: {  	s3 =	sor.u32 $0x2200, s25;
	v58 =	vld [tilespmem:s23+$0x4000];
	v46 =	vadd.f32 v46, v33;
	[tilespmem:s17+$0xE000] =	vst v41;
	v60 =	vmul.f32 v63, v3  }
0x385: {  	s2 =	sor.u32 $0x2280, s11;
	v59 =	vld [tilespmem:s3+$0x4000];
	v42 =	vadd.f32 v57, v2;
	[tilespmem:s17+$0xE100] =	vst v44  }
0x386: {  	s1 =	sor.u32 $0x300, s1;
	[tilespmem:s0+$0xC000] =	vst v46;
	v61 =	vld [tilespmem:s2+$0x4000];
	v62 =	vmul.f32 v54, v10;
	v46 =	vadd.f32 v60, v2  }
0x387: {  	s20 =	sor.u32 $0x280, s19;
	v55 =	vld [tilespmem:s1+$0x4000];
	v48 =	vmul.f32 v56, v30;
	[tilespmem:s17+$0xE080] =	vst v42  }
0x388: {  	s4 =	sor.u32 $0x2300, s28;
	v63 =	vld [tilespmem:s20+$0x4000];
	v41 =	vadd.f32 v62, v8;
	[tilespmem:s17+$0xE180] =	vst v46  }
0x389: {  	v42 =	vld [tilespmem:s4+$0x4000];
	v53 =	vmul.f32 v58, v11;
	v54 =	vadd.f32 v48, v29;
	[smem:$0x7B2] =	sst s10  }
0x38a: {  	s0 =	sor.u32 $0x2200, s10;
	v45 =	vmul.f32 v59, v16;
	[tilespmem:s18+$0xC000] =	vst v41  }
0x38b: {  	v44 =	vadd.f32 v53, v9;
	v56 =	vld [tilespmem:s0+$0x4000];
	s18 =	sor.u32 $0x380, s15;
	[tilespmem:s21+$0xC000] =	vst v54  }
0x38c: {  	v45 =	vadd.f32 v45, v14;
	v57 =	vmul.f32 v61, v38;
	v58 =	vld [tilespmem:s18+$0x4000];
	[smem:$0x7B3] =	sst s6  }
0x38d: {  	s5 =	sor.u32 $0x2280, s6;
	v43 =	vmul.f32 v63, v34;
	[tilespmem:s23+$0xC000] =	vst v44  }
0x38e: {  	s14 =	sor.u32 $0x380, s26;
	v49 =	vadd.f32 v57, v37;
	v44 =	vld [tilespmem:s5+$0x4000];
	[tilespmem:s3+$0xC000] =	vst v45  }
0x38f: {  	v43 =	vadd.f32 v43, v33;
	v45 =	vld [tilespmem:s14+$0x4000];
	[smem:$0x7B6] =	sst s25  }
0x390: {  	[tilespmem:s2+$0xC000] =	vst v49  }
0x391: {  	[tilespmem:s20+$0xC000] =	vst v43  }
0x392: {  	s23 =	sld [smem:$0x7A3]  }
0x393: {  	s7 =	sor.u32 $0x300, s19;
	v48 =	vmul.f32 v55, v6;
	s3 =	sor.u32 $0x2300, s11  }
0x394: {  	s17 =	smov.u32 s25;
	s21 =	sor.u32 $0x2280, s25;
	v59 =	vld [tilespmem:s3+$0x4000];
	v41 =	vmul.f32 v56, v3;
	s25 =	sld [smem:$0x7A4]  }
0x395: {  	v48 =	vadd.f32 v48, v4;
	v60 =	vld [tilespmem:s7+$0x4000];
	s20 =	sor.u32 s23, s9  }
0x396: {  	v41 =	vadd.f32 v41, v2;
	v52 =	vld [tilespmem:s20+$0x4000]  }
0x397: {  	s15 =	smov.u32 s6;
	[tilespmem:s1+$0xC000] =	vst v48;
	v46 =	vmul.f32 v58, v10;
	s6 =	sor.u32 s9, s25;
	v53 =	vld [tilespmem:s20+$0x4080]  }
0x398: {  	v47 =	vmul.f32 v47, v1;
	v54 =	vld [tilespmem:s6+$0x4000];
	[tilespmem:s0+$0xC000] =	vst v41  }
0x399: {  	v49 =	vld [tilespmem:s21+$0x4000];
	v46 =	vadd.f32 v46, v8;
	v43 =	vmul.f32 v59, v38;
	s0 =	sld [smem:$0x7A5]  }
0x39a: {  	v62 =	vadd.f32 v47, v0;
	v61 =	vld [tilespmem:s6+$0x4080];
	v50 =	vmul.f32 v60, v34  }
0x39b: {  	v57 =	vld [tilespmem:s6+$0x4180];
	[tilespmem:s18+$0xC000] =	vst v46;
	v43 =	vadd.f32 v43, v37;
	v52 =	vmul.f32 v52, v7  }
0x39c: {  	v63 =	vld [tilespmem:s6+$0x4100];
	[tilespmem:s13+$0xC000] =	vst v62;
	v50 =	vadd.f32 v50, v33;
	s9 =	sor.u32 s9, s0;
	v53 =	vmul.f32 v53, v7  }
0x39d: {  	v58 =	vld [tilespmem:s9+$0x4000];
	[tilespmem:s3+$0xC000] =	vst v43;
	v59 =	vmul.f32 v54, v13;
	v52 =	vadd.f32 v52, v5  }
0x39e: {  	v60 =	vld [tilespmem:s9+$0x4080];
	[tilespmem:s7+$0xC000] =	vst v50;
	v53 =	vadd.f32 v53, v5  }
0x39f: {  	v48 =	vmul.f32 v61, v13;
	v61 =	vld [tilespmem:s9+$0x4100];
	v43 =	vadd.f32 v59, v12;
	[tilespmem:s20+$0xC000] =	vst v52  }
0x3a0: {  	s13 =	simm.s32 $0x80;
	s18 =	simm.s32 $0x400;
	v62 =	vld [tilespmem:s9+$0x4180];
	v46 =	vmul.f32 v57, v13;
	[tilespmem:s20+$0xC080] =	vst v53  }
0x3a1: {  	v42 =	vmul.f32 v42, v27;
	s1 =	sor.u32 s13, s18;
	v57 =	vld [tilespmem:s20+$0x4180];
	v48 =	vadd.f32 v48, v12;
	[tilespmem:s6+$0xC000] =	vst v43  }
0x3a2: {  	v44 =	vmul.f32 v44, v30;
	v47 =	vmul.f32 v63, v13;
	v63 =	vld [tilespmem:s20+$0x4100];
	v46 =	vadd.f32 v46, v12;
	[smem:$0x7B7] =	sst s1  }
0x3a3: {  	v42 =	vadd.f32 v42, v28;
	[tilespmem:s6+$0xC080] =	vst v48  }
0x3a4: {  	v45 =	vmul.f32 v45, v11;
	v44 =	vadd.f32 v44, v29;
	[tilespmem:s6+$0xC180] =	vst v46  }
0x3a5: {  	s7 =	sor.u32 $0x380, s19;
	v55 =	vmul.f32 v58, v18;
	v58 =	vadd.f32 v47, v12;
	[tilespmem:s4+$0xC000] =	vst v42  }
0x3a6: {  	s11 =	sor.u32 $0x2380, s11;
	v59 =	vmul.f32 v60, v18;
	v43 =	vmul.f32 v57, v7;
	v57 =	vadd.f32 v45, v9;
	v60 =	vld [tilespmem:s7+$0x4000];
	[tilespmem:s5+$0xC000] =	vst v44  }
0x3a7: {  	s2 =	sor.u32 $0x380, s1;
	v50 =	vmul.f32 v61, v18;
	v41 =	vld [tilespmem:s11+$0x4000];
	[tilespmem:s6+$0xC100] =	vst v58;
	v61 =	vadd.f32 v55, v17  }
0x3a8: {  	v52 =	vmul.f32 v62, v18;
	v62 =	vld [tilespmem:s2+$0x4000];
	v47 =	vadd.f32 v59, v17;
	[tilespmem:s14+$0xC000] =	vst v57  }
0x3a9: {  	s28 =	sor.u32 $0x2280, s10;
	s18 =	sadd.s32 $0x10, s30;
	v53 =	vmul.f32 v63, v7;
	v54 =	vld [tilespmem:s24+$0x6000];
	v50 =	vadd.f32 v50, v17;
	[tilespmem:s9+$0xC000] =	vst v61  }
0x3aa: {  	s23 =	sor.u32 $0x200, s18;
	v44 =	vld [tilespmem:s28+$0x4000];
	v52 =	vadd.f32 v52, v17;
	[tilespmem:s9+$0xC080] =	vst v47  }
0x3ab: {  	v53 =	vadd.f32 v53, v5;
	v63 =	vld [tilespmem:s23+$0x4000];
	[tilespmem:s9+$0xC100] =	vst v50;
	v48 =	vmul.f32 v60, v34  }
0x3ac: {  	s31 =	sadd.s32 $0x20, s30;
	v51 =	vmul.f32 v51, v25;
	v43 =	vadd.f32 v43, v5;
	v55 =	vld [tilespmem:s22+$0x6000];
	[tilespmem:s9+$0xC180] =	vst v52  }
0x3ad: {  	s25 =	sor.u32 $0x200, s31;
	v42 =	vld [tilespmem:s22+$0x6080];
	[tilespmem:s20+$0xC100] =	vst v53;
	v48 =	vadd.f32 v48, v33  }
0x3ae: {  	v51 =	vadd.f32 v51, v26;
	s1 =	sor.u32 $0x200, s30;
	[tilespmem:s20+$0xC180] =	vst v43;
	v56 =	vld [tilespmem:s25+$0x4000]  }
0x3af: {  	v49 =	vmul.f32 v49, v16;
	[tilespmem:s7+$0xC000] =	vst v48;
	v48 =	vld [tilespmem:s1+$0x4000]  }
0x3b0: {  	[tilespmem:s12+$0xC000] =	vst v51;
	v58 =	vmul.f32 v62, v6;
	v51 =	vld [tilespmem:s8+$0x6000]  }
0x3b1: {  	v59 =	vadd.f32 v49, v14;
	v54 =	vmul.f32 v54, v10;
	v46 =	vld [tilespmem:s8+$0x6080]  }
0x3b2: {  	v60 =	vmul.f32 v63, v13;
	v62 =	vadd.f32 v58, v4;
	v61 =	vld [tilespmem:s8+$0x6100]  }
0x3b3: {  	[tilespmem:s21+$0xC000] =	vst v59;
	v54 =	vadd.f32 v54, v8;
	v43 =	vmul.f32 v56, v18;
	v63 =	vld [tilespmem:s8+$0x6180]  }
0x3b4: {  	v47 =	vld [tilespmem:s24+$0x6080];
	v57 =	vadd.f32 v60, v12;
	[tilespmem:s2+$0xC000] =	vst v62;
	v48 =	vmul.f32 v48, v7  }
0x3b5: {  	v50 =	vld [tilespmem:s24+$0x6100];
	[tilespmem:s24+$0xE000] =	vst v54;
	v43 =	vadd.f32 v43, v17;
	v58 =	vmul.f32 v51, v34  }
0x3b6: {  	v52 =	vld [tilespmem:s24+$0x6180];
	[tilespmem:s23+$0xC000] =	vst v57;
	v46 =	vmul.f32 v46, v34;
	v59 =	vadd.f32 v48, v5  }
0x3b7: {  	s21 =	sor.u32 $0x280, s18;
	v49 =	vld [tilespmem:s16+$0x6000];
	[tilespmem:s25+$0xC000] =	vst v43;
	v61 =	vmul.f32 v61, v34;
	v60 =	vadd.f32 v58, v33  }
0x3b8: {  	v62 =	vld [tilespmem:s21+$0x4000];
	v56 =	vmul.f32 v63, v34;
	v46 =	vadd.f32 v46, v33;
	[tilespmem:s1+$0xC000] =	vst v59  }
0x3b9: {  	v43 =	vld [tilespmem:s22+$0x6180];
	s25 =	sor.u32 $0x2300, s15;
	v63 =	vadd.f32 v61, v33;
	[tilespmem:s8+$0xE000] =	vst v60  }
0x3ba: {  	v47 =	vmul.f32 v47, v10;
	v45 =	vld [tilespmem:s25+$0x4000];
	v57 =	vadd.f32 v56, v33;
	[tilespmem:s8+$0xE080] =	vst v46  }
0x3bb: {  	v50 =	vmul.f32 v50, v10;
	s23 =	sor.u32 $0x2300, s17;
	v51 =	vld [tilespmem:s22+$0x6100];
	[tilespmem:s8+$0xE100] =	vst v63  }
0x3bc: {  	v47 =	vadd.f32 v47, v8;
	v58 =	vmul.f32 v52, v10;
	s1 =	sor.u32 $0x280, s31;
	v46 =	vld [tilespmem:s23+$0x4000];
	[tilespmem:s8+$0xE180] =	vst v57  }
0x3bd: {  	s5 =	sor.u32 $0x280, s30;
	v50 =	vadd.f32 v50, v8;
	v61 =	vmul.f32 v55, v11;
	v60 =	vld [tilespmem:s1+$0x4000];
	[smem:$0x7B9] =	sst s30  }
0x3be: {  	s4 =	sor.u32 $0x2200, s19;
	v59 =	vmul.f32 v62, v13;
	v48 =	vadd.f32 v58, v8;
	[tilespmem:s24+$0xE080] =	vst v47;
	v62 =	vld [tilespmem:s5+$0x4000]  }
0x3bf: {  	v42 =	vmul.f32 v42, v11;
	v58 =	vadd.f32 v61, v9;
	[tilespmem:s24+$0xE100] =	vst v50;
	v57 =	vld [tilespmem:s4+$0x4000]  }
0x3c0: {  	v43 =	vmul.f32 v43, v11;
	v63 =	vadd.f32 v59, v12;
	[tilespmem:s24+$0xE180] =	vst v48  }
0x3c1: {  	v42 =	vadd.f32 v42, v9;
	v51 =	vmul.f32 v51, v11;
	[tilespmem:s22+$0xE000] =	vst v58  }
0x3c2: {  	v43 =	vadd.f32 v43, v9;
	[tilespmem:s21+$0xC000] =	vst v63;
	v53 =	vmul.f32 v60, v18  }
0x3c3: {  	v51 =	vadd.f32 v51, v9;
	s0 =	sld [smem:$0x7A6];
	[tilespmem:s22+$0xE080] =	vst v42;
	v60 =	vmul.f32 v62, v7  }
0x3c4: {  	[tilespmem:s22+$0xE180] =	vst v43;
	v61 =	vadd.f32 v53, v17;
	v52 =	vmul.f32 v57, v34  }
0x3c5: {  	s3 =	simm.s32 $0x800;
	v59 =	vld [tilespmem:s16+$0x6080];
	[tilespmem:s22+$0xE100] =	vst v51;
	v42 =	vadd.f32 v60, v5  }
0x3c6: {  	s10 =	sand.u32 $0x1C00, s3;
	v50 =	vld [tilespmem:s16+$0x6100];
	[tilespmem:s1+$0xC000] =	vst v61;
	v52 =	vadd.f32 v52, v33  }
0x3c7: {  	v48 =	vld [tilespmem:s16+$0x6180];
	s8 =	sor.u32 s10, s0;
	s15 =	sld [smem:$0x7A7];
	[tilespmem:s5+$0xC000] =	vst v42  }
0x3c8: {  	v47 =	vld [tilespmem:s8+$0x4000];
	[tilespmem:s4+$0xC000] =	vst v52  }
0x3c9: {  	v62 =	vld [tilespmem:s8+$0x4080];
	s21 =	sld [smem:$0x7A8]  }
0x3ca: {  	v63 =	vmul.f32 v49, v6;
	v57 =	vld [tilespmem:s8+$0x4100]  }
0x3cb: {  	v58 =	vmul.f32 v59, v6;
	v59 =	vld [tilespmem:s8+$0x4180];
	s5 =	sor.u32 $0x300, s18  }
0x3cc: {  	v50 =	vmul.f32 v50, v6;
	v60 =	vadd.f32 v63, v4;
	v61 =	vld [tilespmem:s5+$0x4000];
	s13 =	sor.u32 $0x2200, s15;
	s0 =	sor.u32 $0x2380, s21  }
0x3cd: {  	v51 =	vadd.f32 v58, v4;
	v47 =	vmul.f32 v47, v22;
	v55 =	vld [tilespmem:s13+$0x4000];
	[smem:$0x7B0] =	sst s0  }
0x3ce: {  	v50 =	vadd.f32 v50, v4;
	v53 =	vmul.f32 v62, v22;
	[tilespmem:s16+$0xE000] =	vst v60  }
0x3cf: {  	v49 =	vmul.f32 v57, v22;
	v47 =	vadd.f32 v47, v21;
	[tilespmem:s16+$0xE080] =	vst v51  }
0x3d0: {  	v57 =	vmul.f32 v59, v22;
	v63 =	vadd.f32 v53, v21;
	[tilespmem:s16+$0xE100] =	vst v50  }
0x3d1: {  	s7 =	smov.u32 s30;
	s30 =	sor.u32 $0x2300, s29;
	v48 =	vmul.f32 v48, v6;
	v49 =	vadd.f32 v49, v21;
	s22 =	sld [smem:$0x7A9];
	[tilespmem:s8+$0xC000] =	vst v47  }
0x3d2: {  	p0 =	por !p0, !p0;
	s12 =	sor.u32 $0x300, s31;
	s24 =	simm.s32 $0x1;
	v59 =	vadd.f32 v57, v21;
	v43 =	vld [tilespmem:s30+$0x4000];
	v52 =	vmul.f32 v61, v13;
	[tilespmem:s8+$0xC080] =	vst v63  }
0x3d3: {  	s29 =	sor.u32 $0x2200, s26;
	s24 =	simm.s32 @!p0 $0x0;
	v62 =	vld [tilespmem:s12+$0x4000];
	v60 =	vadd.f32 v48, v4;
	[tilespmem:s8+$0xC100] =	vst v49  }
0x3d4: {  	s24 =	sshll.u32 s24, $0x6;
	v58 =	vld [tilespmem:s29+$0x4000];
	[tilespmem:s8+$0xC180] =	vst v59;
	v52 =	vadd.f32 v52, v12  }
0x3d5: {  	s14 =	smov.u32 s26;
	s7 =	sor.u32 $0x300, s7;
	s17 =	sadd.s32 $0x800, s24;
	v42 =	vld [tilespmem:s0+$0x4000];
	v61 =	vmul.f32 v55, v10;
	[tilespmem:s16+$0xE180] =	vst v60  }
0x3d6: {  	v32 =	vmul.f32 v39, v32;
	s26 =	sadd.s32 $0x30, s17;
	s1 =	sor.u32 $0x2280, s19;
	v48 =	vld [tilespmem:s7+$0x4000];
	s21 =	sld [smem:$0x7AA];
	[tilespmem:s5+$0xC000] =	vst v52  }
0x3d7: {  	v51 =	vld [tilespmem:s1+$0x4000];
	s0 =	sor.u32 $0x200, s26;
	v49 =	vadd.f32 v61, v8;
	s5 =	sld [smem:$0x7AB]  }
0x3d8: {  	v31 =	vadd.f32 v32, v31;
	v63 =	vld [tilespmem:s0+$0x4000];
	s22 =	sor.u32 $0x2380, s22;
	v62 =	vmul.f32 v62, v18  }
0x3d9: {  	s4 =	sor.u32 $0x380, s18;
	v47 =	vld [tilespmem:s22+$0x4000];
	v57 =	vmul.f32 v58, v11;
	[tilespmem:s13+$0xC000] =	vst v49  }
0x3da: {  	v58 =	vld [tilespmem:s4+$0x4000];
	s2 =	sor.u32 $0x2200, s21;
	s13 =	simm.s32 $0x10500;
	v32 =	vadd.f32 v62, v17;
	[tilespmem:s5+$0xC000] =	vst v31  }
0x3db: {  	v56 =	vld [tilespmem:s2+$0x4000];
	v59 =	vadd.f32 v57, v9;
	[dreg:$0x8] =	wrdreg s13  }
0x3dc: {  	[tilespmem:s12+$0xC000] =	vst v32  }
0x3dd: {  	v36 =	vmul.f32 v40, v36;
	[tilespmem:s29+$0xC000] =	vst v59  }
0x3de: {  	v38 =	vmul.f32 v41, v38;
	s13 =	sld [smem:$0x7AC]  }
0x3df: {  	v60 =	vadd.f32 v36, v35;
	v62 =	vmul.f32 v51, v34  }
0x3e0: {  	v37 =	vadd.f32 v38, v37;
	v39 =	vmul.f32 v63, v22  }
0x3e1: {  	s24 =	simm.s32 $0x10500;
	v63 =	vmul.f32 v48, v7;
	v36 =	vadd.f32 v62, v33;
	[tilespmem:s13+$0xC000] =	vst v60  }
0x3e2: {  	v54 =	vmul.f32 v44, v3;
	s5 =	sor.u32 $0x2280, s15;
	v39 =	vadd.f32 v39, v21;
	v31 =	vld [tilespmem:s24+$0x0];
	s13 =	sld [smem:$0x7AD];
	[tilespmem:s11+$0xC000] =	vst v37  }
0x3e3: {  	v61 =	vld [tilespmem:s5+$0x4000];
	s12 =	sor.u32 $0x380, s31;
	v32 =	vadd.f32 v63, v5;
	v52 =	vmul.f32 v56, v6;
	[tilespmem:s1+$0xC000] =	vst v36  }
0x3e4: {  	s16 =	sor.u32 $0x2280, s14;
	v53 =	vmul.f32 v58, v13;
	v58 =	vadd.f32 v54, v2;
	v38 =	vld [tilespmem:s12+$0x4000];
	[tilespmem:s0+$0xC000] =	vst v39  }
0x3e5: {  	v41 =	vld [tilespmem:s16+$0x4000];
	v56 =	vmul.f32 v45, v30;
	s1 =	sor.u32 $0x2300, s19;
	v37 =	vadd.f32 v52, v4;
	[tilespmem:s7+$0xC000] =	vst v32  }
0x3e6: {  	s24 =	smov.u32 s14;
	s14 =	sor.u32 $0x280, s26;
	v59 =	vmul.f32 v46, v16;
	v36 =	vadd.f32 v53, v12;
	v55 =	vld [tilespmem:s1+$0x4000];
	s7 =	sld [smem:$0x7AE];
	[tilespmem:s28+$0xC000] =	vst v58  }
0x3e7: {  	v43 =	vmul.f32 v43, v1;
	v32 =	vadd.f32 v56, v29;
	v57 =	vld [tilespmem:s14+$0x4000];
	[tilespmem:s2+$0xC000] =	vst v37;
	s13 =	sor.u32 s10, s13  }
0x3e8: {  	v62 =	vadd.f32 v59, v14;
	v35 =	vmul.f32 v61, v10;
	[tilespmem:s4+$0xC000] =	vst v36;
	v48 =	vld [tilespmem:s13+$0x4000]  }
0x3e9: {  	v43 =	vadd.f32 v43, v0;
	v38 =	vmul.f32 v38, v18;
	s2 =	sld [smem:$0x7AF];
	[tilespmem:s25+$0xC000] =	vst v32;
	v40 =	vld [tilespmem:s13+$0x4080]  }
0x3ea: {  	v41 =	vmul.f32 v41, v11;
	v52 =	vadd.f32 v35, v8;
	[tilespmem:s23+$0xC000] =	vst v62;
	v63 =	vld [tilespmem:s13+$0x4100]  }
0x3eb: {  	v54 =	vadd.f32 v38, v17;
	[tilespmem:s30+$0xC000] =	vst v43;
	s11 =	sor.u32 s7, s10;
	v53 =	vld [tilespmem:s13+$0x4180];
	v44 =	vmul.f32 v55, v34  }
0x3ec: {  	v41 =	vadd.f32 v41, v9;
	[tilespmem:s5+$0xC000] =	vst v52;
	v60 =	vld [tilespmem:s11+$0x4000];
	v45 =	vmul.f32 v57, v22  }
0x3ed: {  	v61 =	vld [tilespmem:s11+$0x4080];
	[tilespmem:s12+$0xC000] =	vst v54;
	v44 =	vadd.f32 v44, v33;
	v58 =	vmul.f32 v48, v20  }
0x3ee: {  	v59 =	vld [tilespmem:s11+$0x4100];
	[tilespmem:s16+$0xC000] =	vst v41;
	s29 =	sor.u32 s10, s2;
	v45 =	vadd.f32 v45, v21;
	v40 =	vmul.f32 v40, v20  }
0x3ef: {  	v55 =	vld [tilespmem:s29+$0x4000];
	v39 =	vmul.f32 v63, v20;
	[tilespmem:s1+$0xC000] =	vst v44;
	v44 =	vadd.f32 v58, v19  }
0x3f0: {  	v56 =	vld [tilespmem:s29+$0x4080];
	v35 =	vmul.f32 v53, v20;
	[tilespmem:s14+$0xC000] =	vst v45;
	v40 =	vadd.f32 v40, v19  }
0x3f1: {  	v57 =	vld [tilespmem:s29+$0x4100];
	v46 =	vmul.f32 v60, v31;
	v39 =	vadd.f32 v39, v19;
	[tilespmem:s13+$0xC000] =	vst v44  }
0x3f2: {  	v36 =	vmul.f32 v61, v31;
	v61 =	vld [tilespmem:s29+$0x4180];
	v35 =	vadd.f32 v35, v19;
	[tilespmem:s13+$0xC080] =	vst v40  }
0x3f3: {  	v60 =	vld [tilespmem:s11+$0x4180];
	v48 =	vmul.f32 v59, v31;
	v46 =	vadd.f32 v46, v15;
	[tilespmem:s13+$0xC100] =	vst v39  }
0x3f4: {  	v27 =	vmul.f32 v47, v27;
	v52 =	vld [tilespmem:s6+$0x6000];
	v36 =	vadd.f32 v36, v15;
	v38 =	vmul.f32 v55, v23;
	[tilespmem:s13+$0xC180] =	vst v35  }
0x3f5: {  	v54 =	vld [tilespmem:s6+$0x6100];
	v32 =	vmul.f32 v56, v23;
	v48 =	vadd.f32 v48, v15;
	[tilespmem:s11+$0xC000] =	vst v46  }
0x3f6: {  	v27 =	vadd.f32 v27, v28;
	s4 =	sadd.s32 $0x10, s17;
	v28 =	vld [tilespmem:s9+$0x6100];
	v37 =	vmul.f32 v57, v23;
	[tilespmem:s11+$0xC080] =	vst v36;
	v38 =	vadd.f32 v38, v24  }
0x3f7: {  	s25 =	sor.u32 $0x300, s26;
	s12 =	simm.s32 $0xC0;
	v53 =	vld [tilespmem:s6+$0x6080];
	s14 =	simm.s32 $0x600;
	v32 =	vadd.f32 v32, v24;
	[tilespmem:s11+$0xC100] =	vst v48;
	v46 =	vmul.f32 v61, v23  }
0x3f8: {  	s23 =	sor.u32 $0x200, s4;
	s0 =	sor.u32 s12, s14;
	v57 =	vld [tilespmem:s25+$0x4000];
	v37 =	vadd.f32 v37, v24;
	v45 =	vmul.f32 v60, v31;
	[tilespmem:s29+$0xC000] =	vst v38  }
0x3f9: {  	s5 =	sor.u32 $0x380, s0;
	v56 =	vld [tilespmem:s23+$0x4000];
	[tilespmem:s29+$0xC080] =	vst v32;
	v46 =	vadd.f32 v46, v24  }
0x3fa: {  	s2 =	sor.u32 $0x2380, s19;
	v63 =	vld [tilespmem:s5+$0x4000];
	[tilespmem:s29+$0xC100] =	vst v37;
	v45 =	vadd.f32 v45, v15  }
0x3fb: {  	v62 =	vld [tilespmem:s2+$0x4000];
	s12 =	sadd.s32 $0x20, s17;
	[tilespmem:s29+$0xC180] =	vst v46  }
0x3fc: {  	v25 =	vmul.f32 v42, v25;
	v59 =	vld [tilespmem:s9+$0x6080];
	s10 =	sor.u32 $0x200, s12;
	[tilespmem:s11+$0xC180] =	vst v45  }
0x3fd: {  	s19 =	sor.u32 $0x200, s17;
	v37 =	vmul.f32 v57, v22;
	v60 =	vld [tilespmem:s10+$0x4000];
	s16 =	sld [smem:$0x7B0]  }
0x3fe: {  	v25 =	vadd.f32 v25, v26;
	v26 =	vmul.f32 v56, v20;
	v61 =	vld [tilespmem:s19+$0x4000]  }
0x3ff: {  	v58 =	vld [tilespmem:s9+$0x6000];
	v37 =	vadd.f32 v37, v21;
	[tilespmem:s22+$0xC000] =	vst v27;
	v27 =	vmul.f32 v63, v7  }
0x400: {  	s14 =	sor.u32 $0x2280, s21;
	v55 =	vld [tilespmem:s6+$0x6180];
	v26 =	vadd.f32 v26, v19;
	[tilespmem:s16+$0xC000] =	vst v25;
	v25 =	vmul.f32 v62, v34  }
0x401: {  	v63 =	vld [tilespmem:s14+$0x4000];
	[tilespmem:s25+$0xC000] =	vst v37;
	v27 =	vadd.f32 v27, v5  }
0x402: {  	s22 =	sor.u32 $0x280, s4;
	v62 =	vld [tilespmem:s9+$0x6180];
	[tilespmem:s23+$0xC000] =	vst v26;
	v25 =	vadd.f32 v25, v33;
	v47 =	vmul.f32 v60, v23  }
0x403: {  	s23 =	sor.u32 $0x380, s26;
	v48 =	vld [tilespmem:s22+$0x4000];
	[tilespmem:s5+$0xC000] =	vst v27;
	v32 =	vmul.f32 v61, v31  }
0x404: {  	s25 =	sor.u32 $0x2300, s24;
	s16 =	sor.u32 $0x2300, s15;
	v49 =	vld [tilespmem:s23+$0x4000];
	[tilespmem:s2+$0xC000] =	vst v25;
	v25 =	vmul.f32 v52, v13;
	v33 =	vadd.f32 v47, v24  }
0x405: {  	v26 =	vld [tilespmem:s16+$0x4000];
	v27 =	vmul.f32 v53, v13;
	v32 =	vadd.f32 v32, v15;
	[smem:$0x7B1] =	sst s25  }
0x406: {  	v51 =	vmul.f32 v54, v13;
	[tilespmem:s10+$0xC000] =	vst v33;
	v25 =	vadd.f32 v25, v12  }
0x407: {  	v53 =	vmul.f32 v55, v13;
	v27 =	vadd.f32 v27, v12;
	[tilespmem:s19+$0xC000] =	vst v32  }
0x408: {  	v33 =	vadd.f32 v51, v12;
	[tilespmem:s6+$0xE000] =	vst v25;
	v25 =	vmul.f32 v48, v20  }
0x409: {  	v32 =	vadd.f32 v53, v12;
	[tilespmem:s6+$0xE080] =	vst v27;
	v56 =	vmul.f32 v49, v22  }
0x40a: {  	v50 =	vld [tilespmem:s25+$0x4000];
	[tilespmem:s6+$0xE100] =	vst v33;
	v25 =	vadd.f32 v25, v19  }
0x40b: {  	v52 =	vld [tilespmem:s20+$0x6000];
	[tilespmem:s6+$0xE180] =	vst v32;
	v37 =	vadd.f32 v56, v21  }
0x40c: {  	v54 =	vld [tilespmem:s20+$0x6080];
	[tilespmem:s22+$0xC000] =	vst v25  }
0x40d: {  	v55 =	vld [tilespmem:s20+$0x6100];
	s1 =	sld [smem:$0x7B2];
	[tilespmem:s23+$0xC000] =	vst v37  }
0x40e: {  	s5 =	sor.u32 $0x280, s12;
	v60 =	vld [tilespmem:s20+$0x6180];
	s25 =	sld [smem:$0x7B5]  }
0x40f: {  	v57 =	vmul.f32 v58, v18;
	s10 =	sor.u32 $0x280, s17;
	v27 =	vld [tilespmem:s5+$0x4000]  }
0x410: {  	s19 =	sor.u32 $0x2200, s18;
	v58 =	vld [tilespmem:s10+$0x4000];
	s1 =	sor.u32 $0x2300, s1  }
0x411: {  	v34 =	vmul.f32 v62, v18;
	v25 =	vadd.f32 v57, v17;
	s22 =	sld [smem:$0x7B3];
	s30 =	smov.u32 s1;
	v62 =	vld [tilespmem:s1+$0x4000];
	s1 =	sor.u32 $0x2380, s25  }
0x412: {  	v61 =	vld [tilespmem:s19+$0x4000];
	[dreg:$0xa] =	wrdreg s1  }
0x413: {  	s23 =	sld [smem:$0x7B4];
	[tilespmem:s9+$0xE000] =	vst v25  }
0x414: {  	s2 =	sor.u32 $0x2380, s22;
	s22 =	sld [smem:$0x7B7]  }
0x415: {  	v59 =	vmul.f32 v59, v18  }
0x416: {  	s6 =	sor.u32 $0x2380, s23;
	s23 =	sor.u32 $0x2300, s21  }
0x417: {  	v36 =	vmul.f32 v63, v6;
	v32 =	vadd.f32 v59, v17;
	v63 =	vld [tilespmem:s2+$0x4000];
	[dreg:$0xd] =	wrdreg s23;
	s1 =	sor.u32 $0x2380, s22  }
0x418: {  	v28 =	vmul.f32 v28, v18;
	s21 =	sor.u32 $0x2380, s15;
	[dreg:$0xc] =	wrdreg s1  }
0x419: {  	s25 =	smov.u32 s2;
	s2 =	sor.u32 $0x300, s4;
	s7 =	sld [smem:$0x7B6];
	[tilespmem:s9+$0xE080] =	vst v32  }
0x41a: {  	s0 =	sor.u32 $0x2380, s0;
	v28 =	vadd.f32 v28, v17;
	v47 =	vld [tilespmem:s2+$0x4000];
	[smem:$0x7B8] =	sst s21  }
0x41b: {  	v25 =	vmul.f32 v27, v23;
	v27 =	vadd.f32 v34, v17;
	[dreg:$0x10] =	wrdreg s0  }
0x41c: {  	[tilespmem:s9+$0xE100] =	vst v28  }
0x41d: {  	[tilespmem:s9+$0xE180] =	vst v27  }
0x41e: {  	s22 =	sld [smem:$0x7B9];
	_ =	sdelay $0x2  }
0x41f: {  	s23 =	sor.u32 $0x2380, s24;
	s24 =	sor.u32 $0x2280, s22  }
0x420: {  	v48 =	vld [tilespmem:s8+$0x6000];
	v28 =	vadd.f32 v25, v24;
	s1 =	sor.u32 $0x2300, s22;
	[dreg:$0x17] =	wrdreg s24  }
0x421: {  	v33 =	vmul.f32 v58, v31;
	[dreg:$0xb] =	wrdreg s1  }
0x422: {  	s15 =	sor.u32 $0x2280, s18;
	[tilespmem:s5+$0xC000] =	vst v28  }
0x423: {  	v33 =	vadd.f32 v33, v15;
	s21 =	sor.u32 $0x2300, s18;
	s18 =	sor.u32 $0x2380, s18;
	v49 =	vld [tilespmem:s8+$0x6080];
	[dreg:$0x1e] =	wrdreg s15  }
0x424: {  	v35 =	vmul.f32 v52, v7;
	[dreg:$0xf] =	wrdreg s18  }
0x425: {  	s9 =	sor.u32 $0x2200, s22;
	s22 =	sor.u32 $0x2280, s31;
	v51 =	vld [tilespmem:s8+$0x6100];
	[tilespmem:s10+$0xC000] =	vst v33  }
0x426: {  	v35 =	vadd.f32 v35, v5;
	v27 =	vmul.f32 v54, v7;
	s24 =	sor.u32 $0x2380, s31;
	v54 =	vld [tilespmem:s8+$0x6180];
	[smem:$0x7BA] =	sst s22  }
0x427: {  	s1 =	smov.u32 s14;
	s14 =	simm.s32 $0x100;
	[dreg:$0x14] =	wrdreg s24  }
0x428: {  	s5 =	simm.s32 $0x100;
	s0 =	sor.u32 s14, s3;
	s10 =	sor.u32 $0x2200, s31;
	[tilespmem:s20+$0xE000] =	vst v35  }
0x429: {  	s15 =	sor.u32 $0x380, s0;
	v56 =	vld [tilespmem:s10+$0x4000];
	[dreg:$0x6] =	wrdreg s5  }
0x42a: {  	v52 =	vadd.f32 v27, v5;
	s0 =	sor.u32 $0x2380, s0;
	[smem:$0x7BB] =	sst s15  }
0x42b: {  	[dreg:$0x13] =	wrdreg s0  }
0x42c: {  	v28 =	vmul.f32 v50, v11;
	v50 =	vmul.f32 v55, v7;
	s18 =	sor.u32 $0x2200, s17;
	s22 =	sor.u32 $0x2300, s31;
	s31 =	sor.u32 $0x300, s12;
	[tilespmem:s20+$0xE080] =	vst v52  }
0x42d: {  	s5 =	sor.u32 $0x2280, s17;
	v58 =	vld [tilespmem:s31+$0x4000];
	[smem:$0x7BC] =	sst s18  }
0x42e: {  	v53 =	vmul.f32 v60, v7;
	s14 =	sor.u32 $0x2300, s17;
	v27 =	vadd.f32 v28, v9;
	v28 =	vadd.f32 v50, v5;
	[smem:$0x7BD] =	sst s5  }
0x42f: {  	[smem:$0x7BE] =	sst s14  }
0x430: {  	v57 =	vadd.f32 v53, v5;
	s7 =	sor.u32 $0x2380, s7;
	v55 =	vmul.f32 v47, v20;
	[tilespmem:s20+$0xE100] =	vst v28  }
0x431: {  	[dreg:$0x1c] =	wrdreg s7  }
0x432: {  	s24 =	sor.u32 $0x300, s17;
	v28 =	vadd.f32 v55, v19;
	v33 =	vld [tilespmem:s7+$0x4000];
	[tilespmem:s20+$0xE180] =	vst v57;
	s20 =	sor.u32 $0x2280, s4  }
0x433: {  	v46 =	vmul.f32 v26, v10;
	v26 =	vadd.f32 v36, v4;
	v59 =	vmul.f32 v48, v22;
	v36 =	vld [tilespmem:s24+$0x4000];
	[smem:$0x7BF] =	sst s20  }
0x434: {  	s15 =	sor.u32 $0x380, s4;
	[tilespmem:s2+$0xC000] =	vst v28;
	s2 =	sor.u32 $0x2300, s4  }
0x435: {  	v60 =	vadd.f32 v59, v21;
	v34 =	vmul.f32 v49, v22;
	s14 =	sor.u32 $0x2200, s4;
	s4 =	sor.u32 $0x2380, s4;
	[smem:$0x7C0] =	sst s2  }
0x436: {  	v37 =	vmul.f32 v62, v3;
	[smem:$0x7C1] =	sst s4  }
0x437: {  	s17 =	smov.u32 s16;
	v62 =	vadd.f32 v34, v21;
	s7 =	sor.u32 $0x2200, s12;
	v34 =	vld [tilespmem:s9+$0x4000];
	[tilespmem:s8+$0xE000] =	vst v60  }
0x438: {  	v40 =	vmul.f32 v61, v13;
	v30 =	vmul.f32 v63, v30;
	s16 =	smov.u32 s9;
	v28 =	vadd.f32 v37, v2;
	v37 =	vld [tilespmem:s15+$0x4000];
	s9 =	sor.u32 $0x2280, s12;
	[smem:$0x7C2] =	sst s7  }
0x439: {  	s28 =	smov.u32 s15;
	v61 =	vmul.f32 v51, v22;
	s15 =	sor.u32 $0x2300, s12;
	[smem:$0x7C3] =	sst s9  }
0x43a: {  	v32 =	vadd.f32 v40, v12;
	v30 =	vadd.f32 v30, v29;
	v63 =	vmul.f32 v54, v22;
	s20 =	sor.u32 $0x2380, s12;
	[smem:$0x7C4] =	sst s15  }
0x43b: {  	v25 =	vadd.f32 v46, v8;
	s18 =	sor.u32 $0x380, s12;
	v38 =	vadd.f32 v61, v21;
	[dreg:$0x19] =	wrdreg s20  }
0x43c: {  	v35 =	vmul.f32 v56, v18;
	v39 =	vadd.f32 v63, v21;
	v40 =	vmul.f32 v58, v23;
	s20 =	smov.u32 s6;
	s9 =	simm.s32 $0x10;
	s15 =	simm.s32 $0x10140;
	[tilespmem:s8+$0xE080] =	vst v62;
	v29 =	vld [tilespmem:s6+$0x4000]  }
.LBB2_9:
0x43d: {  	[smem:$0x793] =	sst s23  }
0x43e: {  	s0 =	rddreg [dreg:$0x8]  }
0x43f: {  	s7 =	rddreg [dreg:$0x6];
	s0 =	sadd.s32 $0x40, s0  }
0x440: {  	s7 =	sadd.s32 $0x40, s7;
	[dreg:$0x8] =	wrdreg s0  }
0x441: {  	s3 =	sadd.s32 $0x200, s3;
	[tilespmem:s8+$0xE100] =	vst v38;
	v33 =	vmul.f32 v33, v16;
	v40 =	vadd.f32 v40, v24;
	s12 =	smov.u32 s14;
	[dreg:$0x6] =	wrdreg s7  }
0x442: {  	v35 =	vadd.f32 v35, v17;
	v36 =	vmul.f32 v36, v31;
	[tilespmem:s8+$0xE180] =	vst v39;
	s2 =	sand.u32 $0x40, s7;
	s6 =	sand.u32 $0x380, s7;
	[smem:$0x798] =	sst s12  }
0x443: {  	s14 =	sand.u32 $0x1C00, s3;
	v49 =	vadd.f32 v33, v14;
	[tilespmem:s31+$0xC000] =	vst v40;
	s31 =	rddreg [dreg:$0x1e];
	s8 =	sor.u32 $0x30, s2;
	v48 =	vmul.f32 v34, v7  }
0x444: {  	v14 =	vmovc v9;
	v9 =	vmov v17;
	v50 =	vadd.f32 v36, v15;
	v17 =	vmov v24;
	s5 =	sor.u32 $0x10, s2;
	v24 =	vld [tilespmem:s18+$0x4000];
	[tilespmem:s10+$0xC000] =	vst v35;
	s10 =	sor.u32 $0x20, s2;
	s12 =	sor.u32 s6, s8  }
0x445: {  	[tilespmem:s19+$0xC000] =	vst v32;
	v47 =	vld [tilespmem:s0+$0x0];
	s0 =	sor.u32 s6, s5;
	s23 =	sor.u32 s6, s10;
	s6 =	sld [smem:$0x7C2];
	v53 =	vadd.f32 v48, v5  }
0x446: {  	v41 =	vld [tilespmem:s15+$0x0];
	s19 =	sor.u32 s14, s5;
	s8 =	sor.u32 s14, s8;
	[tilespmem:s24+$0xC000] =	vst v50;
	s24 =	sld [smem:$0x7BA]  }
0x447: {  	s10 =	sor.u32 s14, s10;
	[tilespmem:s16+$0xC000] =	vst v53;
	s16 =	sor.u32 s2, s14;
	s2 =	sld [smem:$0x7BC]  }
0x448: {  	s14 =	sor.u32 s7, s3;
	s7 =	smov.u32 s6;
	s6 =	sld [smem:$0x7B1]  }
0x449: {  	v32 =	vld [tilespmem:s12+$0x10000];
	[smem:$0x79E] =	sst s7  }
0x44a: {  	v33 =	vld [tilespmem:s12+$0x10400];
	s12 =	sor.u32 $0x380, s14;
	s7 =	rddreg [dreg:$0x17]  }
0x44b: {  	s14 =	sor.u32 $0x2380, s14;
	[smem:$0x796] =	sst s12  }
0x44c: {  	[smem:$0x792] =	sst s14  }
0x44d: {  	s14 =	sld [smem:$0x7BD]  }
0x44e: {  	v51 =	vmul.f32 v37, v20;
	s12 =	smov.u32 s7;
	s7 =	sld [smem:$0x7BF]  }
0x44f: {  	s5 =	smov.u32 s2;
	[smem:$0x794] =	sst s12  }
0x450: {  	v16 =	vmovc v11;
	v11 =	vmov v18;
	v18 =	vmov v23;
	v54 =	vadd.f32 v51, v19;
	s2 =	smov.u32 s21;
	[smem:$0x79F] =	sst s5  }
0x451: {  	v24 =	vmul.f32 v24, v18;
	[smem:$0x795] =	sst s2  }
0x452: {  	v52 =	vld [tilespmem:s31+$0x4000];
	[tilespmem:s28+$0xC000] =	vst v54;
	s5 =	sld [smem:$0x7C0]  }
0x453: {  	[tilespmem:s17+$0xC000] =	vst v25;
	v24 =	vadd.f32 v24, v17;
	s2 =	sld [smem:$0x7BE]  }
0x454: {  	v55 =	vld [tilespmem:s24+$0x4000];
	[tilespmem:s6+$0xC000] =	vst v27;
	s17 =	smov.u32 s14;
	s14 =	sld [smem:$0x7C4]  }
0x455: {  	s4 =	sor.u32 $0x2200, s26;
	[tilespmem:s18+$0xC000] =	vst v24;
	s18 =	sld [smem:$0x7C3]  }
0x456: {  	v23 =	vld [tilespmem:s4+$0x4000];
	s12 =	smov.u32 s7;
	[dreg:$0x17] =	wrdreg s17  }
0x457: {  	[dreg:$0x1e] =	wrdreg s12  }
0x458: {  	s12 =	sld [smem:$0x7B8];
	s6 =	smov.u32 s5  }
0x459: {  	v58 =	vmul.f32 v55, v11;
	[smem:$0x799] =	sst s6  }
0x45a: {  	s6 =	smov.u32 s22;
	s17 =	smov.u32 s14;
	s22 =	rddreg [dreg:$0xd]  }
0x45b: {  	v23 =	vmul.f32 v23, v22;
	v36 =	vadd.f32 v58, v9;
	s21 =	smov.u32 s18;
	[smem:$0x79C] =	sst s17  }
0x45c: {  	v29 =	vmul.f32 v29, v1;
	v57 =	vld [tilespmem:s8+$0x4000];
	[tilespmem:s1+$0xC000] =	vst v26;
	[smem:$0x7BA] =	sst s21  }
0x45d: {  	v26 =	vld [tilespmem:s8+$0x4080];
	v23 =	vadd.f32 v23, v21;
	s7 =	smov.u32 s2;
	[tilespmem:s24+$0xC000] =	vst v36;
	s24 =	rddreg [dreg:$0xb]  }
0x45e: {  	v56 =	vadd.f32 v29, v0;
	v29 =	vmul.f32 v52, v13;
	v25 =	vld [tilespmem:s8+$0x4100];
	[dreg:$0xb] =	wrdreg s7  }
0x45f: {  	p0 =	por !p0, !p0;
	v27 =	vld [tilespmem:s8+$0x4180];
	[tilespmem:s4+$0xC000] =	vst v23;
	s4 =	sor.u32 $0x2280, s26;
	s17 =	rddreg [dreg:$0xf]  }
0x460: {  	v29 =	vadd.f32 v29, v12;
	s21 =	smov.u32 s22;
	s22 =	sld [smem:$0x7C1];
	s1 =	smov.u32 s24  }
0x461: {  	s14 =	smov.u32 s12;
	[dreg:$0xd] =	wrdreg s1;
	s1 =	simm.s32 $0x1  }
0x462: {  	v23 =	vld [tilespmem:s4+$0x4000];
	[tilespmem:s31+$0xC000] =	vst v29;
	[smem:$0x79B] =	sst s14;
	s18 =	smov.u32 s17;
	s1 =	simm.s32 @!p0 $0x0  }
0x463: {  	v29 =	vld [tilespmem:s0+$0x10400];
	[smem:$0x7B8] =	sst s18;
	s24 =	smov.u32 s22;
	s1 =	sshll.u32 s1, $0x6  }
0x464: {  	v24 =	vld [tilespmem:s19+$0x4000];
	[dreg:$0xf] =	wrdreg s24;
	s17 =	sadd.s32 s1, s3  }
0x465: {  	[tilespmem:s30+$0xC000] =	vst v28;
	v59 =	vld [tilespmem:s19+$0x4080];
	s24 =	rddreg [dreg:$0x1c];
	s28 =	sadd.s32 $0x10, s17;
	s14 =	sor.u32 $0x280, s17  }
0x466: {  	v28 =	vld [tilespmem:s19+$0x4100];
	[tilespmem:s25+$0xC000] =	vst v30;
	s25 =	sor.u32 $0x280, s28;
	[smem:$0x79A] =	sst s14  }
0x467: {  	s18 =	sor.u32 $0x300, s28;
	[smem:$0x797] =	sst s25  }
0x468: {  	v26 =	vmul.f32 v26, v33;
	s30 =	sadd.s32 $0x20, s17;
	s14 =	sor.u32 $0x380, s28;
	[smem:$0x79D] =	sst s18  }
0x469: {  	[tilespmem:s20+$0xC000] =	vst v56;
	s20 =	sor.u32 $0x2200, s30;
	[smem:$0x7A0] =	sst s14  }
0x46a: {  	v35 =	vmul.f32 v57, v33;
	v25 =	vmul.f32 v25, v33;
	v30 =	vld [tilespmem:s19+$0x4180];
	v26 =	vadd.f32 v26, v32;
	[smem:$0x7C2] =	sst s20;
	s14 =	sor.u32 $0x2200, s17  }
0x46b: {  	v27 =	vmul.f32 v27, v33;
	v60 =	vmul.f32 v23, v22;
	v23 =	vld [tilespmem:s23+$0x10400];
	s2 =	sadd.s32 $0x30, s17;
	s20 =	sor.u32 $0x2280, s28;
	[smem:$0x7BC] =	sst s14  }
0x46c: {  	v35 =	vadd.f32 v35, v32;
	[tilespmem:s8+$0xC080] =	vst v26;
	v62 =	vld [tilespmem:s10+$0x4080];
	s5 =	sor.u32 $0x200, s17;
	[smem:$0x7BF] =	sst s20;
	s14 =	sor.u32 $0x2280, s30  }
0x46d: {  	v25 =	vadd.f32 v25, v32;
	v26 =	vadd.f32 v27, v32;
	v27 =	vmul.f32 v24, v29;
	v24 =	vld [tilespmem:s10+$0x4000];
	[tilespmem:s24+$0xC000] =	vst v49;
	s24 =	sor.u32 $0x300, s17;
	s20 =	sor.u32 $0x2280, s17;
	[smem:$0x7C3] =	sst s14  }
0x46e: {  	[tilespmem:s8+$0xC000] =	vst v35;
	v34 =	vld [tilespmem:s10+$0x4100];
	s22 =	sor.u32 $0x200, s28;
	[smem:$0x7BD] =	sst s20;
	s14 =	sor.u32 $0x2300, s28  }
0x46f: {  	[tilespmem:s8+$0xC100] =	vst v25;
	v25 =	vadd.f32 v60, v21;
	s7 =	sor.u32 $0x200, s2;
	s20 =	sor.u32 $0x2300, s30;
	[smem:$0x7C0] =	sst s14  }
0x470: {  	[tilespmem:s8+$0xC180] =	vst v26;
	s25 =	sor.u32 $0x2300, s26;
	s18 =	sor.u32 $0x2200, s28;
	[smem:$0x7C4] =	sst s20  }
0x471: {  	v26 =	vmul.f32 v28, v29;
	v28 =	vld [tilespmem:s7+$0x4000];
	[tilespmem:s4+$0xC000] =	vst v25;
	s14 =	sor.u32 $0x2300, s17;
	s17 =	sor.u32 $0x2380, s28;
	s28 =	rddreg [dreg:$0xa]  }
0x472: {  	v25 =	vmul.f32 v30, v29;
	v30 =	vld [tilespmem:s25+$0x4000];
	s20 =	rddreg [dreg:$0xc]  }
0x473: {  	v42 =	vmul.f32 v34, v23;
	v34 =	vld [tilespmem:s0+$0x10000];
	s0 =	rddreg [dreg:$0x13]  }
0x474: {  	s1 =	smov.u32 s3;
	[smem:$0x7BE] =	sst s14  }
0x475: {  	s3 =	smov.u32 s1;
	[smem:$0x7C1] =	sst s17  }
0x476: {  	v63 =	vmul.f32 v24, v23;
	v24 =	vld [tilespmem:s10+$0x4180];
	s14 =	smov.u32 s28;
	s28 =	smov.u32 s20;
	s20 =	rddreg [dreg:$0x10]  }
0x477: {  	v28 =	vmul.f32 v28, v33;
	s1 =	smov.u32 s20;
	s20 =	smov.u32 s0;
	s0 =	sld [smem:$0x792]  }
0x478: {  	v45 =	vld [tilespmem:s16+$0x4000];
	v30 =	vmul.f32 v30, v22;
	[dreg:$0xc] =	wrdreg s1  }
0x479: {  	v46 =	vld [tilespmem:s16+$0x4080];
	[dreg:$0x10] =	wrdreg s20;
	v28 =	vadd.f32 v28, v32  }
0x47a: {  	s17 =	sor.u32 $0x2380, s30;
	s1 =	sld [smem:$0x793];
	v30 =	vadd.f32 v30, v21  }
0x47b: {  	v43 =	vmul.f32 v24, v23;
	v24 =	vld [tilespmem:s23+$0x10000];
	s20 =	smov.u32 s0;
	s0 =	sor.u32 $0x280, s2;
	[tilespmem:s7+$0xC000] =	vst v28;
	s7 =	rddreg [dreg:$0x14]  }
0x47c: {  	v1 =	vmovc v3;
	v3 =	vmovc v6;
	v6 =	vmov v7;
	v7 =	vmov v31;
	v31 =	vmov v47;
	s23 =	smov.u32 s7;
	s7 =	rddreg [dreg:$0x19];
	v49 =	vld [tilespmem:s0+$0x4000];
	[tilespmem:s25+$0xC000] =	vst v30;
	s25 =	smov.u32 s17  }
0x47d: {  	v0 =	vmov v2;
	v47 =	vld [tilespmem:s16+$0x4100];
	v38 =	vmul.f32 v45, v31;
	[dreg:$0x19] =	wrdreg s25  }
0x47e: {  	v2 =	vmovc v4;
	v4 =	vmovc v5;
	v5 =	vmov v15;
	v15 =	vmov v41;
	v48 =	vld [tilespmem:s16+$0x4180];
	v28 =	vmul.f32 v46, v31;
	s25 =	sld [smem:$0x7BB]  }
0x47f: {  	v52 =	vld [tilespmem:s13+$0x6000];
	v30 =	vadd.f32 v38, v15  }
0x480: {  	v61 =	vmul.f32 v59, v29;
	v58 =	vld [tilespmem:s29+$0x6000];
	[dreg:$0x13] =	wrdreg s20;
	v28 =	vadd.f32 v28, v15  }
0x481: {  	v27 =	vadd.f32 v27, v34;
	s20 =	smov.u32 s1;
	s1 =	smov.u32 s7;
	s7 =	sor.u32 $0x2380, s26;
	v44 =	vld [tilespmem:s25+$0x4000];
	[tilespmem:s16+$0xC000] =	vst v30  }
0x482: {  	[dreg:$0x14] =	wrdreg s1;
	v51 =	vld [tilespmem:s7+$0x4000];
	v30 =	vadd.f32 v61, v34;
	[tilespmem:s16+$0xC080] =	vst v28  }
0x483: {  	v50 =	vmul.f32 v47, v31;
	v26 =	vadd.f32 v26, v34;
	s1 =	sld [smem:$0x794];
	v28 =	vld [tilespmem:s13+$0x6080];
	[tilespmem:s19+$0xC000] =	vst v27  }
0x484: {  	v25 =	vadd.f32 v25, v34;
	v54 =	vld [tilespmem:s13+$0x6100];
	[tilespmem:s19+$0xC080] =	vst v30  }
0x485: {  	v38 =	vadd.f32 v50, v15;
	v53 =	vmul.f32 v49, v33;
	v56 =	vld [tilespmem:s13+$0x6180];
	[tilespmem:s19+$0xC100] =	vst v26  }
0x486: {  	v36 =	vmul.f32 v62, v23;
	v27 =	vadd.f32 v63, v24;
	v47 =	vld [tilespmem:s1+$0x4000];
	[tilespmem:s19+$0xC180] =	vst v25  }
0x487: {  	[tilespmem:s16+$0xC100] =	vst v38;
	v26 =	vadd.f32 v53, v32;
	v45 =	vld [tilespmem:s22+$0x4000]  }
0x488: {  	v59 =	vld [tilespmem:s29+$0x6080];
	v36 =	vadd.f32 v36, v24;
	s26 =	smov.u32 s2;
	[tilespmem:s10+$0xC000] =	vst v27  }
0x489: {  	v41 =	vmul.f32 v48, v31;
	v30 =	vadd.f32 v42, v24;
	v46 =	vmul.f32 v51, v22;
	v63 =	vld [tilespmem:s29+$0x6100];
	[tilespmem:s0+$0xC000] =	vst v26;
	s0 =	sor.u32 $0x300, s26  }
0x48a: {  	v55 =	vadd.f32 v43, v24;
	[tilespmem:s10+$0xC080] =	vst v36;
	v57 =	vmul.f32 v44, v7;
	v61 =	vld [tilespmem:s0+$0x4000]  }
0x48b: {  	v41 =	vadd.f32 v41, v15;
	v60 =	vadd.f32 v46, v21;
	v46 =	vld [tilespmem:s29+$0x6180];
	[tilespmem:s10+$0xC100] =	vst v30  }
0x48c: {  	s12 =	sor.u32 $0x200, s30;
	[tilespmem:s10+$0xC180] =	vst v55;
	v26 =	vadd.f32 v57, v5;
	v48 =	vmul.f32 v45, v29  }
0x48d: {  	s17 =	sld [smem:$0x795];
	[tilespmem:s16+$0xC180] =	vst v41;
	v25 =	vmul.f32 v52, v20;
	v50 =	vld [tilespmem:s12+$0x4000]  }
0x48e: {  	v22 =	vmov v33;
	v52 =	vld [tilespmem:s5+$0x4000];
	v28 =	vmul.f32 v28, v20;
	[tilespmem:s25+$0xC000] =	vst v26;
	s25 =	sld [smem:$0x797];
	v40 =	vadd.f32 v48, v34  }
0x48f: {  	v21 =	vmov v32;
	v25 =	vadd.f32 v25, v19;
	[tilespmem:s7+$0xC000] =	vst v60;
	v32 =	vmul.f32 v61, v22  }
0x490: {  	v49 =	vld [tilespmem:s17+$0x4000];
	v62 =	vmul.f32 v54, v20;
	v27 =	vadd.f32 v28, v19;
	[tilespmem:s22+$0xC000] =	vst v40  }
0x491: {  	v28 =	vmul.f32 v56, v20;
	v32 =	vadd.f32 v32, v21;
	v40 =	vld [tilespmem:s25+$0x4000];
	[tilespmem:s13+$0xE000] =	vst v25  }
0x492: {  	v51 =	vld [tilespmem:s6+$0x4000];
	v33 =	vadd.f32 v62, v19;
	v38 =	vmul.f32 v50, v23;
	[tilespmem:s13+$0xE080] =	vst v27  }
0x493: {  	v44 =	vmul.f32 v58, v18;
	v28 =	vadd.f32 v28, v19;
	v53 =	vld [tilespmem:s11+$0x6000];
	[tilespmem:s0+$0xC000] =	vst v32;
	s0 =	sor.u32 $0x380, s26  }
0x494: {  	s2 =	sld [smem:$0x796];
	v57 =	vmul.f32 v52, v31;
	v38 =	vadd.f32 v38, v24;
	[tilespmem:s13+$0xE100] =	vst v33;
	v55 =	vld [tilespmem:s0+$0x4000]  }
0x495: {  	[smem:$0x7B1] =	sst s6;
	v30 =	vmul.f32 v59, v18;
	v36 =	vadd.f32 v44, v17;
	v56 =	vld [tilespmem:s11+$0x6080];
	[tilespmem:s13+$0xE180] =	vst v28  }
0x496: {  	s4 =	sor.u32 $0x280, s30;
	s6 =	sld [smem:$0x79A];
	v37 =	vmul.f32 v63, v18;
	v58 =	vld [tilespmem:s11+$0x6100];
	v28 =	vadd.f32 v57, v15;
	[tilespmem:s12+$0xC000] =	vst v38  }
0x497: {  	v30 =	vadd.f32 v30, v17;
	s7 =	smov.u32 s2;
	s13 =	smov.u32 s19;
	s19 =	sld [smem:$0x798];
	v63 =	vld [tilespmem:s4+$0x4000];
	[tilespmem:s29+$0xE000] =	vst v36;
	v61 =	vmul.f32 v40, v29  }
0x498: {  	[smem:$0x7BB] =	sst s7;
	v26 =	vmul.f32 v46, v18;
	v37 =	vadd.f32 v37, v17;
	v60 =	vld [tilespmem:s11+$0x6180];
	[tilespmem:s5+$0xC000] =	vst v28  }
0x499: {  	v35 =	vmul.f32 v47, v6;
	s7 =	sld [smem:$0x79B];
	[tilespmem:s29+$0xE080] =	vst v30;
	v47 =	vld [tilespmem:s6+$0x4000];
	v42 =	vmul.f32 v55, v22;
	v28 =	vadd.f32 v61, v34  }
0x49a: {  	v44 =	vadd.f32 v26, v17;
	v59 =	vmul.f32 v53, v7;
	s12 =	sld [smem:$0x79D];
	[tilespmem:s29+$0xE100] =	vst v37;
	v62 =	vld [tilespmem:s19+$0x4000]  }
0x49b: {  	v41 =	vmul.f32 v58, v7;
	v46 =	vld [tilespmem:s21+$0x4000];
	v42 =	vadd.f32 v42, v21;
	[tilespmem:s25+$0xC000] =	vst v28  }
0x49c: {  	v54 =	vmul.f32 v49, v13;
	v45 =	vmul.f32 v56, v7;
	[tilespmem:s29+$0xE180] =	vst v44;
	v33 =	vadd.f32 v59, v5;
	v48 =	vld [tilespmem:s7+$0x4000]  }
0x49d: {  	v27 =	vmul.f32 v51, v11;
	v41 =	vadd.f32 v41, v5;
	v51 =	vmul.f32 v63, v23;
	v49 =	vld [tilespmem:s12+$0x4000];
	[tilespmem:s0+$0xC000] =	vst v42  }
0x49e: {  	[tilespmem:s11+$0xE000] =	vst v33;
	v55 =	vmul.f32 v47, v31;
	v28 =	vadd.f32 v45, v5;
	v52 =	vld [tilespmem:s8+$0x6000]  }
0x49f: {  	v25 =	vadd.f32 v54, v12;
	v30 =	vmul.f32 v60, v7;
	s29 =	smov.u32 s10;
	s10 =	sld [smem:$0x79E];
	[tilespmem:s11+$0xE100] =	vst v41;
	v56 =	vadd.f32 v51, v24;
	v54 =	vld [tilespmem:s8+$0x6080]  }
0x4a0: {  	v59 =	vadd.f32 v55, v15;
	[tilespmem:s11+$0xE080] =	vst v28;
	v57 =	vld [tilespmem:s8+$0x6100]  }
0x4a1: {  	v53 =	vadd.f32 v30, v5;
	v30 =	vmul.f32 v46, v3;
	[tilespmem:s4+$0xC000] =	vst v56;
	v58 =	vld [tilespmem:s8+$0x6180]  }
0x4a2: {  	[smem:$0x7A1] =	sst s18;
	v26 =	vadd.f32 v35, v4;
	v61 =	vld [tilespmem:s10+$0x4000];
	[tilespmem:s6+$0xC000] =	vst v59  }
0x4a3: {  	s9 =	sadd.s32 $0x4, s9;
	s31 =	sor.u32 $0x300, s30;
	[dreg:$0x1c] =	wrdreg s20;
	v50 =	vmul.f32 v62, v20;
	v28 =	vadd.f32 v30, v2;
	v36 =	vld [tilespmem:s24+$0x4000];
	[tilespmem:s11+$0xE180] =	vst v53;
	v60 =	vmul.f32 v49, v29  }
0x4a4: {  	p1 =	slt.u32 s9, $0x3C;
	s11 =	smov.u32 s16;
	s16 =	sld [smem:$0x79F];
	v30 =	vmul.f32 v48, v10;
	v10 =	vmovc v13;
	v13 =	vmovc v20;
	v20 =	vmov v29;
	v29 =	vld [tilespmem:s31+$0x4000];
	v40 =	vmul.f32 v52, v22  }
.Ltmp6:
0x4a5: {  	v32 =	vadd.f32 v50, v19;
	v33 =	vld [tilespmem:s20+$0x4000];
	s20 =	sld [smem:$0x7A0];
	v35 =	vadd.f32 v60, v34;
	v37 =	vmul.f32 v54, v22;
	(pc) =	sbr.rel @p1 .LBB2_9-.Ltmp6, $4  }
0x4a6: {  	[dreg:$0xa] =	wrdreg s28;
	v30 =	vadd.f32 v30, v8;
	v8 =	vmovc v12;
	v38 =	vmul.f32 v57, v22;
	v40 =	vadd.f32 v40, v21  }
0x4a7: {  	s15 =	sadd.s32 $0x40, s15;
	s18 =	sor.u32 $0x380, s30;
	s22 =	sld [smem:$0x79C];
	v12 =	vmovc v19;
	v19 =	vmov v34;
	v63 =	vmul.f32 v58, v22;
	v34 =	vld [tilespmem:s16+$0x4000];
	[tilespmem:s12+$0xC000] =	vst v35;
	v62 =	vadd.f32 v37, v21  }
0x4a8: {  	s30 =	smov.u32 s21;
	v27 =	vadd.f32 v27, v9;
	s21 =	sld [smem:$0x799];
	s25 =	smov.u32 s7;
	v38 =	vadd.f32 v38, v21;
	v37 =	vld [tilespmem:s20+$0x4000];
	[tilespmem:s8+$0xE000] =	vst v40  }
0x4a9: {  	s28 =	smov.u32 s20;
	v35 =	vmul.f32 v61, v18;
	v39 =	vadd.f32 v63, v21;
	s20 =	smov.u32 s14;
	v40 =	vmul.f32 v29, v23;
	[tilespmem:s8+$0xE080] =	vst v62;
	v29 =	vld [tilespmem:s14+$0x4000];
	s14 =	sld [smem:$0x7A1]  }
0x4aa: {  	v36 =	vmul.f32 v36, v31  }
0x4ab: {  	[tilespmem:s8+$0xE100] =	vst v38;
	v40 =	vadd.f32 v40, v24  }
0x4ac: {  	[tilespmem:s8+$0xE180] =	vst v39;
	v36 =	vadd.f32 v36, v15  }
0x4ad: {  	[tilespmem:s31+$0xC000] =	vst v40  }
0x4ae: {  	v40 =	vld [tilespmem:s18+$0x4000];
	[tilespmem:s24+$0xC000] =	vst v36  }
0x4af: {  	v37 =	vmul.f32 v37, v20;
	s2 =	sld [smem:$0x7BB];
	_ =	sdelay $0x1  }
0x4b0: {  	v54 =	vadd.f32 v37, v19  }
0x4b1: {  	s0 =	sor.u32 $0x2200, s26;
	v55 =	vld [tilespmem:s2+$0x4000]  }
0x4b2: {  	v56 =	vld [tilespmem:s0+$0x4000];
	[tilespmem:s28+$0xC000] =	vst v54;
	v57 =	vmul.f32 v40, v23  }
0x4b3: {  	v58 =	vld [tilespmem:s13+$0x6000]  }
0x4b4: {  	v59 =	vld [tilespmem:s13+$0x6080];
	v38 =	vadd.f32 v57, v24  }
0x4b5: {  	v41 =	vld [tilespmem:s13+$0x6100]  }
0x4b6: {  	v60 =	vld [tilespmem:s13+$0x6180];
	[tilespmem:s18+$0xC000] =	vst v38;
	v37 =	vmul.f32 v55, v31  }
0x4b7: {  	v36 =	vmul.f32 v56, v22;
	v42 =	vld [tilespmem:s29+$0x6000]  }
0x4b8: {  	v39 =	vmul.f32 v58, v20;
	v43 =	vld [tilespmem:s29+$0x6080];
	v37 =	vadd.f32 v37, v15  }
0x4b9: {  	v36 =	vadd.f32 v36, v21;
	v40 =	vmul.f32 v59, v20;
	v44 =	vld [tilespmem:s29+$0x6100]  }
0x4ba: {  	v62 =	vmul.f32 v41, v20;
	v63 =	vld [tilespmem:s29+$0x6180];
	v61 =	vadd.f32 v39, v19;
	[tilespmem:s2+$0xC000] =	vst v37  }
0x4bb: {  	[tilespmem:s0+$0xC000] =	vst v36;
	v38 =	vmul.f32 v60, v20;
	v47 =	vadd.f32 v40, v19;
	v48 =	vld [tilespmem:s11+$0x6000]  }
0x4bc: {  	v39 =	vadd.f32 v62, v19;
	[tilespmem:s13+$0xE000] =	vst v61;
	v49 =	vld [tilespmem:s11+$0x6080];
	v42 =	vmul.f32 v42, v23  }
0x4bd: {  	v38 =	vadd.f32 v38, v19;
	[tilespmem:s13+$0xE080] =	vst v47;
	v50 =	vld [tilespmem:s11+$0x6100];
	v43 =	vmul.f32 v43, v23  }
0x4be: {  	[tilespmem:s13+$0xE100] =	vst v39;
	v51 =	vld [tilespmem:s11+$0x6180];
	v44 =	vmul.f32 v44, v23;
	v42 =	vadd.f32 v42, v24  }
0x4bf: {  	[tilespmem:s13+$0xE180] =	vst v38;
	v41 =	vmul.f32 v63, v23;
	v52 =	vadd.f32 v43, v24  }
0x4c0: {  	v53 =	vadd.f32 v44, v24;
	[tilespmem:s29+$0xE000] =	vst v42;
	v40 =	vmul.f32 v48, v31  }
0x4c1: {  	v41 =	vadd.f32 v41, v24;
	[tilespmem:s29+$0xE080] =	vst v52;
	v37 =	vmul.f32 v49, v31  }
0x4c2: {  	[tilespmem:s29+$0xE100] =	vst v53;
	v36 =	vmul.f32 v50, v31;
	v40 =	vadd.f32 v40, v15  }
0x4c3: {  	s24 =	sor.u32 $0x2280, s26;
	[tilespmem:s29+$0xE180] =	vst v41;
	v39 =	vmul.f32 v51, v31;
	v37 =	vadd.f32 v37, v15  }
0x4c4: {  	v54 =	vld [tilespmem:s24+$0x4000];
	v36 =	vadd.f32 v36, v15;
	[tilespmem:s11+$0xE000] =	vst v40  }
0x4c5: {  	v39 =	vadd.f32 v39, v15;
	[tilespmem:s11+$0xE080] =	vst v37  }
0x4c6: {  	s5 =	sld [smem:$0x7C2];
	[tilespmem:s11+$0xE100] =	vst v36  }
0x4c7: {  	[tilespmem:s11+$0xE180] =	vst v39  }
0x4c8: {  	v55 =	vld [tilespmem:s14+$0x4000];
	s4 =	sld [smem:$0x7BC]  }
0x4c9: {  	v56 =	vmul.f32 v54, v22;
	v57 =	vld [tilespmem:s5+$0x4000];
	_ =	sdelay $0x1  }
0x4ca: {  	v34 =	vmul.f32 v34, v7;
	v58 =	vadd.f32 v56, v21;
	v59 =	vld [tilespmem:s4+$0x4000]  }
0x4cb: {  	v60 =	vadd.f32 v35, v17;
	[tilespmem:s19+$0xC000] =	vst v32  }
0x4cc: {  	v34 =	vadd.f32 v34, v5;
	v62 =	vmul.f32 v55, v20;
	[tilespmem:s24+$0xC000] =	vst v58  }
0x4cd: {  	s2 =	rddreg [dreg:$0x1e];
	[tilespmem:s10+$0xC000] =	vst v60;
	v38 =	vmul.f32 v57, v23  }
0x4ce: {  	v36 =	vadd.f32 v62, v19;
	[tilespmem:s16+$0xC000] =	vst v34  }
0x4cf: {  	s3 =	sld [smem:$0x7BA];
	[tilespmem:s1+$0xC000] =	vst v26;
	v37 =	vmul.f32 v59, v31;
	v41 =	vadd.f32 v38, v24  }
0x4d0: {  	[tilespmem:s14+$0xC000] =	vst v36  }
0x4d1: {  	v44 =	vadd.f32 v37, v15;
	[tilespmem:s5+$0xC000] =	vst v41  }
0x4d2: {  	s28 =	sor.u32 $0x2300, s26;
	v61 =	vld [tilespmem:s2+$0x4000];
	s5 =	sld [smem:$0x7BF];
	[tilespmem:s17+$0xC000] =	vst v25  }
0x4d3: {  	v63 =	vld [tilespmem:s28+$0x4000];
	s6 =	sld [smem:$0x7C3];
	[tilespmem:s4+$0xC000] =	vst v44  }
0x4d4: {  	v40 =	vld [tilespmem:s3+$0x4000];
	s4 =	sld [smem:$0x7B1];
	_ =	sdelay $0x2  }
0x4d5: {  	v42 =	vmul.f32 v61, v13;
	s1 =	rddreg [dreg:$0x17];
	v43 =	vld [tilespmem:s5+$0x4000];
	[tilespmem:s4+$0xC000] =	vst v27  }
0x4d6: {  	v45 =	vmul.f32 v63, v22;
	v46 =	vld [tilespmem:s6+$0x4000];
	s4 =	sld [smem:$0x7BD]  }
0x4d7: {  	v26 =	vadd.f32 v42, v12;
	v34 =	vmul.f32 v40, v18;
	v47 =	vld [tilespmem:s1+$0x4000]  }
0x4d8: {  	v25 =	vadd.f32 v45, v21  }
0x4d9: {  	v49 =	vadd.f32 v34, v17;
	[tilespmem:s2+$0xC000] =	vst v26;
	v48 =	vld [tilespmem:s4+$0x4000]  }
0x4da: {  	[tilespmem:s28+$0xC000] =	vst v25;
	v50 =	vmul.f32 v43, v20  }
0x4db: {  	[tilespmem:s3+$0xC000] =	vst v49;
	v32 =	vmul.f32 v46, v23  }
0x4dc: {  	[tilespmem:s30+$0xC000] =	vst v28;
	v53 =	vmul.f32 v47, v7;
	v25 =	vadd.f32 v50, v19  }
0x4dd: {  	[tilespmem:s25+$0xC000] =	vst v30;
	v32 =	vadd.f32 v32, v24  }
0x4de: {  	s29 =	sor.u32 $0x2380, s26;
	v55 =	vadd.f32 v53, v5;
	[tilespmem:s5+$0xC000] =	vst v25;
	v27 =	vmul.f32 v48, v31  }
0x4df: {  	v51 =	vld [tilespmem:s29+$0x4000];
	s3 =	rddreg [dreg:$0xd];
	[tilespmem:s6+$0xC000] =	vst v32  }
0x4e0: {  	v16 =	vmul.f32 v33, v16;
	v52 =	vld [tilespmem:s21+$0x4000];
	s7 =	sld [smem:$0x7C0];
	[tilespmem:s1+$0xC000] =	vst v55;
	v27 =	vadd.f32 v27, v15  }
0x4e1: {  	v1 =	vmul.f32 v29, v1;
	v54 =	vld [tilespmem:s22+$0x4000];
	s6 =	sld [smem:$0x7C4]  }
0x4e2: {  	v14 =	vadd.f32 v16, v14;
	v56 =	vld [tilespmem:s3+$0x4000];
	[tilespmem:s4+$0xC000] =	vst v27  }
0x4e3: {  	v0 =	vadd.f32 v1, v0;
	v57 =	vld [tilespmem:s7+$0x4000];
	s1 =	rddreg [dreg:$0x1c]  }
0x4e4: {  	v58 =	vmul.f32 v51, v22;
	v59 =	vld [tilespmem:s6+$0x4000];
	s2 =	rddreg [dreg:$0xb];
	[tilespmem:s1+$0xC000] =	vst v14  }
0x4e5: {  	v60 =	vmul.f32 v52, v13;
	s5 =	sld [smem:$0x7BE];
	[tilespmem:s20+$0xC000] =	vst v0  }
0x4e6: {  	v62 =	vmul.f32 v54, v18;
	v61 =	vadd.f32 v58, v21;
	s8 =	sld [smem:$0x7B8]  }
0x4e7: {  	v30 =	vadd.f32 v60, v12;
	v33 =	vmul.f32 v56, v6;
	v25 =	vld [tilespmem:s2+$0x4000]  }
0x4e8: {  	v34 =	vadd.f32 v62, v17;
	[tilespmem:s29+$0xC000] =	vst v61;
	v36 =	vmul.f32 v57, v20;
	v63 =	vld [tilespmem:s5+$0x4000]  }
0x4e9: {  	v37 =	vadd.f32 v33, v4;
	[tilespmem:s21+$0xC000] =	vst v30;
	v22 =	vmul.f32 v59, v23;
	v32 =	vld [tilespmem:s8+$0x4000]  }
0x4ea: {  	s0 =	rddreg [dreg:$0xa];
	[tilespmem:s22+$0xC000] =	vst v34;
	v39 =	vadd.f32 v36, v19  }
0x4eb: {  	s1 =	rddreg [dreg:$0xf];
	[tilespmem:s3+$0xC000] =	vst v37;
	v41 =	vadd.f32 v22, v24  }
0x4ec: {  	v35 =	vld [tilespmem:s23+$0x4000];
	v25 =	vmul.f32 v25, v7;
	s4 =	rddreg [dreg:$0x14];
	[tilespmem:s7+$0xC000] =	vst v39  }
0x4ed: {  	v38 =	vld [tilespmem:s0+$0x4000];
	s3 =	rddreg [dreg:$0xc];
	[tilespmem:s6+$0xC000] =	vst v41;
	v21 =	vmul.f32 v63, v31  }
0x4ee: {  	v40 =	vld [tilespmem:s1+$0x4000];
	v43 =	vadd.f32 v25, v5;
	s7 =	sld [smem:$0x7C1];
	v1 =	vmul.f32 v32, v10  }
0x4ef: {  	v42 =	vld [tilespmem:s4+$0x4000];
	v47 =	vadd.f32 v21, v15  }
0x4f0: {  	v44 =	vld [tilespmem:s3+$0x4000];
	[tilespmem:s2+$0xC000] =	vst v43;
	v1 =	vadd.f32 v1, v8  }
0x4f1: {  	v45 =	vmul.f32 v35, v11;
	s6 =	rddreg [dreg:$0x19];
	v46 =	vld [tilespmem:s7+$0x4000];
	[tilespmem:s5+$0xC000] =	vst v47  }
0x4f2: {  	v3 =	vmul.f32 v38, v3;
	v48 =	vld [tilespmem:s6+$0x4000];
	s2 =	rddreg [dreg:$0x10];
	[tilespmem:s8+$0xC000] =	vst v1  }
0x4f3: {  	v0 =	vadd.f32 v45, v9;
	v49 =	vmul.f32 v40, v13;
	v10 =	vld [tilespmem:s2+$0x4000];
	s5 =	rddreg [dreg:$0x13]  }
0x4f4: {  	v50 =	vadd.f32 v3, v2;
	v51 =	vmul.f32 v42, v18;
	v52 =	vld [tilespmem:s5+$0x4000]  }
0x4f5: {  	v53 =	vadd.f32 v49, v12;
	v54 =	vmul.f32 v44, v6;
	[tilespmem:s23+$0xC000] =	vst v0  }
0x4f6: {  	v55 =	vadd.f32 v51, v17;
	[tilespmem:s0+$0xC000] =	vst v50;
	v56 =	vmul.f32 v46, v20  }
0x4f7: {  	[tilespmem:s1+$0xC000] =	vst v53;
	v57 =	vadd.f32 v54, v4;
	v58 =	vmul.f32 v48, v23  }
0x4f8: {  	[tilespmem:s4+$0xC000] =	vst v55;
	v59 =	vadd.f32 v56, v19;
	v60 =	vmul.f32 v10, v7  }
0x4f9: {  	[tilespmem:s3+$0xC000] =	vst v57;
	v61 =	vadd.f32 v58, v24;
	v3 =	vmul.f32 v52, v31  }
0x4fa: {  	[tilespmem:s7+$0xC000] =	vst v59;
	v62 =	vadd.f32 v60, v5  }
0x4fb: {  	[tilespmem:s6+$0xC000] =	vst v61;
	v63 =	vadd.f32 v3, v15  }
0x4fc: {  	[tilespmem:s2+$0xC000] =	vst v62  }
0x4fd: {  	s0 =	sld [smem:$0x7C5];
	[tilespmem:s5+$0xC000] =	vst v63  }
0x4fe: {  	s2 =	sld [smem:$0x7D5];
	_ =	sdelay $0x2  }
0x4ff: {  	p0 =	seq.s32 s2, $0xF  }
.Ltmp7:
0x500: {  	_ = 	snop;
	(pc) =	sbr.rel @p0 .LBB2_12-.Ltmp7, $4  }
0x501: {  	_ = 	snop  }
0x502: {  	s30 =	rddreg [dreg:$0x3];
	s0 =	sor.u32 $0x800, s0  }
0x503: {  	s31 =	simm.s32 $0xC000;
	s4 =	simm.s32 $0x0;
	s1 =	sadd.s32 s30, s0  }
0x504: {  	[hbm4b:s1+s4] =	stream.linear.scatter [tilespmem:s31], [sflag:$0x4], $0x4000, $0x38;
	[tilespmem:$0x10800] =	vst v63  }
.Ltmp8:
0x505: {  	s1 =	sld [smem:$0x7FC];
	(pc) =	sbr.rel .LBB2_2-.Ltmp8, $3  }
0x506: {  	_ =	sdelay $0x1  }
0x507: {  	s31 =	simm.s32 $0x4000;
	s2 =	sadd.s32 $0x1, s2;
	s0 =	sadd.s32 s0, s1  }
0x508: {  	[tilespmem:s31], [sflag:$0x2] =	stream.linear.gather [hbm4b:s0+s4], $0x4000, $0x38;
	[tilespmem:$0x10800] =	vst v63  }
.LBB2_13:
0x509: {  	_ =	sfence.sel $0x180000  }
0x50a: {  	[bflag:$0x0] =	sbarrier.arrive $0xFFFF  }
0x50b: {  	_ =	strace $0x90000047  }
0x50c: {  	s0 =	stileid.u32;
	[bflag:$0x2] =	sbarrier.arrive $0xFFFF  }
0x50d: {  	p0 =	sne.s32 s0, $0x0;
	s0 =	rddreg [dreg:$0x4]  }
0x50e: {  	s0 =	sadd.s32 @!p0 $0x100000, s0  }
0x50f: {  	[sflag:s0] =	ssyncadd.tile.s32 @!p0 $0x1;
	_ =	shalt  }
.Lfunc_end2:
_tile_overlayer_lowered:
.L_overlay_start_2:
0x510: {  	(tag) =	ssettag $0x2  }
0x511: {  	s0 =	rddreg [dreg:$0x0];
	s2 =	stileid.u32  }
0x512: {  	s1 =	rddreg [dreg:$0x1];
	p0 =	sne.s32 s2, $0x0  }
0x513: {  	s3 =	rddreg [dreg:$0x2];
	[bflag:$0x3] =	sbarrier.arrive $0xFFFF;
	s2 =	simm.s32 @!p0 $0x1C05  }
0x514: {  	[timem:s3], [sflag:s2] =	dma.local @!p0 [hbm:s0], s1  }
0x515: {  	s0 =	simm.s32 @!p0 $0x5  }
0x516: {  	_ =	swait.ge @!p0 [sflag:s0], s1  }
0x517: {  	s1 =	ssub.s32 @!p0 $0x0, s1;
	[sflag:s0] =	ssyncset.done @!p0 $0x0  }
0x518: {  	[sflag:s0] =	ssyncadd.s32 @!p0 s1  }
0x519: {  	[bflag:$0x3] =	sbarrier.arrive $0xFFFF  }
0x51a: {  	_ =	shalt  }

</sc_bundles>
